<compile_context>
chip_gen: v7x
topology: tpu7x:2x2x1
jax: 0.10.2.dev20260603
libtpu: 0.0.44.dev20260713+nightly
codegen_flags: <defaults>
</compile_context>

<pallas_src>
import jax
import jax.numpy as jnp
from jax import lax
from jax.experimental import pallas as pl
from jax.experimental.pallas import tpu as pltpu
from jax.experimental.pallas import tpu_sc as plsc

N = 10000
E = 320000
NPAD = 10240
NC = 2
NS = 16
NW = NC * NS
E_PER_W = E // NW
STG = 160
CHUNK = 400
NCHUNK = E_PER_W // CHUNK
ROWS_PER_TILE = NPAD // NS
RB = 512
GRID = NPAD // RB
DEGW = 8


def _sc_mesh():
    return plsc.VectorSubcoreMesh(core_axis_name="c", subcore_axis_name="s",
                                  num_cores=NC, num_subcores=NS)


def _sc_params():
    return pltpu.CompilerParams(use_tc_tiling_on_sc=False)


def _make_sc_agg(d, with_deg=False):
    nbuf = 2
    out_type = [jax.ShapeDtypeStruct((NC * NPAD, d), jnp.float32)]
    scratch = (
        [pltpu.VMEM((NCHUNK, CHUNK), jnp.int32)] * 2
        + [pltpu.VMEM((CHUNK, d), jnp.float32)] * nbuf
        + [pltpu.VMEM((STG, d), jnp.float32),
           pltpu.VMEM_SHARED((NPAD, d), jnp.float32)]
        + [pltpu.SemaphoreType.DMA] * nbuf
    )
    if with_deg:
        out_type.append(jax.ShapeDtypeStruct((NC * NPAD, DEGW), jnp.float32))
        scratch += [
            pltpu.VMEM((CHUNK, DEGW), jnp.float32),
            pltpu.VMEM((ROWS_PER_TILE, DEGW), jnp.float32),
            pltpu.VMEM_SHARED((NPAD, DEGW), jnp.float32),
        ]

    def body(y_hbm, src_hbm, dst_hbm, zrows_hbm, *rest):
        if with_deg:
            zdeg_hbm, ones_hbm, agg_hbm, deg_hbm = rest[:4]
            rest = rest[4:]
        else:
            agg_hbm = rest[0]
            rest = rest[1:]
        sidx, didx = rest[0], rest[1]
        bufs = rest[2:2 + nbuf]
        stage, acc = rest[2 + nbuf], rest[3 + nbuf]
        gsem = rest[4 + nbuf:4 + 2 * nbuf]
        if with_deg:
            onesb, dstage, dacc = rest[4 + 2 * nbuf:]
        cid = lax.axis_index("c")
        sid = lax.axis_index("s")
        wid = cid * NS + sid
        my_rows = pl.ds(sid * ROWS_PER_TILE, ROWS_PER_TILE)

        pltpu.sync_copy(zrows_hbm, stage)
        for q in range(ROWS_PER_TILE // STG):
            pltpu.sync_copy(
                stage, acc.at[pl.ds(sid * ROWS_PER_TILE + q * STG, STG)])
        if with_deg:
            pltpu.sync_copy(zdeg_hbm, dstage)
            pltpu.sync_copy(dstage, dacc.at[my_rows])
            pltpu.sync_copy(ones_hbm, onesb)
        cbase = pl.multiple_of(wid * NCHUNK, 8)
        pltpu.sync_copy(src_hbm.at[pl.ds(cbase, NCHUNK)], sidx)
        pltpu.sync_copy(dst_hbm.at[pl.ds(cbase, NCHUNK)], didx)
        plsc.subcore_barrier()

        def gather(c, b):
            pltpu.async_copy(y_hbm.at[sidx.at[c]], bufs[b], gsem[b])

        def gather_wait(c, b):
            pltpu.make_async_copy(y_hbm.at[sidx.at[c]], bufs[b], gsem[b]).wait()

        for b in range(nbuf):
            gather(b, b)

        def round_step(i, carry):
            c0 = i * nbuf
            for b in range(nbuf):
                c = c0 + b
                gather_wait(c, b)
                pltpu.sync_copy(bufs[b], acc.at[didx.at[c]], add=True)
                if with_deg:
                    pltpu.sync_copy(onesb, dacc.at[didx.at[c]], add=True)

                @pl.when(c + nbuf < NCHUNK)
                def _():
                    gather(c + nbuf, b)

            return carry

        lax.fori_loop(0, NCHUNK // nbuf, round_step, 0)
        for c in range(NCHUNK - NCHUNK % nbuf, NCHUNK):
            b = c % nbuf
            gather_wait(c, b)
            pltpu.sync_copy(bufs[b], acc.at[didx.at[c]], add=True)
            if with_deg:
                pltpu.sync_copy(onesb, dacc.at[didx.at[c]], add=True)
        plsc.subcore_barrier()

        obase = pl.multiple_of(cid * NPAD + sid * ROWS_PER_TILE, 8)
        for q in range(ROWS_PER_TILE // STG):
            pltpu.sync_copy(
                acc.at[pl.ds(sid * ROWS_PER_TILE + q * STG, STG)], stage)
            pltpu.sync_copy(stage, agg_hbm.at[pl.ds(obase + q * STG, STG)])
        if with_deg:
            pltpu.sync_copy(dacc.at[my_rows], dstage)
            pltpu.sync_copy(dstage, deg_hbm.at[pl.ds(obase, ROWS_PER_TILE)])

    return pl.kernel(body, out_type=out_type, mesh=_sc_mesh(),
                     scratch_types=scratch, compiler_params=_sc_params())



def _make_sc_deg():
    out_type = [jax.ShapeDtypeStruct((NC * NPAD, DEGW), jnp.float32)]
    scratch = [
        pltpu.VMEM((NCHUNK, CHUNK), jnp.int32),
        pltpu.VMEM((CHUNK, DEGW), jnp.float32),
        pltpu.VMEM((ROWS_PER_TILE, DEGW), jnp.float32),
        pltpu.VMEM_SHARED((NPAD, DEGW), jnp.float32),
        pltpu.SemaphoreType.DMA,
    ]

    def body(dst_hbm, zdeg_hbm, ones_hbm, deg_hbm,
             didx, onesb, dstage, dacc, sem):
        cid = lax.axis_index("c")
        sid = lax.axis_index("s")
        wid = cid * NS + sid
        my_rows = pl.ds(sid * ROWS_PER_TILE, ROWS_PER_TILE)

        pltpu.sync_copy(zdeg_hbm, dstage)
        pltpu.sync_copy(dstage, dacc.at[my_rows])
        pltpu.sync_copy(ones_hbm, onesb)
        cbase = pl.multiple_of(wid * NCHUNK, 8)
        pltpu.sync_copy(dst_hbm.at[pl.ds(cbase, NCHUNK)], didx)
        plsc.subcore_barrier()

        def fire(c, carry):
            pltpu.async_copy(onesb, dacc.at[didx.at[c]], sem, add=True)
            return carry

        def drain(c, carry):
            pltpu.make_async_copy(onesb, dacc.at[didx.at[c]], sem).wait()
            return carry

        lax.fori_loop(0, NCHUNK, fire, 0)
        lax.fori_loop(0, NCHUNK, drain, 0)
        plsc.subcore_barrier()

        obase = pl.multiple_of(cid * NPAD + sid * ROWS_PER_TILE, 8)
        pltpu.sync_copy(dacc.at[my_rows], dstage)
        pltpu.sync_copy(dstage, deg_hbm.at[pl.ds(obase, ROWS_PER_TILE)])

    return pl.kernel(body, out_type=out_type, mesh=_sc_mesh(),
                     scratch_types=scratch, compiler_params=_sc_params())


def _tc1(x_ref, wl_ref, wr_ref, b_ref, y1_ref, xr1_ref):
    xb = x_ref[...]
    y1_ref[...] = jnp.dot(xb, wl_ref[...], preferred_element_type=jnp.float32)
    xr1_ref[...] = (
        jnp.dot(xb, wr_ref[...], preferred_element_type=jnp.float32)
        + b_ref[...]
    )


def _tc2(a0_ref, a1_ref, d0_ref, d1_ref, xr_ref, h1_ref):
    agg = a0_ref[...] + a1_ref[...]
    deg = d0_ref[...][:, 0:1] + d1_ref[...][:, 0:1]
    h1_ref[...] = jnp.maximum(agg / jnp.maximum(deg, 1.0) + xr_ref[...], 0.0)


def _tc3(a0_ref, a1_ref, d0_ref, d1_ref, h1_ref, wl_ref, wr_ref, b_ref,
         w3_ref, b3_ref, out_ref):
    agg = a0_ref[...] + a1_ref[...]
    deg = d0_ref[...][:, 0:1] + d1_ref[...][:, 0:1]
    mean2 = agg / jnp.maximum(deg, 1.0)
    h1 = h1_ref[...]
    h2 = jnp.maximum(
        jnp.dot(mean2, wl_ref[...], preferred_element_type=jnp.float32)
        + jnp.dot(h1, wr_ref[...], preferred_element_type=jnp.float32)
        + b_ref[...], 0.0)
    out = jnp.dot(h2, w3_ref[...], preferred_element_type=jnp.float32) + b3_ref[...]
    out_ref[...] = jnp.maximum(out, 0.0)


def _row_spec(w):
    return pl.BlockSpec((RB, w), lambda i: (i, 0))


def _full_spec(shape):
    return pl.BlockSpec(shape, lambda i: tuple(0 for _ in shape))


def _split_specs(w):
    return (pl.BlockSpec((RB, w), lambda i: (i, 0)),
            pl.BlockSpec((RB, w), lambda i: (i + GRID, 0)))


def kernel(x, edge_index, W1_l, W1_r, b1, W2_l, W2_r, b2, W3, b3):
    src = edge_index[0].reshape(NW * NCHUNK, CHUNK)
    dst = edge_index[1].reshape(NW * NCHUNK, CHUNK)
    xpad = jnp.pad(x, ((0, NPAD - N), (0, 0)))

    zrows64 = jnp.zeros((STG, 64), jnp.float32)
    zdeg = jnp.zeros((ROWS_PER_TILE, DEGW), jnp.float32)
    ones = jnp.ones((CHUNK, DEGW), jnp.float32)

    (degp,) = _make_sc_deg()(dst, zdeg, ones)

    y1, xr1 = pl.pallas_call(
        _tc1,
        grid=(GRID,),
        in_specs=[_row_spec(128), _full_spec((128, 64)), _full_spec((128, 64)),
                  _full_spec((1, 64))],
        out_specs=[_row_spec(64), _row_spec(64)],
        out_shape=[jax.ShapeDtypeStruct((NPAD, 64), jnp.float32)] * 2,
    )(xpad, W1_l, W1_r, b1.reshape(1, 64))

    (agg1p,) = _make_sc_agg(64)(y1, src, dst, zrows64)

    a_specs = _split_specs(64)
    d_specs = _split_specs(DEGW)
    (h1,) = pl.pallas_call(
        _tc2,
        grid=(GRID,),
        in_specs=[a_specs[0], a_specs[1], d_specs[0], d_specs[1],
                  _row_spec(64)],
        out_specs=[_row_spec(64)],
        out_shape=[jax.ShapeDtypeStruct((NPAD, 64), jnp.float32)],
    )(agg1p, agg1p, degp, degp, xr1)

    (agg2p,) = _make_sc_agg(64)(h1, src, dst, zrows64)

    out = pl.pallas_call(
        _tc3,
        grid=(GRID,),
        in_specs=[a_specs[0], a_specs[1], d_specs[0], d_specs[1],
                  _row_spec(64), _full_spec((64, 32)), _full_spec((64, 32)),
                  _full_spec((1, 32)), _full_spec((32, 2)), _full_spec((1, 2))],
        out_specs=[_row_spec(2)],
        out_shape=[jax.ShapeDtypeStruct((NPAD, 2), jnp.float32)],
    )(agg2p, agg2p, degp, degp, h1, W2_l, W2_r, b2.reshape(1, 32),
      W3, b3.reshape(1, 2))[0]

    return out[:N]

# --- scband reference (transcript-rebuilt; emitter-appended) ---
"""Pipeline reference for scband-gcn-64828236366125 (READ-ONLY COPY).

The authoritative reference and input builder live on the scoring server;
editing this copy changes nothing except your own understanding.
"""

import jax, jax.numpy as jnp
import numpy as np

N_NODES = 10000
N_EDGES = 320000
D_IN = 128


def _sage_conv(x, src, dst, W_l, W_r, b, num_nodes):
    # PyG SAGEConv (mean aggregation): out = mean_neighbors(x) @ W_l + x @ W_r + b
    msg = x[src]
    agg = jax.ops.segment_sum(msg, dst, num_segments=num_nodes)
    deg = jax.ops.segment_sum(jnp.ones((src.shape[0], 1), x.dtype), dst, num_segments=num_nodes)
    mean = agg / jnp.maximum(deg, 1.0)
    return mean @ W_l + x @ W_r + b


def setup_inputs(seed: int = 0) -> dict:
    key = jax.random.key(seed)
    ks = jax.random.split(key, 10)
    x = jax.random.normal(ks[0], (N_NODES, D_IN), dtype=jnp.float32)
    edge_index = jax.random.randint(ks[1], (2, N_EDGES), 0, N_NODES, dtype=jnp.int32)
    # SAGEConv(128 -> 64)
    s1 = 1.0 / np.sqrt(D_IN)
    W1_l = jax.random.uniform(ks[2], (D_IN, 64), jnp.float32, -s1, s1)
    W1_r = jax.random.uniform(ks[3], (D_IN, 64), jnp.float32, -s1, s1)
    b1 = jnp.zeros((64,), jnp.float32)
    # SAGEConv(64 -> 32)
    s2 = 1.0 / np.sqrt(64)
    W2_l = jax.random.uniform(ks[4], (64, 32), jnp.float32, -s2, s2)
    W2_r = jax.random.uniform(ks[5], (64, 32), jnp.float32, -s2, s2)
    b2 = jnp.zeros((32,), jnp.float32)
    # Linear(32 -> 2)
    s3 = 1.0 / np.sqrt(32)
    W3 = jax.random.uniform(ks[6], (32, 2), jnp.float32, -s3, s3)
    b3 = jax.random.uniform(ks[7], (2,), jnp.float32, -s3, s3)
    return {"x": x, "edge_index": edge_index, "W1_l": W1_l, "W1_r": W1_r, "b1": b1,
            "W2_l": W2_l, "W2_r": W2_r, "b2": b2, "W3": W3, "b3": b3}


def reference(x, edge_index, W1_l, W1_r, b1, W2_l, W2_r, b2, W3, b3):
    src = edge_index[0]
    dst = edge_index[1]
    h = _sage_conv(x, src, dst, W1_l, W1_r, b1, N_NODES)
    h = jax.nn.relu(h)
    h = _sage_conv(h, src, dst, W2_l, W2_r, b2, N_NODES)
    h = jax.nn.relu(h)
    h = h @ W3 + b3
    h = jax.nn.relu(h)
    return h

if __name__ == "__main__":
    import jax
    _d = setup_inputs()
    print(jax.jit(kernel)(*tuple(_d.values())))

</pallas_src>

<mosaic_0001>
#map = affine_map<(d0, d1) -> (0, 0)>
module attributes {stable_mosaic.version = 14 : i64} {
  func.func @body(%arg0: i32, %arg1: i32, %arg2: memref<10240x64xf32, #tpu.memory_space<hbm>>, %arg3: memref<800x400xi32, #tpu.memory_space<hbm>>, %arg4: memref<800x400xi32, #tpu.memory_space<hbm>>, %arg5: memref<160x64xf32, #tpu.memory_space<hbm>>, %arg6: memref<20480x64xf32, #tpu.memory_space<hbm>>, %arg7: memref<25x400xi32, #tpu.memory_space<vmem>>, %arg8: memref<25x400xi32, #tpu.memory_space<vmem>>, %arg9: memref<400x64xf32, #tpu.memory_space<vmem>>, %arg10: memref<400x64xf32, #tpu.memory_space<vmem>>, %arg11: memref<160x64xf32, #tpu.memory_space<vmem>>, %arg12: memref<10240x64xf32, #tpu.memory_space<vmem_shared>>, %arg13: memref<!tpu.dma_semaphore, #tpu.memory_space<semaphore_mem>>, %arg14: memref<!tpu.dma_semaphore, #tpu.memory_space<semaphore_mem>>) attributes {dimension_semantics = [#tpu.dimension_semantics<core_parallel>, #tpu.dimension_semantics<subcore_parallel>], iteration_bounds = array<i64: 2, 16>, scalar_prefetch = 0 : i64, scratch_operands = 8 : i64, tpu.core_type = #tpu.core_type<sc_vector_subcore>, window_params = [{transform_indices = #map}, {transform_indices = #map}, {transform_indices = #map}, {transform_indices = #map}, {transform_indices = #map}]} {
    %mul3A = arith.constant 16 : i32
    %mul3A_0 = arith.muli %arg0, %mul3A : i32
    %add3A = arith.addi %mul3A_0, %arg1 : i32
    %mul3A_1 = arith.constant 640 : i32
    %mul3A_2 = arith.muli %arg1, %mul3A_1 : i32
    "tpu.region"() ({
      %run_scoped3A_76 = tpu.sem_alloc : memref<!tpu.dma_semaphore, #tpu.memory_space<semaphore_mem>>
      tpu.enqueue_dma source(%arg5 : memref<160x64xf32, #tpu.memory_space<hbm>>) target(%arg11 : memref<160x64xf32, #tpu.memory_space<vmem>>) target_semaphore(%run_scoped3A_76 : memref<!tpu.dma_semaphore, #tpu.memory_space<semaphore_mem>>)
      tpu.wait_dma2 semaphore(%run_scoped3A_76 : memref<!tpu.dma_semaphore, #tpu.memory_space<semaphore_mem>>) src(%arg5 : memref<160x64xf32, #tpu.memory_space<hbm>>) dst(%arg11 : memref<160x64xf32, #tpu.memory_space<vmem>>)
      tpu.yield
    }) : () -> ()
    %mul3A_3 = arith.constant 640 : i32
    %mul3A_4 = arith.muli %arg1, %mul3A_3 : i32
    %add3A_5 = arith.constant 0 : i32
    %add3A_6 = arith.addi %mul3A_4, %add3A_5 : i32
    "tpu.region"() ({
      %run_scoped3A_76 = tpu.sem_alloc : memref<!tpu.dma_semaphore, #tpu.memory_space<semaphore_mem>>
      %dma_start3A_77 = arith.constant 0 : i32
      %dma_start3A_78 = tpu.memref_slice %arg12[%add3A_6, %dma_start3A_77] : memref<10240x64xf32, #tpu.memory_space<vmem_shared>> -> memref<160x64xf32, #tpu.memory_space<vmem_shared>>
      %dma_start3A_79 = arith.constant 0 : i32
      %dma_start3A_80 = tpu.memref_slice %arg12[%add3A_6, %dma_start3A_79] : memref<10240x64xf32, #tpu.memory_space<vmem_shared>> -> memref<160x64xf32, #tpu.memory_space<vmem_shared>>
      tpu.enqueue_dma source(%arg11 : memref<160x64xf32, #tpu.memory_space<vmem>>) target(%dma_start3A_80 : memref<160x64xf32, #tpu.memory_space<vmem_shared>>) target_semaphore(%run_scoped3A_76 : memref<!tpu.dma_semaphore, #tpu.memory_space<semaphore_mem>>)
      %dma_wait3A_81 = arith.constant 0 : i32
      %dma_wait3A_82 = tpu.memref_slice %arg12[%add3A_6, %dma_wait3A_81] : memref<10240x64xf32, #tpu.memory_space<vmem_shared>> -> memref<160x64xf32, #tpu.memory_space<vmem_shared>>
      %dma_wait3A_83 = arith.constant 0 : i32
      %dma_wait3A_84 = tpu.memref_slice %arg12[%add3A_6, %dma_wait3A_83] : memref<10240x64xf32, #tpu.memory_space<vmem_shared>> -> memref<160x64xf32, #tpu.memory_space<vmem_shared>>
      tpu.wait_dma2 semaphore(%run_scoped3A_76 : memref<!tpu.dma_semaphore, #tpu.memory_space<semaphore_mem>>) src(%arg11 : memref<160x64xf32, #tpu.memory_space<vmem>>) dst(%dma_wait3A_84 : memref<160x64xf32, #tpu.memory_space<vmem_shared>>)
      tpu.yield
    }) : () -> ()
    %mul3A_7 = arith.constant 640 : i32
    %mul3A_8 = arith.muli %arg1, %mul3A_7 : i32
    %add3A_9 = arith.constant 160 : i32
    %add3A_10 = arith.addi %mul3A_8, %add3A_9 : i32
    "tpu.region"() ({
      %run_scoped3A_76 = tpu.sem_alloc : memref<!tpu.dma_semaphore, #tpu.memory_space<semaphore_mem>>
      %dma_start3A_77 = arith.constant 0 : i32
      %dma_start3A_78 = tpu.memref_slice %arg12[%add3A_10, %dma_start3A_77] : memref<10240x64xf32, #tpu.memory_space<vmem_shared>> -> memref<160x64xf32, #tpu.memory_space<vmem_shared>>
      %dma_start3A_79 = arith.constant 0 : i32
      %dma_start3A_80 = tpu.memref_slice %arg12[%add3A_10, %dma_start3A_79] : memref<10240x64xf32, #tpu.memory_space<vmem_shared>> -> memref<160x64xf32, #tpu.memory_space<vmem_shared>>
      tpu.enqueue_dma source(%arg11 : memref<160x64xf32, #tpu.memory_space<vmem>>) target(%dma_start3A_80 : memref<160x64xf32, #tpu.memory_space<vmem_shared>>) target_semaphore(%run_scoped3A_76 : memref<!tpu.dma_semaphore, #tpu.memory_space<semaphore_mem>>)
      %dma_wait3A_81 = arith.constant 0 : i32
      %dma_wait3A_82 = tpu.memref_slice %arg12[%add3A_10, %dma_wait3A_81] : memref<10240x64xf32, #tpu.memory_space<vmem_shared>> -> memref<160x64xf32, #tpu.memory_space<vmem_shared>>
      %dma_wait3A_83 = arith.constant 0 : i32
      %dma_wait3A_84 = tpu.memref_slice %arg12[%add3A_10, %dma_wait3A_83] : memref<10240x64xf32, #tpu.memory_space<vmem_shared>> -> memref<160x64xf32, #tpu.memory_space<vmem_shared>>
      tpu.wait_dma2 semaphore(%run_scoped3A_76 : memref<!tpu.dma_semaphore, #tpu.memory_space<semaphore_mem>>) src(%arg11 : memref<160x64xf32, #tpu.memory_space<vmem>>) dst(%dma_wait3A_84 : memref<160x64xf32, #tpu.memory_space<vmem_shared>>)
      tpu.yield
    }) : () -> ()
    %mul3A_11 = arith.constant 640 : i32
    %mul3A_12 = arith.muli %arg1, %mul3A_11 : i32
    %add3A_13 = arith.constant 320 : i32
    %add3A_14 = arith.addi %mul3A_12, %add3A_13 : i32
    "tpu.region"() ({
      %run_scoped3A_76 = tpu.sem_alloc : memref<!tpu.dma_semaphore, #tpu.memory_space<semaphore_mem>>
      %dma_start3A_77 = arith.constant 0 : i32
      %dma_start3A_78 = tpu.memref_slice %arg12[%add3A_14, %dma_start3A_77] : memref<10240x64xf32, #tpu.memory_space<vmem_shared>> -> memref<160x64xf32, #tpu.memory_space<vmem_shared>>
      %dma_start3A_79 = arith.constant 0 : i32
      %dma_start3A_80 = tpu.memref_slice %arg12[%add3A_14, %dma_start3A_79] : memref<10240x64xf32, #tpu.memory_space<vmem_shared>> -> memref<160x64xf32, #tpu.memory_space<vmem_shared>>
      tpu.enqueue_dma source(%arg11 : memref<160x64xf32, #tpu.memory_space<vmem>>) target(%dma_start3A_80 : memref<160x64xf32, #tpu.memory_space<vmem_shared>>) target_semaphore(%run_scoped3A_76 : memref<!tpu.dma_semaphore, #tpu.memory_space<semaphore_mem>>)
      %dma_wait3A_81 = arith.constant 0 : i32
      %dma_wait3A_82 = tpu.memref_slice %arg12[%add3A_14, %dma_wait3A_81] : memref<10240x64xf32, #tpu.memory_space<vmem_shared>> -> memref<160x64xf32, #tpu.memory_space<vmem_shared>>
      %dma_wait3A_83 = arith.constant 0 : i32
      %dma_wait3A_84 = tpu.memref_slice %arg12[%add3A_14, %dma_wait3A_83] : memref<10240x64xf32, #tpu.memory_space<vmem_shared>> -> memref<160x64xf32, #tpu.memory_space<vmem_shared>>
      tpu.wait_dma2 semaphore(%run_scoped3A_76 : memref<!tpu.dma_semaphore, #tpu.memory_space<semaphore_mem>>) src(%arg11 : memref<160x64xf32, #tpu.memory_space<vmem>>) dst(%dma_wait3A_84 : memref<160x64xf32, #tpu.memory_space<vmem_shared>>)
      tpu.yield
    }) : () -> ()
    %mul3A_15 = arith.constant 640 : i32
    %mul3A_16 = arith.muli %arg1, %mul3A_15 : i32
    %add3A_17 = arith.constant 480 : i32
    %add3A_18 = arith.addi %mul3A_16, %add3A_17 : i32
    "tpu.region"() ({
      %run_scoped3A_76 = tpu.sem_alloc : memref<!tpu.dma_semaphore, #tpu.memory_space<semaphore_mem>>
      %dma_start3A_77 = arith.constant 0 : i32
      %dma_start3A_78 = tpu.memref_slice %arg12[%add3A_18, %dma_start3A_77] : memref<10240x64xf32, #tpu.memory_space<vmem_shared>> -> memref<160x64xf32, #tpu.memory_space<vmem_shared>>
      %dma_start3A_79 = arith.constant 0 : i32
      %dma_start3A_80 = tpu.memref_slice %arg12[%add3A_18, %dma_start3A_79] : memref<10240x64xf32, #tpu.memory_space<vmem_shared>> -> memref<160x64xf32, #tpu.memory_space<vmem_shared>>
      tpu.enqueue_dma source(%arg11 : memref<160x64xf32, #tpu.memory_space<vmem>>) target(%dma_start3A_80 : memref<160x64xf32, #tpu.memory_space<vmem_shared>>) target_semaphore(%run_scoped3A_76 : memref<!tpu.dma_semaphore, #tpu.memory_space<semaphore_mem>>)
      %dma_wait3A_81 = arith.constant 0 : i32
      %dma_wait3A_82 = tpu.memref_slice %arg12[%add3A_18, %dma_wait3A_81] : memref<10240x64xf32, #tpu.memory_space<vmem_shared>> -> memref<160x64xf32, #tpu.memory_space<vmem_shared>>
      %dma_wait3A_83 = arith.constant 0 : i32
      %dma_wait3A_84 = tpu.memref_slice %arg12[%add3A_18, %dma_wait3A_83] : memref<10240x64xf32, #tpu.memory_space<vmem_shared>> -> memref<160x64xf32, #tpu.memory_space<vmem_shared>>
      tpu.wait_dma2 semaphore(%run_scoped3A_76 : memref<!tpu.dma_semaphore, #tpu.memory_space<semaphore_mem>>) src(%arg11 : memref<160x64xf32, #tpu.memory_space<vmem>>) dst(%dma_wait3A_84 : memref<160x64xf32, #tpu.memory_space<vmem_shared>>)
      tpu.yield
    }) : () -> ()
    %mul3A_19 = arith.constant 25 : i32
    %mul3A_20 = arith.muli %add3A, %mul3A_19 : i32
    %multiple_of3A = tpu.assume_multiple %mul3A_20, 8 : i32
    "tpu.region"() ({
      %run_scoped3A_76 = tpu.sem_alloc : memref<!tpu.dma_semaphore, #tpu.memory_space<semaphore_mem>>
      %dma_start3A_77 = arith.constant 0 : i32
      %dma_start3A_78 = tpu.memref_slice %arg3[%multiple_of3A, %dma_start3A_77] : memref<800x400xi32, #tpu.memory_space<hbm>> -> memref<25x400xi32, #tpu.memory_space<hbm>>
      %dma_start3A_79 = arith.constant 0 : i32
      %dma_start3A_80 = tpu.memref_slice %arg3[%multiple_of3A, %dma_start3A_79] : memref<800x400xi32, #tpu.memory_space<hbm>> -> memref<25x400xi32, #tpu.memory_space<hbm>>
      tpu.enqueue_dma source(%dma_start3A_80 : memref<25x400xi32, #tpu.memory_space<hbm>>) target(%arg7 : memref<25x400xi32, #tpu.memory_space<vmem>>) target_semaphore(%run_scoped3A_76 : memref<!tpu.dma_semaphore, #tpu.memory_space<semaphore_mem>>)
      %dma_wait3A_81 = arith.constant 0 : i32
      %dma_wait3A_82 = tpu.memref_slice %arg3[%multiple_of3A, %dma_wait3A_81] : memref<800x400xi32, #tpu.memory_space<hbm>> -> memref<25x400xi32, #tpu.memory_space<hbm>>
      %dma_wait3A_83 = arith.constant 0 : i32
      %dma_wait3A_84 = tpu.memref_slice %arg3[%multiple_of3A, %dma_wait3A_83] : memref<800x400xi32, #tpu.memory_space<hbm>> -> memref<25x400xi32, #tpu.memory_space<hbm>>
      tpu.wait_dma2 semaphore(%run_scoped3A_76 : memref<!tpu.dma_semaphore, #tpu.memory_space<semaphore_mem>>) src(%dma_wait3A_84 : memref<25x400xi32, #tpu.memory_space<hbm>>) dst(%arg7 : memref<25x400xi32, #tpu.memory_space<vmem>>)
      tpu.yield
    }) : () -> ()
    "tpu.region"() ({
      %run_scoped3A_76 = tpu.sem_alloc : memref<!tpu.dma_semaphore, #tpu.memory_space<semaphore_mem>>
      %dma_start3A_77 = arith.constant 0 : i32
      %dma_start3A_78 = tpu.memref_slice %arg4[%multiple_of3A, %dma_start3A_77] : memref<800x400xi32, #tpu.memory_space<hbm>> -> memref<25x400xi32, #tpu.memory_space<hbm>>
      %dma_start3A_79 = arith.constant 0 : i32
      %dma_start3A_80 = tpu.memref_slice %arg4[%multiple_of3A, %dma_start3A_79] : memref<800x400xi32, #tpu.memory_space<hbm>> -> memref<25x400xi32, #tpu.memory_space<hbm>>
      tpu.enqueue_dma source(%dma_start3A_80 : memref<25x400xi32, #tpu.memory_space<hbm>>) target(%arg8 : memref<25x400xi32, #tpu.memory_space<vmem>>) target_semaphore(%run_scoped3A_76 : memref<!tpu.dma_semaphore, #tpu.memory_space<semaphore_mem>>)
      %dma_wait3A_81 = arith.constant 0 : i32
      %dma_wait3A_82 = tpu.memref_slice %arg4[%multiple_of3A, %dma_wait3A_81] : memref<800x400xi32, #tpu.memory_space<hbm>> -> memref<25x400xi32, #tpu.memory_space<hbm>>
      %dma_wait3A_83 = arith.constant 0 : i32
      %dma_wait3A_84 = tpu.memref_slice %arg4[%multiple_of3A, %dma_wait3A_83] : memref<800x400xi32, #tpu.memory_space<hbm>> -> memref<25x400xi32, #tpu.memory_space<hbm>>
      tpu.wait_dma2 semaphore(%run_scoped3A_76 : memref<!tpu.dma_semaphore, #tpu.memory_space<semaphore_mem>>) src(%dma_wait3A_84 : memref<25x400xi32, #tpu.memory_space<hbm>>) dst(%arg8 : memref<25x400xi32, #tpu.memory_space<vmem>>)
      tpu.yield
    }) : () -> ()
    %barrier3A = arith.constant 0 : index
    tpu.barrier barrier_id(%barrier3A)
    %dma_start3A = arith.constant 0 : i32
    %dma_start3A_21 = arith.constant 0 : i32
    %dma_start3A_22 = tpu.memref_slice %arg7[%dma_start3A, %dma_start3A_21] : memref<25x400xi32, #tpu.memory_space<vmem>> -> memref<1x400xi32, #tpu.memory_space<vmem>>
    %dma_start3A_23 = tpu.memref_squeeze %dma_start3A_22 : memref<1x400xi32, #tpu.memory_space<vmem>> -> memref<400xi32, #tpu.memory_space<vmem>>
    %dma_start3A_24 = arith.constant 0 : i32
    %dma_start3A_25 = arith.constant 0 : i32
    %dma_start3A_26 = tpu.memref_slice %arg2[%dma_start3A_24, %dma_start3A_25] : memref<10240x64xf32, #tpu.memory_space<hbm>> -> memref<10240x64xf32, #tpu.memory_space<hbm>>
    tpu.enqueue_indirect_dma source(%dma_start3A_26 : memref<10240x64xf32, #tpu.memory_space<hbm>>) target(%arg9 : memref<400x64xf32, #tpu.memory_space<vmem>>) offsets(%dma_start3A_23 : memref<400xi32, #tpu.memory_space<vmem>>) semaphore(%arg13 : memref<!tpu.dma_semaphore, #tpu.memory_space<semaphore_mem>>)
    %dma_start3A_27 = arith.constant 1 : i32
    %dma_start3A_28 = arith.constant 0 : i32
    %dma_start3A_29 = tpu.memref_slice %arg7[%dma_start3A_27, %dma_start3A_28] : memref<25x400xi32, #tpu.memory_space<vmem>> -> memref<1x400xi32, #tpu.memory_space<vmem>>
    %dma_start3A_30 = tpu.memref_squeeze %dma_start3A_29 : memref<1x400xi32, #tpu.memory_space<vmem>> -> memref<400xi32, #tpu.memory_space<vmem>>
    %dma_start3A_31 = arith.constant 0 : i32
    %dma_start3A_32 = arith.constant 0 : i32
    %dma_start3A_33 = tpu.memref_slice %arg2[%dma_start3A_31, %dma_start3A_32] : memref<10240x64xf32, #tpu.memory_space<hbm>> -> memref<10240x64xf32, #tpu.memory_space<hbm>>
    tpu.enqueue_indirect_dma source(%dma_start3A_33 : memref<10240x64xf32, #tpu.memory_space<hbm>>) target(%arg10 : memref<400x64xf32, #tpu.memory_space<vmem>>) offsets(%dma_start3A_30 : memref<400xi32, #tpu.memory_space<vmem>>) semaphore(%arg14 : memref<!tpu.dma_semaphore, #tpu.memory_space<semaphore_mem>>)
    %scan3A = arith.constant 0 : i32
    %scan3A_34 = arith.constant 0 : i32
    %scan3A_35 = arith.constant 12 : i32
    %scan3A_36 = arith.addi %scan3A_34, %scan3A_35 : i32
    %scan3A_37 = arith.constant 1 : i32
    scf.for %scan3A_76 = %scan3A_34 to %scan3A_36 step %scan3A_37  : i32 {
      %mul3A_77 = arith.constant 2 : i32
      %mul3A_78 = arith.muli %scan3A_76, %mul3A_77 : i32
      %add3A_79 = arith.constant 0 : i32
      %add3A_80 = arith.addi %mul3A_78, %add3A_79 : i32
      %dma_wait3A_81 = arith.constant 0 : i32
      %dma_wait3A_82 = tpu.memref_slice %arg7[%add3A_80, %dma_wait3A_81] : memref<25x400xi32, #tpu.memory_space<vmem>> -> memref<1x400xi32, #tpu.memory_space<vmem>>
      %dma_wait3A_83 = tpu.memref_squeeze %dma_wait3A_82 : memref<1x400xi32, #tpu.memory_space<vmem>> -> memref<400xi32, #tpu.memory_space<vmem>>
      %dma_wait3A_84 = arith.constant 0 : i32
      %dma_wait3A_85 = arith.constant 0 : i32
      %dma_wait3A_86 = tpu.memref_slice %arg2[%dma_wait3A_84, %dma_wait3A_85] : memref<10240x64xf32, #tpu.memory_space<hbm>> -> memref<10240x64xf32, #tpu.memory_space<hbm>>
      tpu.wait_indirect_dma semaphore(%arg13 : memref<!tpu.dma_semaphore, #tpu.memory_space<semaphore_mem>>) src(%dma_wait3A_86 : memref<10240x64xf32, #tpu.memory_space<hbm>>) dst(%arg9 : memref<400x64xf32, #tpu.memory_space<vmem>>)
      "tpu.region"() ({
        %run_scoped3A_106 = tpu.sem_alloc : memref<!tpu.dma_semaphore, #tpu.memory_space<semaphore_mem>>
        %dma_start3A_107 = arith.constant 0 : i32
        %dma_start3A_108 = tpu.memref_slice %arg8[%add3A_80, %dma_start3A_107] : memref<25x400xi32, #tpu.memory_space<vmem>> -> memref<1x400xi32, #tpu.memory_space<vmem>>
        %dma_start3A_109 = tpu.memref_squeeze %dma_start3A_108 : memref<1x400xi32, #tpu.memory_space<vmem>> -> memref<400xi32, #tpu.memory_space<vmem>>
        %dma_start3A_110 = arith.constant 0 : i32
        %dma_start3A_111 = arith.constant 0 : i32
        %dma_start3A_112 = tpu.memref_slice %arg12[%dma_start3A_110, %dma_start3A_111] : memref<10240x64xf32, #tpu.memory_space<vmem_shared>> -> memref<10240x64xf32, #tpu.memory_space<vmem_shared>>
        tpu.enqueue_indirect_dma source(%arg9 : memref<400x64xf32, #tpu.memory_space<vmem>>) target(%dma_start3A_112 : memref<10240x64xf32, #tpu.memory_space<vmem_shared>>) offsets(%dma_start3A_109 : memref<400xi32, #tpu.memory_space<vmem>>) semaphore(%run_scoped3A_106 : memref<!tpu.dma_semaphore, #tpu.memory_space<semaphore_mem>>) {add = true}
        %dma_wait3A_113 = arith.constant 0 : i32
        %dma_wait3A_114 = tpu.memref_slice %arg8[%add3A_80, %dma_wait3A_113] : memref<25x400xi32, #tpu.memory_space<vmem>> -> memref<1x400xi32, #tpu.memory_space<vmem>>
        %dma_wait3A_115 = tpu.memref_squeeze %dma_wait3A_114 : memref<1x400xi32, #tpu.memory_space<vmem>> -> memref<400xi32, #tpu.memory_space<vmem>>
        %dma_wait3A_116 = arith.constant 0 : i32
        %dma_wait3A_117 = arith.constant 0 : i32
        %dma_wait3A_118 = tpu.memref_slice %arg12[%dma_wait3A_116, %dma_wait3A_117] : memref<10240x64xf32, #tpu.memory_space<vmem_shared>> -> memref<10240x64xf32, #tpu.memory_space<vmem_shared>>
        tpu.wait_indirect_dma semaphore(%run_scoped3A_106 : memref<!tpu.dma_semaphore, #tpu.memory_space<semaphore_mem>>) src(%arg9 : memref<400x64xf32, #tpu.memory_space<vmem>>) dst(%dma_wait3A_118 : memref<10240x64xf32, #tpu.memory_space<vmem_shared>>)
        tpu.yield
      }) : () -> ()
      %add3A_87 = arith.constant 2 : i32
      %add3A_88 = arith.addi %add3A_80, %add3A_87 : i32
      %lt3A = arith.constant 25 : i32
      %lt3A_89 = arith.cmpi slt, %add3A_88, %lt3A : i32
      %convert_element_type3A = arith.extui %lt3A_89 : i1 to i32
      %cond3A = arith.constant 0 : i32
      %cond3A_90 = arith.cmpi ne, %convert_element_type3A, %cond3A : i32
      scf.if %cond3A_90 {
        %add3A_106 = arith.constant 2 : i32
        %add3A_107 = arith.addi %add3A_80, %add3A_106 : i32
        %dma_start3A_108 = arith.constant 0 : i32
        %dma_start3A_109 = tpu.memref_slice %arg7[%add3A_107, %dma_start3A_108] : memref<25x400xi32, #tpu.memory_space<vmem>> -> memref<1x400xi32, #tpu.memory_space<vmem>>
        %dma_start3A_110 = tpu.memref_squeeze %dma_start3A_109 : memref<1x400xi32, #tpu.memory_space<vmem>> -> memref<400xi32, #tpu.memory_space<vmem>>
        %dma_start3A_111 = arith.constant 0 : i32
        %dma_start3A_112 = arith.constant 0 : i32
        %dma_start3A_113 = tpu.memref_slice %arg2[%dma_start3A_111, %dma_start3A_112] : memref<10240x64xf32, #tpu.memory_space<hbm>> -> memref<10240x64xf32, #tpu.memory_space<hbm>>
        tpu.enqueue_indirect_dma source(%dma_start3A_113 : memref<10240x64xf32, #tpu.memory_space<hbm>>) target(%arg9 : memref<400x64xf32, #tpu.memory_space<vmem>>) offsets(%dma_start3A_110 : memref<400xi32, #tpu.memory_space<vmem>>) semaphore(%arg13 : memref<!tpu.dma_semaphore, #tpu.memory_space<semaphore_mem>>)
      } else {
      }
      %add3A_91 = arith.constant 1 : i32
      %add3A_92 = arith.addi %mul3A_78, %add3A_91 : i32
      %dma_wait3A_93 = arith.constant 0 : i32
      %dma_wait3A_94 = tpu.memref_slice %arg7[%add3A_92, %dma_wait3A_93] : memref<25x400xi32, #tpu.memory_space<vmem>> -> memref<1x400xi32, #tpu.memory_space<vmem>>
      %dma_wait3A_95 = tpu.memref_squeeze %dma_wait3A_94 : memref<1x400xi32, #tpu.memory_space<vmem>> -> memref<400xi32, #tpu.memory_space<vmem>>
      %dma_wait3A_96 = arith.constant 0 : i32
      %dma_wait3A_97 = arith.constant 0 : i32
      %dma_wait3A_98 = tpu.memref_slice %arg2[%dma_wait3A_96, %dma_wait3A_97] : memref<10240x64xf32, #tpu.memory_space<hbm>> -> memref<10240x64xf32, #tpu.memory_space<hbm>>
      tpu.wait_indirect_dma semaphore(%arg14 : memref<!tpu.dma_semaphore, #tpu.memory_space<semaphore_mem>>) src(%dma_wait3A_98 : memref<10240x64xf32, #tpu.memory_space<hbm>>) dst(%arg10 : memref<400x64xf32, #tpu.memory_space<vmem>>)
      "tpu.region"() ({
        %run_scoped3A_106 = tpu.sem_alloc : memref<!tpu.dma_semaphore, #tpu.memory_space<semaphore_mem>>
        %dma_start3A_107 = arith.constant 0 : i32
        %dma_start3A_108 = tpu.memref_slice %arg8[%add3A_92, %dma_start3A_107] : memref<25x400xi32, #tpu.memory_space<vmem>> -> memref<1x400xi32, #tpu.memory_space<vmem>>
        %dma_start3A_109 = tpu.memref_squeeze %dma_start3A_108 : memref<1x400xi32, #tpu.memory_space<vmem>> -> memref<400xi32, #tpu.memory_space<vmem>>
        %dma_start3A_110 = arith.constant 0 : i32
        %dma_start3A_111 = arith.constant 0 : i32
        %dma_start3A_112 = tpu.memref_slice %arg12[%dma_start3A_110, %dma_start3A_111] : memref<10240x64xf32, #tpu.memory_space<vmem_shared>> -> memref<10240x64xf32, #tpu.memory_space<vmem_shared>>
        tpu.enqueue_indirect_dma source(%arg10 : memref<400x64xf32, #tpu.memory_space<vmem>>) target(%dma_start3A_112 : memref<10240x64xf32, #tpu.memory_space<vmem_shared>>) offsets(%dma_start3A_109 : memref<400xi32, #tpu.memory_space<vmem>>) semaphore(%run_scoped3A_106 : memref<!tpu.dma_semaphore, #tpu.memory_space<semaphore_mem>>) {add = true}
        %dma_wait3A_113 = arith.constant 0 : i32
        %dma_wait3A_114 = tpu.memref_slice %arg8[%add3A_92, %dma_wait3A_113] : memref<25x400xi32, #tpu.memory_space<vmem>> -> memref<1x400xi32, #tpu.memory_space<vmem>>
        %dma_wait3A_115 = tpu.memref_squeeze %dma_wait3A_114 : memref<1x400xi32, #tpu.memory_space<vmem>> -> memref<400xi32, #tpu.memory_space<vmem>>
        %dma_wait3A_116 = arith.constant 0 : i32
        %dma_wait3A_117 = arith.constant 0 : i32
        %dma_wait3A_118 = tpu.memref_slice %arg12[%dma_wait3A_116, %dma_wait3A_117] : memref<10240x64xf32, #tpu.memory_space<vmem_shared>> -> memref<10240x64xf32, #tpu.memory_space<vmem_shared>>
        tpu.wait_indirect_dma semaphore(%run_scoped3A_106 : memref<!tpu.dma_semaphore, #tpu.memory_space<semaphore_mem>>) src(%arg10 : memref<400x64xf32, #tpu.memory_space<vmem>>) dst(%dma_wait3A_118 : memref<10240x64xf32, #tpu.memory_space<vmem_shared>>)
        tpu.yield
      }) : () -> ()
      %add3A_99 = arith.constant 2 : i32
      %add3A_100 = arith.addi %add3A_92, %add3A_99 : i32
      %lt3A_101 = arith.constant 25 : i32
      %lt3A_102 = arith.cmpi slt, %add3A_100, %lt3A_101 : i32
      %convert_element_type3A_103 = arith.extui %lt3A_102 : i1 to i32
      %cond3A_104 = arith.constant 0 : i32
      %cond3A_105 = arith.cmpi ne, %convert_element_type3A_103, %cond3A_104 : i32
      scf.if %cond3A_105 {
        %add3A_106 = arith.constant 2 : i32
        %add3A_107 = arith.addi %add3A_92, %add3A_106 : i32
        %dma_start3A_108 = arith.constant 0 : i32
        %dma_start3A_109 = tpu.memref_slice %arg7[%add3A_107, %dma_start3A_108] : memref<25x400xi32, #tpu.memory_space<vmem>> -> memref<1x400xi32, #tpu.memory_space<vmem>>
        %dma_start3A_110 = tpu.memref_squeeze %dma_start3A_109 : memref<1x400xi32, #tpu.memory_space<vmem>> -> memref<400xi32, #tpu.memory_space<vmem>>
        %dma_start3A_111 = arith.constant 0 : i32
        %dma_start3A_112 = arith.constant 0 : i32
        %dma_start3A_113 = tpu.memref_slice %arg2[%dma_start3A_111, %dma_start3A_112] : memref<10240x64xf32, #tpu.memory_space<hbm>> -> memref<10240x64xf32, #tpu.memory_space<hbm>>
        tpu.enqueue_indirect_dma source(%dma_start3A_113 : memref<10240x64xf32, #tpu.memory_space<hbm>>) target(%arg10 : memref<400x64xf32, #tpu.memory_space<vmem>>) offsets(%dma_start3A_110 : memref<400xi32, #tpu.memory_space<vmem>>) semaphore(%arg14 : memref<!tpu.dma_semaphore, #tpu.memory_space<semaphore_mem>>)
      } else {
      }
    }
    %scan3A_38 = arith.constant 12 : i32
    %dma_wait3A = arith.constant 24 : i32
    %dma_wait3A_39 = arith.constant 0 : i32
    %dma_wait3A_40 = tpu.memref_slice %arg7[%dma_wait3A, %dma_wait3A_39] : memref<25x400xi32, #tpu.memory_space<vmem>> -> memref<1x400xi32, #tpu.memory_space<vmem>>
    %dma_wait3A_41 = tpu.memref_squeeze %dma_wait3A_40 : memref<1x400xi32, #tpu.memory_space<vmem>> -> memref<400xi32, #tpu.memory_space<vmem>>
    %dma_wait3A_42 = arith.constant 0 : i32
    %dma_wait3A_43 = arith.constant 0 : i32
    %dma_wait3A_44 = tpu.memref_slice %arg2[%dma_wait3A_42, %dma_wait3A_43] : memref<10240x64xf32, #tpu.memory_space<hbm>> -> memref<10240x64xf32, #tpu.memory_space<hbm>>
    tpu.wait_indirect_dma semaphore(%arg13 : memref<!tpu.dma_semaphore, #tpu.memory_space<semaphore_mem>>) src(%dma_wait3A_44 : memref<10240x64xf32, #tpu.memory_space<hbm>>) dst(%arg9 : memref<400x64xf32, #tpu.memory_space<vmem>>)
    %run_scoped3A = arith.constant 24 : i32
    "tpu.region"() ({
      %run_scoped3A_76 = tpu.sem_alloc : memref<!tpu.dma_semaphore, #tpu.memory_space<semaphore_mem>>
      %dma_start3A_77 = arith.constant 0 : i32
      %dma_start3A_78 = tpu.memref_slice %arg8[%run_scoped3A, %dma_start3A_77] : memref<25x400xi32, #tpu.memory_space<vmem>> -> memref<1x400xi32, #tpu.memory_space<vmem>>
      %dma_start3A_79 = tpu.memref_squeeze %dma_start3A_78 : memref<1x400xi32, #tpu.memory_space<vmem>> -> memref<400xi32, #tpu.memory_space<vmem>>
      %dma_start3A_80 = arith.constant 0 : i32
      %dma_start3A_81 = arith.constant 0 : i32
      %dma_start3A_82 = tpu.memref_slice %arg12[%dma_start3A_80, %dma_start3A_81] : memref<10240x64xf32, #tpu.memory_space<vmem_shared>> -> memref<10240x64xf32, #tpu.memory_space<vmem_shared>>
      tpu.enqueue_indirect_dma source(%arg9 : memref<400x64xf32, #tpu.memory_space<vmem>>) target(%dma_start3A_82 : memref<10240x64xf32, #tpu.memory_space<vmem_shared>>) offsets(%dma_start3A_79 : memref<400xi32, #tpu.memory_space<vmem>>) semaphore(%run_scoped3A_76 : memref<!tpu.dma_semaphore, #tpu.memory_space<semaphore_mem>>) {add = true}
      %dma_wait3A_83 = arith.constant 0 : i32
      %dma_wait3A_84 = tpu.memref_slice %arg8[%run_scoped3A, %dma_wait3A_83] : memref<25x400xi32, #tpu.memory_space<vmem>> -> memref<1x400xi32, #tpu.memory_space<vmem>>
      %dma_wait3A_85 = tpu.memref_squeeze %dma_wait3A_84 : memref<1x400xi32, #tpu.memory_space<vmem>> -> memref<400xi32, #tpu.memory_space<vmem>>
      %dma_wait3A_86 = arith.constant 0 : i32
      %dma_wait3A_87 = arith.constant 0 : i32
      %dma_wait3A_88 = tpu.memref_slice %arg12[%dma_wait3A_86, %dma_wait3A_87] : memref<10240x64xf32, #tpu.memory_space<vmem_shared>> -> memref<10240x64xf32, #tpu.memory_space<vmem_shared>>
      tpu.wait_indirect_dma semaphore(%run_scoped3A_76 : memref<!tpu.dma_semaphore, #tpu.memory_space<semaphore_mem>>) src(%arg9 : memref<400x64xf32, #tpu.memory_space<vmem>>) dst(%dma_wait3A_88 : memref<10240x64xf32, #tpu.memory_space<vmem_shared>>)
      tpu.yield
    }) : () -> ()
    %barrier3A_45 = arith.constant 0 : index
    tpu.barrier barrier_id(%barrier3A_45)
    %mul3A_46 = arith.constant 10240 : i32
    %mul3A_47 = arith.muli %arg0, %mul3A_46 : i32
    %mul3A_48 = arith.constant 640 : i32
    %mul3A_49 = arith.muli %arg1, %mul3A_48 : i32
    %add3A_50 = arith.addi %mul3A_47, %mul3A_49 : i32
    %multiple_of3A_51 = tpu.assume_multiple %add3A_50, 8 : i32
    %mul3A_52 = arith.constant 640 : i32
    %mul3A_53 = arith.muli %arg1, %mul3A_52 : i32
    %add3A_54 = arith.constant 0 : i32
    %add3A_55 = arith.addi %mul3A_53, %add3A_54 : i32
    "tpu.region"() ({
      %run_scoped3A_76 = tpu.sem_alloc : memref<!tpu.dma_semaphore, #tpu.memory_space<semaphore_mem>>
      %dma_start3A_77 = arith.constant 0 : i32
      %dma_start3A_78 = tpu.memref_slice %arg12[%add3A_55, %dma_start3A_77] : memref<10240x64xf32, #tpu.memory_space<vmem_shared>> -> memref<160x64xf32, #tpu.memory_space<vmem_shared>>
      %dma_start3A_79 = arith.constant 0 : i32
      %dma_start3A_80 = tpu.memref_slice %arg12[%add3A_55, %dma_start3A_79] : memref<10240x64xf32, #tpu.memory_space<vmem_shared>> -> memref<160x64xf32, #tpu.memory_space<vmem_shared>>
      tpu.enqueue_dma source(%dma_start3A_80 : memref<160x64xf32, #tpu.memory_space<vmem_shared>>) target(%arg11 : memref<160x64xf32, #tpu.memory_space<vmem>>) target_semaphore(%run_scoped3A_76 : memref<!tpu.dma_semaphore, #tpu.memory_space<semaphore_mem>>)
      %dma_wait3A_81 = arith.constant 0 : i32
      %dma_wait3A_82 = tpu.memref_slice %arg12[%add3A_55, %dma_wait3A_81] : memref<10240x64xf32, #tpu.memory_space<vmem_shared>> -> memref<160x64xf32, #tpu.memory_space<vmem_shared>>
      %dma_wait3A_83 = arith.constant 0 : i32
      %dma_wait3A_84 = tpu.memref_slice %arg12[%add3A_55, %dma_wait3A_83] : memref<10240x64xf32, #tpu.memory_space<vmem_shared>> -> memref<160x64xf32, #tpu.memory_space<vmem_shared>>
      tpu.wait_dma2 semaphore(%run_scoped3A_76 : memref<!tpu.dma_semaphore, #tpu.memory_space<semaphore_mem>>) src(%dma_wait3A_84 : memref<160x64xf32, #tpu.memory_space<vmem_shared>>) dst(%arg11 : memref<160x64xf32, #tpu.memory_space<vmem>>)
      tpu.yield
    }) : () -> ()
    %add3A_56 = arith.constant 0 : i32
    %add3A_57 = arith.addi %multiple_of3A_51, %add3A_56 : i32
    "tpu.region"() ({
      %run_scoped3A_76 = tpu.sem_alloc : memref<!tpu.dma_semaphore, #tpu.memory_space<semaphore_mem>>
      %dma_start3A_77 = arith.constant 0 : i32
      %dma_start3A_78 = tpu.memref_slice %arg6[%add3A_57, %dma_start3A_77] : memref<20480x64xf32, #tpu.memory_space<hbm>> -> memref<160x64xf32, #tpu.memory_space<hbm>>
      %dma_start3A_79 = arith.constant 0 : i32
      %dma_start3A_80 = tpu.memref_slice %arg6[%add3A_57, %dma_start3A_79] : memref<20480x64xf32, #tpu.memory_space<hbm>> -> memref<160x64xf32, #tpu.memory_space<hbm>>
      tpu.enqueue_dma source(%arg11 : memref<160x64xf32, #tpu.memory_space<vmem>>) target(%dma_start3A_80 : memref<160x64xf32, #tpu.memory_space<hbm>>) target_semaphore(%run_scoped3A_76 : memref<!tpu.dma_semaphore, #tpu.memory_space<semaphore_mem>>)
      %dma_wait3A_81 = arith.constant 0 : i32
      %dma_wait3A_82 = tpu.memref_slice %arg6[%add3A_57, %dma_wait3A_81] : memref<20480x64xf32, #tpu.memory_space<hbm>> -> memref<160x64xf32, #tpu.memory_space<hbm>>
      %dma_wait3A_83 = arith.constant 0 : i32
      %dma_wait3A_84 = tpu.memref_slice %arg6[%add3A_57, %dma_wait3A_83] : memref<20480x64xf32, #tpu.memory_space<hbm>> -> memref<160x64xf32, #tpu.memory_space<hbm>>
      tpu.wait_dma2 semaphore(%run_scoped3A_76 : memref<!tpu.dma_semaphore, #tpu.memory_space<semaphore_mem>>) src(%arg11 : memref<160x64xf32, #tpu.memory_space<vmem>>) dst(%dma_wait3A_84 : memref<160x64xf32, #tpu.memory_space<hbm>>)
      tpu.yield
    }) : () -> ()
    %mul3A_58 = arith.constant 640 : i32
    %mul3A_59 = arith.muli %arg1, %mul3A_58 : i32
    %add3A_60 = arith.constant 160 : i32
    %add3A_61 = arith.addi %mul3A_59, %add3A_60 : i32
    "tpu.region"() ({
      %run_scoped3A_76 = tpu.sem_alloc : memref<!tpu.dma_semaphore, #tpu.memory_space<semaphore_mem>>
      %dma_start3A_77 = arith.constant 0 : i32
      %dma_start3A_78 = tpu.memref_slice %arg12[%add3A_61, %dma_start3A_77] : memref<10240x64xf32, #tpu.memory_space<vmem_shared>> -> memref<160x64xf32, #tpu.memory_space<vmem_shared>>
      %dma_start3A_79 = arith.constant 0 : i32
      %dma_start3A_80 = tpu.memref_slice %arg12[%add3A_61, %dma_start3A_79] : memref<10240x64xf32, #tpu.memory_space<vmem_shared>> -> memref<160x64xf32, #tpu.memory_space<vmem_shared>>
      tpu.enqueue_dma source(%dma_start3A_80 : memref<160x64xf32, #tpu.memory_space<vmem_shared>>) target(%arg11 : memref<160x64xf32, #tpu.memory_space<vmem>>) target_semaphore(%run_scoped3A_76 : memref<!tpu.dma_semaphore, #tpu.memory_space<semaphore_mem>>)
      %dma_wait3A_81 = arith.constant 0 : i32
      %dma_wait3A_82 = tpu.memref_slice %arg12[%add3A_61, %dma_wait3A_81] : memref<10240x64xf32, #tpu.memory_space<vmem_shared>> -> memref<160x64xf32, #tpu.memory_space<vmem_shared>>
      %dma_wait3A_83 = arith.constant 0 : i32
      %dma_wait3A_84 = tpu.memref_slice %arg12[%add3A_61, %dma_wait3A_83] : memref<10240x64xf32, #tpu.memory_space<vmem_shared>> -> memref<160x64xf32, #tpu.memory_space<vmem_shared>>
      tpu.wait_dma2 semaphore(%run_scoped3A_76 : memref<!tpu.dma_semaphore, #tpu.memory_space<semaphore_mem>>) src(%dma_wait3A_84 : memref<160x64xf32, #tpu.memory_space<vmem_shared>>) dst(%arg11 : memref<160x64xf32, #tpu.memory_space<vmem>>)
      tpu.yield
    }) : () -> ()
    %add3A_62 = arith.constant 160 : i32
    %add3A_63 = arith.addi %multiple_of3A_51, %add3A_62 : i32
    "tpu.region"() ({
      %run_scoped3A_76 = tpu.sem_alloc : memref<!tpu.dma_semaphore, #tpu.memory_space<semaphore_mem>>
      %dma_start3A_77 = arith.constant 0 : i32
      %dma_start3A_78 = tpu.memref_slice %arg6[%add3A_63, %dma_start3A_77] : memref<20480x64xf32, #tpu.memory_space<hbm>> -> memref<160x64xf32, #tpu.memory_space<hbm>>
      %dma_start3A_79 = arith.constant 0 : i32
      %dma_start3A_80 = tpu.memref_slice %arg6[%add3A_63, %dma_start3A_79] : memref<20480x64xf32, #tpu.memory_space<hbm>> -> memref<160x64xf32, #tpu.memory_space<hbm>>
      tpu.enqueue_dma source(%arg11 : memref<160x64xf32, #tpu.memory_space<vmem>>) target(%dma_start3A_80 : memref<160x64xf32, #tpu.memory_space<hbm>>) target_semaphore(%run_scoped3A_76 : memref<!tpu.dma_semaphore, #tpu.memory_space<semaphore_mem>>)
      %dma_wait3A_81 = arith.constant 0 : i32
      %dma_wait3A_82 = tpu.memref_slice %arg6[%add3A_63, %dma_wait3A_81] : memref<20480x64xf32, #tpu.memory_space<hbm>> -> memref<160x64xf32, #tpu.memory_space<hbm>>
      %dma_wait3A_83 = arith.constant 0 : i32
      %dma_wait3A_84 = tpu.memref_slice %arg6[%add3A_63, %dma_wait3A_83] : memref<20480x64xf32, #tpu.memory_space<hbm>> -> memref<160x64xf32, #tpu.memory_space<hbm>>
      tpu.wait_dma2 semaphore(%run_scoped3A_76 : memref<!tpu.dma_semaphore, #tpu.memory_space<semaphore_mem>>) src(%arg11 : memref<160x64xf32, #tpu.memory_space<vmem>>) dst(%dma_wait3A_84 : memref<160x64xf32, #tpu.memory_space<hbm>>)
      tpu.yield
    }) : () -> ()
    %mul3A_64 = arith.constant 640 : i32
    %mul3A_65 = arith.muli %arg1, %mul3A_64 : i32
    %add3A_66 = arith.constant 320 : i32
    %add3A_67 = arith.addi %mul3A_65, %add3A_66 : i32
    "tpu.region"() ({
      %run_scoped3A_76 = tpu.sem_alloc : memref<!tpu.dma_semaphore, #tpu.memory_space<semaphore_mem>>
      %dma_start3A_77 = arith.constant 0 : i32
      %dma_start3A_78 = tpu.memref_slice %arg12[%add3A_67, %dma_start3A_77] : memref<10240x64xf32, #tpu.memory_space<vmem_shared>> -> memref<160x64xf32, #tpu.memory_space<vmem_shared>>
      %dma_start3A_79 = arith.constant 0 : i32
      %dma_start3A_80 = tpu.memref_slice %arg12[%add3A_67, %dma_start3A_79] : memref<10240x64xf32, #tpu.memory_space<vmem_shared>> -> memref<160x64xf32, #tpu.memory_space<vmem_shared>>
      tpu.enqueue_dma source(%dma_start3A_80 : memref<160x64xf32, #tpu.memory_space<vmem_shared>>) target(%arg11 : memref<160x64xf32, #tpu.memory_space<vmem>>) target_semaphore(%run_scoped3A_76 : memref<!tpu.dma_semaphore, #tpu.memory_space<semaphore_mem>>)
      %dma_wait3A_81 = arith.constant 0 : i32
      %dma_wait3A_82 = tpu.memref_slice %arg12[%add3A_67, %dma_wait3A_81] : memref<10240x64xf32, #tpu.memory_space<vmem_shared>> -> memref<160x64xf32, #tpu.memory_space<vmem_shared>>
      %dma_wait3A_83 = arith.constant 0 : i32
      %dma_wait3A_84 = tpu.memref_slice %arg12[%add3A_67, %dma_wait3A_83] : memref<10240x64xf32, #tpu.memory_space<vmem_shared>> -> memref<160x64xf32, #tpu.memory_space<vmem_shared>>
      tpu.wait_dma2 semaphore(%run_scoped3A_76 : memref<!tpu.dma_semaphore, #tpu.memory_space<semaphore_mem>>) src(%dma_wait3A_84 : memref<160x64xf32, #tpu.memory_space<vmem_shared>>) dst(%arg11 : memref<160x64xf32, #tpu.memory_space<vmem>>)
      tpu.yield
    }) : () -> ()
    %add3A_68 = arith.constant 320 : i32
    %add3A_69 = arith.addi %multiple_of3A_51, %add3A_68 : i32
    "tpu.region"() ({
      %run_scoped3A_76 = tpu.sem_alloc : memref<!tpu.dma_semaphore, #tpu.memory_space<semaphore_mem>>
      %dma_start3A_77 = arith.constant 0 : i32
      %dma_start3A_78 = tpu.memref_slice %arg6[%add3A_69, %dma_start3A_77] : memref<20480x64xf32, #tpu.memory_space<hbm>> -> memref<160x64xf32, #tpu.memory_space<hbm>>
      %dma_start3A_79 = arith.constant 0 : i32
      %dma_start3A_80 = tpu.memref_slice %arg6[%add3A_69, %dma_start3A_79] : memref<20480x64xf32, #tpu.memory_space<hbm>> -> memref<160x64xf32, #tpu.memory_space<hbm>>
      tpu.enqueue_dma source(%arg11 : memref<160x64xf32, #tpu.memory_space<vmem>>) target(%dma_start3A_80 : memref<160x64xf32, #tpu.memory_space<hbm>>) target_semaphore(%run_scoped3A_76 : memref<!tpu.dma_semaphore, #tpu.memory_space<semaphore_mem>>)
      %dma_wait3A_81 = arith.constant 0 : i32
      %dma_wait3A_82 = tpu.memref_slice %arg6[%add3A_69, %dma_wait3A_81] : memref<20480x64xf32, #tpu.memory_space<hbm>> -> memref<160x64xf32, #tpu.memory_space<hbm>>
      %dma_wait3A_83 = arith.constant 0 : i32
      %dma_wait3A_84 = tpu.memref_slice %arg6[%add3A_69, %dma_wait3A_83] : memref<20480x64xf32, #tpu.memory_space<hbm>> -> memref<160x64xf32, #tpu.memory_space<hbm>>
      tpu.wait_dma2 semaphore(%run_scoped3A_76 : memref<!tpu.dma_semaphore, #tpu.memory_space<semaphore_mem>>) src(%arg11 : memref<160x64xf32, #tpu.memory_space<vmem>>) dst(%dma_wait3A_84 : memref<160x64xf32, #tpu.memory_space<hbm>>)
      tpu.yield
    }) : () -> ()
    %mul3A_70 = arith.constant 640 : i32
    %mul3A_71 = arith.muli %arg1, %mul3A_70 : i32
    %add3A_72 = arith.constant 480 : i32
    %add3A_73 = arith.addi %mul3A_71, %add3A_72 : i32
    "tpu.region"() ({
      %run_scoped3A_76 = tpu.sem_alloc : memref<!tpu.dma_semaphore, #tpu.memory_space<semaphore_mem>>
      %dma_start3A_77 = arith.constant 0 : i32
      %dma_start3A_78 = tpu.memref_slice %arg12[%add3A_73, %dma_start3A_77] : memref<10240x64xf32, #tpu.memory_space<vmem_shared>> -> memref<160x64xf32, #tpu.memory_space<vmem_shared>>
      %dma_start3A_79 = arith.constant 0 : i32
      %dma_start3A_80 = tpu.memref_slice %arg12[%add3A_73, %dma_start3A_79] : memref<10240x64xf32, #tpu.memory_space<vmem_shared>> -> memref<160x64xf32, #tpu.memory_space<vmem_shared>>
      tpu.enqueue_dma source(%dma_start3A_80 : memref<160x64xf32, #tpu.memory_space<vmem_shared>>) target(%arg11 : memref<160x64xf32, #tpu.memory_space<vmem>>) target_semaphore(%run_scoped3A_76 : memref<!tpu.dma_semaphore, #tpu.memory_space<semaphore_mem>>)
      %dma_wait3A_81 = arith.constant 0 : i32
      %dma_wait3A_82 = tpu.memref_slice %arg12[%add3A_73, %dma_wait3A_81] : memref<10240x64xf32, #tpu.memory_space<vmem_shared>> -> memref<160x64xf32, #tpu.memory_space<vmem_shared>>
      %dma_wait3A_83 = arith.constant 0 : i32
      %dma_wait3A_84 = tpu.memref_slice %arg12[%add3A_73, %dma_wait3A_83] : memref<10240x64xf32, #tpu.memory_space<vmem_shared>> -> memref<160x64xf32, #tpu.memory_space<vmem_shared>>
      tpu.wait_dma2 semaphore(%run_scoped3A_76 : memref<!tpu.dma_semaphore, #tpu.memory_space<semaphore_mem>>) src(%dma_wait3A_84 : memref<160x64xf32, #tpu.memory_space<vmem_shared>>) dst(%arg11 : memref<160x64xf32, #tpu.memory_space<vmem>>)
      tpu.yield
    }) : () -> ()
    %add3A_74 = arith.constant 480 : i32
    %add3A_75 = arith.addi %multiple_of3A_51, %add3A_74 : i32
    "tpu.region"() ({
      %run_scoped3A_76 = tpu.sem_alloc : memref<!tpu.dma_semaphore, #tpu.memory_space<semaphore_mem>>
      %dma_start3A_77 = arith.constant 0 : i32
      %dma_start3A_78 = tpu.memref_slice %arg6[%add3A_75, %dma_start3A_77] : memref<20480x64xf32, #tpu.memory_space<hbm>> -> memref<160x64xf32, #tpu.memory_space<hbm>>
      %dma_start3A_79 = arith.constant 0 : i32
      %dma_start3A_80 = tpu.memref_slice %arg6[%add3A_75, %dma_start3A_79] : memref<20480x64xf32, #tpu.memory_space<hbm>> -> memref<160x64xf32, #tpu.memory_space<hbm>>
      tpu.enqueue_dma source(%arg11 : memref<160x64xf32, #tpu.memory_space<vmem>>) target(%dma_start3A_80 : memref<160x64xf32, #tpu.memory_space<hbm>>) target_semaphore(%run_scoped3A_76 : memref<!tpu.dma_semaphore, #tpu.memory_space<semaphore_mem>>)
      %dma_wait3A_81 = arith.constant 0 : i32
      %dma_wait3A_82 = tpu.memref_slice %arg6[%add3A_75, %dma_wait3A_81] : memref<20480x64xf32, #tpu.memory_space<hbm>> -> memref<160x64xf32, #tpu.memory_space<hbm>>
      %dma_wait3A_83 = arith.constant 0 : i32
      %dma_wait3A_84 = tpu.memref_slice %arg6[%add3A_75, %dma_wait3A_83] : memref<20480x64xf32, #tpu.memory_space<hbm>> -> memref<160x64xf32, #tpu.memory_space<hbm>>
      tpu.wait_dma2 semaphore(%run_scoped3A_76 : memref<!tpu.dma_semaphore, #tpu.memory_space<semaphore_mem>>) src(%arg11 : memref<160x64xf32, #tpu.memory_space<vmem>>) dst(%dma_wait3A_84 : memref<160x64xf32, #tpu.memory_space<hbm>>)
      tpu.yield
    }) : () -> ()
    return
  }
}

#map = affine_map<(d0, d1) -> (0, 0)>
module attributes {stable_mosaic.version = 14 : i64} {
  func.func @body(%arg0: i32, %arg1: i32, %arg2: memref<10240x64xf32, #tpu.memory_space<hbm>>, %arg3: memref<800x400xi32, #tpu.memory_space<hbm>>, %arg4: memref<800x400xi32, #tpu.memory_space<hbm>>, %arg5: memref<160x64xf32, #tpu.memory_space<hbm>>, %arg6: memref<20480x64xf32, #tpu.memory_space<hbm>>, %arg7: memref<25x400xi32, #tpu.memory_space<vmem>>, %arg8: memref<25x400xi32, #tpu.memory_space<vmem>>, %arg9: memref<400x64xf32, #tpu.memory_space<vmem>>, %arg10: memref<400x64xf32, #tpu.memory_space<vmem>>, %arg11: memref<160x64xf32, #tpu.memory_space<vmem>>, %arg12: memref<10240x64xf32, #tpu.memory_space<vmem_shared>>, %arg13: memref<!tpu.dma_semaphore, #tpu.memory_space<semaphore_mem>>, %arg14: memref<!tpu.dma_semaphore, #tpu.memory_space<semaphore_mem>>) attributes {dimension_semantics = [#tpu.dimension_semantics<core_parallel>, #tpu.dimension_semantics<subcore_parallel>], iteration_bounds = array<i64: 2, 16>, scalar_prefetch = 0 : i64, scratch_operands = 8 : i64, tpu.core_type = #tpu.core_type<sc_vector_subcore>, window_params = [{transform_indices = #map}, {transform_indices = #map}, {transform_indices = #map}, {transform_indices = #map}, {transform_indices = #map}]} {
    %mul3A = arith.constant 16 : i32
    %mul3A_0 = arith.muli %arg0, %mul3A : i32
    %add3A = arith.addi %mul3A_0, %arg1 : i32
    %mul3A_1 = arith.constant 640 : i32
    %mul3A_2 = arith.muli %arg1, %mul3A_1 : i32
    "tpu.region"() ({
      %run_scoped3A_76 = tpu.sem_alloc : memref<!tpu.dma_semaphore, #tpu.memory_space<semaphore_mem>>
      tpu.enqueue_dma source(%arg5 : memref<160x64xf32, #tpu.memory_space<hbm>>) target(%arg11 : memref<160x64xf32, #tpu.memory_space<vmem>>) target_semaphore(%run_scoped3A_76 : memref<!tpu.dma_semaphore, #tpu.memory_space<semaphore_mem>>)
      tpu.wait_dma2 semaphore(%run_scoped3A_76 : memref<!tpu.dma_semaphore, #tpu.memory_space<semaphore_mem>>) src(%arg5 : memref<160x64xf32, #tpu.memory_space<hbm>>) dst(%arg11 : memref<160x64xf32, #tpu.memory_space<vmem>>)
      tpu.yield
    }) : () -> ()
    %mul3A_3 = arith.constant 640 : i32
    %mul3A_4 = arith.muli %arg1, %mul3A_3 : i32
    %add3A_5 = arith.constant 0 : i32
    %add3A_6 = arith.addi %mul3A_4, %add3A_5 : i32
    "tpu.region"() ({
      %run_scoped3A_76 = tpu.sem_alloc : memref<!tpu.dma_semaphore, #tpu.memory_space<semaphore_mem>>
      %dma_start3A_77 = arith.constant 0 : i32
      %dma_start3A_78 = tpu.memref_slice %arg12[%add3A_6, %dma_start3A_77] : memref<10240x64xf32, #tpu.memory_space<vmem_shared>> -> memref<160x64xf32, #tpu.memory_space<vmem_shared>>
      %dma_start3A_79 = arith.constant 0 : i32
      %dma_start3A_80 = tpu.memref_slice %arg12[%add3A_6, %dma_start3A_79] : memref<10240x64xf32, #tpu.memory_space<vmem_shared>> -> memref<160x64xf32, #tpu.memory_space<vmem_shared>>
      tpu.enqueue_dma source(%arg11 : memref<160x64xf32, #tpu.memory_space<vmem>>) target(%dma_start3A_80 : memref<160x64xf32, #tpu.memory_space<vmem_shared>>) target_semaphore(%run_scoped3A_76 : memref<!tpu.dma_semaphore, #tpu.memory_space<semaphore_mem>>)
      %dma_wait3A_81 = arith.constant 0 : i32
      %dma_wait3A_82 = tpu.memref_slice %arg12[%add3A_6, %dma_wait3A_81] : memref<10240x64xf32, #tpu.memory_space<vmem_shared>> -> memref<160x64xf32, #tpu.memory_space<vmem_shared>>
      %dma_wait3A_83 = arith.constant 0 : i32
      %dma_wait3A_84 = tpu.memref_slice %arg12[%add3A_6, %dma_wait3A_83] : memref<10240x64xf32, #tpu.memory_space<vmem_shared>> -> memref<160x64xf32, #tpu.memory_space<vmem_shared>>
      tpu.wait_dma2 semaphore(%run_scoped3A_76 : memref<!tpu.dma_semaphore, #tpu.memory_space<semaphore_mem>>) src(%arg11 : memref<160x64xf32, #tpu.memory_space<vmem>>) dst(%dma_wait3A_84 : memref<160x64xf32, #tpu.memory_space<vmem_shared>>)
      tpu.yield
    }) : () -> ()
    %mul3A_7 = arith.constant 640 : i32
    %mul3A_8 = arith.muli %arg1, %mul3A_7 : i32
    %add3A_9 = arith.constant 160 : i32
    %add3A_10 = arith.addi %mul3A_8, %add3A_9 : i32
    "tpu.region"() ({
      %run_scoped3A_76 = tpu.sem_alloc : memref<!tpu.dma_semaphore, #tpu.memory_space<semaphore_mem>>
      %dma_start3A_77 = arith.constant 0 : i32
      %dma_start3A_78 = tpu.memref_slice %arg12[%add3A_10, %dma_start3A_77] : memref<10240x64xf32, #tpu.memory_space<vmem_shared>> -> memref<160x64xf32, #tpu.memory_space<vmem_shared>>
      %dma_start3A_79 = arith.constant 0 : i32
      %dma_start3A_80 = tpu.memref_slice %arg12[%add3A_10, %dma_start3A_79] : memref<10240x64xf32, #tpu.memory_space<vmem_shared>> -> memref<160x64xf32, #tpu.memory_space<vmem_shared>>
      tpu.enqueue_dma source(%arg11 : memref<160x64xf32, #tpu.memory_space<vmem>>) target(%dma_start3A_80 : memref<160x64xf32, #tpu.memory_space<vmem_shared>>) target_semaphore(%run_scoped3A_76 : memref<!tpu.dma_semaphore, #tpu.memory_space<semaphore_mem>>)
      %dma_wait3A_81 = arith.constant 0 : i32
      %dma_wait3A_82 = tpu.memref_slice %arg12[%add3A_10, %dma_wait3A_81] : memref<10240x64xf32, #tpu.memory_space<vmem_shared>> -> memref<160x64xf32, #tpu.memory_space<vmem_shared>>
      %dma_wait3A_83 = arith.constant 0 : i32
      %dma_wait3A_84 = tpu.memref_slice %arg12[%add3A_10, %dma_wait3A_83] : memref<10240x64xf32, #tpu.memory_space<vmem_shared>> -> memref<160x64xf32, #tpu.memory_space<vmem_shared>>
      tpu.wait_dma2 semaphore(%run_scoped3A_76 : memref<!tpu.dma_semaphore, #tpu.memory_space<semaphore_mem>>) src(%arg11 : memref<160x64xf32, #tpu.memory_space<vmem>>) dst(%dma_wait3A_84 : memref<160x64xf32, #tpu.memory_space<vmem_shared>>)
      tpu.yield
    }) : () -> ()
    %mul3A_11 = arith.constant 640 : i32
    %mul3A_12 = arith.muli %arg1, %mul3A_11 : i32
    %add3A_13 = arith.constant 320 : i32
    %add3A_14 = arith.addi %mul3A_12, %add3A_13 : i32
    "tpu.region"() ({
      %run_scoped3A_76 = tpu.sem_alloc : memref<!tpu.dma_semaphore, #tpu.memory_space<semaphore_mem>>
      %dma_start3A_77 = arith.constant 0 : i32
      %dma_start3A_78 = tpu.memref_slice %arg12[%add3A_14, %dma_start3A_77] : memref<10240x64xf32, #tpu.memory_space<vmem_shared>> -> memref<160x64xf32, #tpu.memory_space<vmem_shared>>
      %dma_start3A_79 = arith.constant 0 : i32
      %dma_start3A_80 = tpu.memref_slice %arg12[%add3A_14, %dma_start3A_79] : memref<10240x64xf32, #tpu.memory_space<vmem_shared>> -> memref<160x64xf32, #tpu.memory_space<vmem_shared>>
      tpu.enqueue_dma source(%arg11 : memref<160x64xf32, #tpu.memory_space<vmem>>) target(%dma_start3A_80 : memref<160x64xf32, #tpu.memory_space<vmem_shared>>) target_semaphore(%run_scoped3A_76 : memref<!tpu.dma_semaphore, #tpu.memory_space<semaphore_mem>>)
      %dma_wait3A_81 = arith.constant 0 : i32
      %dma_wait3A_82 = tpu.memref_slice %arg12[%add3A_14, %dma_wait3A_81] : memref<10240x64xf32, #tpu.memory_space<vmem_shared>> -> memref<160x64xf32, #tpu.memory_space<vmem_shared>>
      %dma_wait3A_83 = arith.constant 0 : i32
      %dma_wait3A_84 = tpu.memref_slice %arg12[%add3A_14, %dma_wait3A_83] : memref<10240x64xf32, #tpu.memory_space<vmem_shared>> -> memref<160x64xf32, #tpu.memory_space<vmem_shared>>
      tpu.wait_dma2 semaphore(%run_scoped3A_76 : memref<!tpu.dma_semaphore, #tpu.memory_space<semaphore_mem>>) src(%arg11 : memref<160x64xf32, #tpu.memory_space<vmem>>) dst(%dma_wait3A_84 : memref<160x64xf32, #tpu.memory_space<vmem_shared>>)
      tpu.yield
    }) : () -> ()
    %mul3A_15 = arith.constant 640 : i32
    %mul3A_16 = arith.muli %arg1, %mul3A_15 : i32
    %add3A_17 = arith.constant 480 : i32
    %add3A_18 = arith.addi %mul3A_16, %add3A_17 : i32
    "tpu.region"() ({
      %run_scoped3A_76 = tpu.sem_alloc : memref<!tpu.dma_semaphore, #tpu.memory_space<semaphore_mem>>
      %dma_start3A_77 = arith.constant 0 : i32
      %dma_start3A_78 = tpu.memref_slice %arg12[%add3A_18, %dma_start3A_77] : memref<10240x64xf32, #tpu.memory_space<vmem_shared>> -> memref<160x64xf32, #tpu.memory_space<vmem_shared>>
      %dma_start3A_79 = arith.constant 0 : i32
      %dma_start3A_80 = tpu.memref_slice %arg12[%add3A_18, %dma_start3A_79] : memref<10240x64xf32, #tpu.memory_space<vmem_shared>> -> memref<160x64xf32, #tpu.memory_space<vmem_shared>>
      tpu.enqueue_dma source(%arg11 : memref<160x64xf32, #tpu.memory_space<vmem>>) target(%dma_start3A_80 : memref<160x64xf32, #tpu.memory_space<vmem_shared>>) target_semaphore(%run_scoped3A_76 : memref<!tpu.dma_semaphore, #tpu.memory_space<semaphore_mem>>)
      %dma_wait3A_81 = arith.constant 0 : i32
      %dma_wait3A_82 = tpu.memref_slice %arg12[%add3A_18, %dma_wait3A_81] : memref<10240x64xf32, #tpu.memory_space<vmem_shared>> -> memref<160x64xf32, #tpu.memory_space<vmem_shared>>
      %dma_wait3A_83 = arith.constant 0 : i32
      %dma_wait3A_84 = tpu.memref_slice %arg12[%add3A_18, %dma_wait3A_83] : memref<10240x64xf32, #tpu.memory_space<vmem_shared>> -> memref<160x64xf32, #tpu.memory_space<vmem_shared>>
      tpu.wait_dma2 semaphore(%run_scoped3A_76 : memref<!tpu.dma_semaphore, #tpu.memory_space<semaphore_mem>>) src(%arg11 : memref<160x64xf32, #tpu.memory_space<vmem>>) dst(%dma_wait3A_84 : memref<160x64xf32, #tpu.memory_space<vmem_shared>>)
      tpu.yield
    }) : () -> ()
    %mul3A_19 = arith.constant 25 : i32
    %mul3A_20 = arith.muli %add3A, %mul3A_19 : i32
    %multiple_of3A = tpu.assume_multiple %mul3A_20, 8 : i32
    "tpu.region"() ({
      %run_scoped3A_76 = tpu.sem_alloc : memref<!tpu.dma_semaphore, #tpu.memory_space<semaphore_mem>>
      %dma_start3A_77 = arith.constant 0 : i32
      %dma_start3A_78 = tpu.memref_slice %arg3[%multiple_of3A, %dma_start3A_77] : memref<800x400xi32, #tpu.memory_space<hbm>> -> memref<25x400xi32, #tpu.memory_space<hbm>>
      %dma_start3A_79 = arith.constant 0 : i32
      %dma_start3A_80 = tpu.memref_slice %arg3[%multiple_of3A, %dma_start3A_79] : memref<800x400xi32, #tpu.memory_space<hbm>> -> memref<25x400xi32, #tpu.memory_space<hbm>>
      tpu.enqueue_dma source(%dma_start3A_80 : memref<25x400xi32, #tpu.memory_space<hbm>>) target(%arg7 : memref<25x400xi32, #tpu.memory_space<vmem>>) target_semaphore(%run_scoped3A_76 : memref<!tpu.dma_semaphore, #tpu.memory_space<semaphore_mem>>)
      %dma_wait3A_81 = arith.constant 0 : i32
      %dma_wait3A_82 = tpu.memref_slice %arg3[%multiple_of3A, %dma_wait3A_81] : memref<800x400xi32, #tpu.memory_space<hbm>> -> memref<25x400xi32, #tpu.memory_space<hbm>>
      %dma_wait3A_83 = arith.constant 0 : i32
      %dma_wait3A_84 = tpu.memref_slice %arg3[%multiple_of3A, %dma_wait3A_83] : memref<800x400xi32, #tpu.memory_space<hbm>> -> memref<25x400xi32, #tpu.memory_space<hbm>>
      tpu.wait_dma2 semaphore(%run_scoped3A_76 : memref<!tpu.dma_semaphore, #tpu.memory_space<semaphore_mem>>) src(%dma_wait3A_84 : memref<25x400xi32, #tpu.memory_space<hbm>>) dst(%arg7 : memref<25x400xi32, #tpu.memory_space<vmem>>)
      tpu.yield
    }) : () -> ()
    "tpu.region"() ({
      %run_scoped3A_76 = tpu.sem_alloc : memref<!tpu.dma_semaphore, #tpu.memory_space<semaphore_mem>>
      %dma_start3A_77 = arith.constant 0 : i32
      %dma_start3A_78 = tpu.memref_slice %arg4[%multiple_of3A, %dma_start3A_77] : memref<800x400xi32, #tpu.memory_space<hbm>> -> memref<25x400xi32, #tpu.memory_space<hbm>>
      %dma_start3A_79 = arith.constant 0 : i32
      %dma_start3A_80 = tpu.memref_slice %arg4[%multiple_of3A, %dma_start3A_79] : memref<800x400xi32, #tpu.memory_space<hbm>> -> memref<25x400xi32, #tpu.memory_space<hbm>>
      tpu.enqueue_dma source(%dma_start3A_80 : memref<25x400xi32, #tpu.memory_space<hbm>>) target(%arg8 : memref<25x400xi32, #tpu.memory_space<vmem>>) target_semaphore(%run_scoped3A_76 : memref<!tpu.dma_semaphore, #tpu.memory_space<semaphore_mem>>)
      %dma_wait3A_81 = arith.constant 0 : i32
      %dma_wait3A_82 = tpu.memref_slice %arg4[%multiple_of3A, %dma_wait3A_81] : memref<800x400xi32, #tpu.memory_space<hbm>> -> memref<25x400xi32, #tpu.memory_space<hbm>>
      %dma_wait3A_83 = arith.constant 0 : i32
      %dma_wait3A_84 = tpu.memref_slice %arg4[%multiple_of3A, %dma_wait3A_83] : memref<800x400xi32, #tpu.memory_space<hbm>> -> memref<25x400xi32, #tpu.memory_space<hbm>>
      tpu.wait_dma2 semaphore(%run_scoped3A_76 : memref<!tpu.dma_semaphore, #tpu.memory_space<semaphore_mem>>) src(%dma_wait3A_84 : memref<25x400xi32, #tpu.memory_space<hbm>>) dst(%arg8 : memref<25x400xi32, #tpu.memory_space<vmem>>)
      tpu.yield
    }) : () -> ()
    %barrier3A = arith.constant 0 : index
    tpu.barrier barrier_id(%barrier3A)
    %dma_start3A = arith.constant 0 : i32
    %dma_start3A_21 = arith.constant 0 : i32
    %dma_start3A_22 = tpu.memref_slice %arg7[%dma_start3A, %dma_start3A_21] : memref<25x400xi32, #tpu.memory_space<vmem>> -> memref<1x400xi32, #tpu.memory_space<vmem>>
    %dma_start3A_23 = tpu.memref_squeeze %dma_start3A_22 : memref<1x400xi32, #tpu.memory_space<vmem>> -> memref<400xi32, #tpu.memory_space<vmem>>
    %dma_start3A_24 = arith.constant 0 : i32
    %dma_start3A_25 = arith.constant 0 : i32
    %dma_start3A_26 = tpu.memref_slice %arg2[%dma_start3A_24, %dma_start3A_25] : memref<10240x64xf32, #tpu.memory_space<hbm>> -> memref<10240x64xf32, #tpu.memory_space<hbm>>
    tpu.enqueue_indirect_dma source(%dma_start3A_26 : memref<10240x64xf32, #tpu.memory_space<hbm>>) target(%arg9 : memref<400x64xf32, #tpu.memory_space<vmem>>) offsets(%dma_start3A_23 : memref<400xi32, #tpu.memory_space<vmem>>) semaphore(%arg13 : memref<!tpu.dma_semaphore, #tpu.memory_space<semaphore_mem>>)
    %dma_start3A_27 = arith.constant 1 : i32
    %dma_start3A_28 = arith.constant 0 : i32
    %dma_start3A_29 = tpu.memref_slice %arg7[%dma_start3A_27, %dma_start3A_28] : memref<25x400xi32, #tpu.memory_space<vmem>> -> memref<1x400xi32, #tpu.memory_space<vmem>>
    %dma_start3A_30 = tpu.memref_squeeze %dma_start3A_29 : memref<1x400xi32, #tpu.memory_space<vmem>> -> memref<400xi32, #tpu.memory_space<vmem>>
    %dma_start3A_31 = arith.constant 0 : i32
    %dma_start3A_32 = arith.constant 0 : i32
    %dma_start3A_33 = tpu.memref_slice %arg2[%dma_start3A_31, %dma_start3A_32] : memref<10240x64xf32, #tpu.memory_space<hbm>> -> memref<10240x64xf32, #tpu.memory_space<hbm>>
    tpu.enqueue_indirect_dma source(%dma_start3A_33 : memref<10240x64xf32, #tpu.memory_space<hbm>>) target(%arg10 : memref<400x64xf32, #tpu.memory_space<vmem>>) offsets(%dma_start3A_30 : memref<400xi32, #tpu.memory_space<vmem>>) semaphore(%arg14 : memref<!tpu.dma_semaphore, #tpu.memory_space<semaphore_mem>>)
    %scan3A = arith.constant 0 : i32
    %scan3A_34 = arith.constant 0 : i32
    %scan3A_35 = arith.constant 12 : i32
    %scan3A_36 = arith.addi %scan3A_34, %scan3A_35 : i32
    %scan3A_37 = arith.constant 1 : i32
    scf.for %scan3A_76 = %scan3A_34 to %scan3A_36 step %scan3A_37  : i32 {
      %mul3A_77 = arith.constant 2 : i32
      %mul3A_78 = arith.muli %scan3A_76, %mul3A_77 : i32
      %add3A_79 = arith.constant 0 : i32
      %add3A_80 = arith.addi %mul3A_78, %add3A_79 : i32
      %dma_wait3A_81 = arith.constant 0 : i32
      %dma_wait3A_82 = tpu.memref_slice %arg7[%add3A_80, %dma_wait3A_81] : memref<25x400xi32, #tpu.memory_space<vmem>> -> memref<1x400xi32, #tpu.memory_space<vmem>>
      %dma_wait3A_83 = tpu.memref_squeeze %dma_wait3A_82 : memref<1x400xi32, #tpu.memory_space<vmem>> -> memref<400xi32, #tpu.memory_space<vmem>>
      %dma_wait3A_84 = arith.constant 0 : i32
      %dma_wait3A_85 = arith.constant 0 : i32
      %dma_wait3A_86 = tpu.memref_slice %arg2[%dma_wait3A_84, %dma_wait3A_85] : memref<10240x64xf32, #tpu.memory_space<hbm>> -> memref<10240x64xf32, #tpu.memory_space<hbm>>
      tpu.wait_indirect_dma semaphore(%arg13 : memref<!tpu.dma_semaphore, #tpu.memory_space<semaphore_mem>>) src(%dma_wait3A_86 : memref<10240x64xf32, #tpu.memory_space<hbm>>) dst(%arg9 : memref<400x64xf32, #tpu.memory_space<vmem>>)
      "tpu.region"() ({
        %run_scoped3A_106 = tpu.sem_alloc : memref<!tpu.dma_semaphore, #tpu.memory_space<semaphore_mem>>
        %dma_start3A_107 = arith.constant 0 : i32
        %dma_start3A_108 = tpu.memref_slice %arg8[%add3A_80, %dma_start3A_107] : memref<25x400xi32, #tpu.memory_space<vmem>> -> memref<1x400xi32, #tpu.memory_space<vmem>>
        %dma_start3A_109 = tpu.memref_squeeze %dma_start3A_108 : memref<1x400xi32, #tpu.memory_space<vmem>> -> memref<400xi32, #tpu.memory_space<vmem>>
        %dma_start3A_110 = arith.constant 0 : i32
        %dma_start3A_111 = arith.constant 0 : i32
        %dma_start3A_112 = tpu.memref_slice %arg12[%dma_start3A_110, %dma_start3A_111] : memref<10240x64xf32, #tpu.memory_space<vmem_shared>> -> memref<10240x64xf32, #tpu.memory_space<vmem_shared>>
        tpu.enqueue_indirect_dma source(%arg9 : memref<400x64xf32, #tpu.memory_space<vmem>>) target(%dma_start3A_112 : memref<10240x64xf32, #tpu.memory_space<vmem_shared>>) offsets(%dma_start3A_109 : memref<400xi32, #tpu.memory_space<vmem>>) semaphore(%run_scoped3A_106 : memref<!tpu.dma_semaphore, #tpu.memory_space<semaphore_mem>>) {add = true}
        %dma_wait3A_113 = arith.constant 0 : i32
        %dma_wait3A_114 = tpu.memref_slice %arg8[%add3A_80, %dma_wait3A_113] : memref<25x400xi32, #tpu.memory_space<vmem>> -> memref<1x400xi32, #tpu.memory_space<vmem>>
        %dma_wait3A_115 = tpu.memref_squeeze %dma_wait3A_114 : memref<1x400xi32, #tpu.memory_space<vmem>> -> memref<400xi32, #tpu.memory_space<vmem>>
        %dma_wait3A_116 = arith.constant 0 : i32
        %dma_wait3A_117 = arith.constant 0 : i32
        %dma_wait3A_118 = tpu.memref_slice %arg12[%dma_wait3A_116, %dma_wait3A_117] : memref<10240x64xf32, #tpu.memory_space<vmem_shared>> -> memref<10240x64xf32, #tpu.memory_space<vmem_shared>>
        tpu.wait_indirect_dma semaphore(%run_scoped3A_106 : memref<!tpu.dma_semaphore, #tpu.memory_space<semaphore_mem>>) src(%arg9 : memref<400x64xf32, #tpu.memory_space<vmem>>) dst(%dma_wait3A_118 : memref<10240x64xf32, #tpu.memory_space<vmem_shared>>)
        tpu.yield
      }) : () -> ()
      %add3A_87 = arith.constant 2 : i32
      %add3A_88 = arith.addi %add3A_80, %add3A_87 : i32
      %lt3A = arith.constant 25 : i32
      %lt3A_89 = arith.cmpi slt, %add3A_88, %lt3A : i32
      %convert_element_type3A = arith.extui %lt3A_89 : i1 to i32
      %cond3A = arith.constant 0 : i32
      %cond3A_90 = arith.cmpi ne, %convert_element_type3A, %cond3A : i32
      scf.if %cond3A_90 {
        %add3A_106 = arith.constant 2 : i32
        %add3A_107 = arith.addi %add3A_80, %add3A_106 : i32
        %dma_start3A_108 = arith.constant 0 : i32
        %dma_start3A_109 = tpu.memref_slice %arg7[%add3A_107, %dma_start3A_108] : memref<25x400xi32, #tpu.memory_space<vmem>> -> memref<1x400xi32, #tpu.memory_space<vmem>>
        %dma_start3A_110 = tpu.memref_squeeze %dma_start3A_109 : memref<1x400xi32, #tpu.memory_space<vmem>> -> memref<400xi32, #tpu.memory_space<vmem>>
        %dma_start3A_111 = arith.constant 0 : i32
        %dma_start3A_112 = arith.constant 0 : i32
        %dma_start3A_113 = tpu.memref_slice %arg2[%dma_start3A_111, %dma_start3A_112] : memref<10240x64xf32, #tpu.memory_space<hbm>> -> memref<10240x64xf32, #tpu.memory_space<hbm>>
        tpu.enqueue_indirect_dma source(%dma_start3A_113 : memref<10240x64xf32, #tpu.memory_space<hbm>>) target(%arg9 : memref<400x64xf32, #tpu.memory_space<vmem>>) offsets(%dma_start3A_110 : memref<400xi32, #tpu.memory_space<vmem>>) semaphore(%arg13 : memref<!tpu.dma_semaphore, #tpu.memory_space<semaphore_mem>>)
      } else {
      }
      %add3A_91 = arith.constant 1 : i32
      %add3A_92 = arith.addi %mul3A_78, %add3A_91 : i32
      %dma_wait3A_93 = arith.constant 0 : i32
      %dma_wait3A_94 = tpu.memref_slice %arg7[%add3A_92, %dma_wait3A_93] : memref<25x400xi32, #tpu.memory_space<vmem>> -> memref<1x400xi32, #tpu.memory_space<vmem>>
      %dma_wait3A_95 = tpu.memref_squeeze %dma_wait3A_94 : memref<1x400xi32, #tpu.memory_space<vmem>> -> memref<400xi32, #tpu.memory_space<vmem>>
      %dma_wait3A_96 = arith.constant 0 : i32
      %dma_wait3A_97 = arith.constant 0 : i32
      %dma_wait3A_98 = tpu.memref_slice %arg2[%dma_wait3A_96, %dma_wait3A_97] : memref<10240x64xf32, #tpu.memory_space<hbm>> -> memref<10240x64xf32, #tpu.memory_space<hbm>>
      tpu.wait_indirect_dma semaphore(%arg14 : memref<!tpu.dma_semaphore, #tpu.memory_space<semaphore_mem>>) src(%dma_wait3A_98 : memref<10240x64xf32, #tpu.memory_space<hbm>>) dst(%arg10 : memref<400x64xf32, #tpu.memory_space<vmem>>)
      "tpu.region"() ({
        %run_scoped3A_106 = tpu.sem_alloc : memref<!tpu.dma_semaphore, #tpu.memory_space<semaphore_mem>>
        %dma_start3A_107 = arith.constant 0 : i32
        %dma_start3A_108 = tpu.memref_slice %arg8[%add3A_92, %dma_start3A_107] : memref<25x400xi32, #tpu.memory_space<vmem>> -> memref<1x400xi32, #tpu.memory_space<vmem>>
        %dma_start3A_109 = tpu.memref_squeeze %dma_start3A_108 : memref<1x400xi32, #tpu.memory_space<vmem>> -> memref<400xi32, #tpu.memory_space<vmem>>
        %dma_start3A_110 = arith.constant 0 : i32
        %dma_start3A_111 = arith.constant 0 : i32
        %dma_start3A_112 = tpu.memref_slice %arg12[%dma_start3A_110, %dma_start3A_111] : memref<10240x64xf32, #tpu.memory_space<vmem_shared>> -> memref<10240x64xf32, #tpu.memory_space<vmem_shared>>
        tpu.enqueue_indirect_dma source(%arg10 : memref<400x64xf32, #tpu.memory_space<vmem>>) target(%dma_start3A_112 : memref<10240x64xf32, #tpu.memory_space<vmem_shared>>) offsets(%dma_start3A_109 : memref<400xi32, #tpu.memory_space<vmem>>) semaphore(%run_scoped3A_106 : memref<!tpu.dma_semaphore, #tpu.memory_space<semaphore_mem>>) {add = true}
        %dma_wait3A_113 = arith.constant 0 : i32
        %dma_wait3A_114 = tpu.memref_slice %arg8[%add3A_92, %dma_wait3A_113] : memref<25x400xi32, #tpu.memory_space<vmem>> -> memref<1x400xi32, #tpu.memory_space<vmem>>
        %dma_wait3A_115 = tpu.memref_squeeze %dma_wait3A_114 : memref<1x400xi32, #tpu.memory_space<vmem>> -> memref<400xi32, #tpu.memory_space<vmem>>
        %dma_wait3A_116 = arith.constant 0 : i32
        %dma_wait3A_117 = arith.constant 0 : i32
        %dma_wait3A_118 = tpu.memref_slice %arg12[%dma_wait3A_116, %dma_wait3A_117] : memref<10240x64xf32, #tpu.memory_space<vmem_shared>> -> memref<10240x64xf32, #tpu.memory_space<vmem_shared>>
        tpu.wait_indirect_dma semaphore(%run_scoped3A_106 : memref<!tpu.dma_semaphore, #tpu.memory_space<semaphore_mem>>) src(%arg10 : memref<400x64xf32, #tpu.memory_space<vmem>>) dst(%dma_wait3A_118 : memref<10240x64xf32, #tpu.memory_space<vmem_shared>>)
        tpu.yield
      }) : () -> ()
      %add3A_99 = arith.constant 2 : i32
      %add3A_100 = arith.addi %add3A_92, %add3A_99 : i32
      %lt3A_101 = arith.constant 25 : i32
      %lt3A_102 = arith.cmpi slt, %add3A_100, %lt3A_101 : i32
      %convert_element_type3A_103 = arith.extui %lt3A_102 : i1 to i32
      %cond3A_104 = arith.constant 0 : i32
      %cond3A_105 = arith.cmpi ne, %convert_element_type3A_103, %cond3A_104 : i32
      scf.if %cond3A_105 {
        %add3A_106 = arith.constant 2 : i32
        %add3A_107 = arith.addi %add3A_92, %add3A_106 : i32
        %dma_start3A_108 = arith.constant 0 : i32
        %dma_start3A_109 = tpu.memref_slice %arg7[%add3A_107, %dma_start3A_108] : memref<25x400xi32, #tpu.memory_space<vmem>> -> memref<1x400xi32, #tpu.memory_space<vmem>>
        %dma_start3A_110 = tpu.memref_squeeze %dma_start3A_109 : memref<1x400xi32, #tpu.memory_space<vmem>> -> memref<400xi32, #tpu.memory_space<vmem>>
        %dma_start3A_111 = arith.constant 0 : i32
        %dma_start3A_112 = arith.constant 0 : i32
        %dma_start3A_113 = tpu.memref_slice %arg2[%dma_start3A_111, %dma_start3A_112] : memref<10240x64xf32, #tpu.memory_space<hbm>> -> memref<10240x64xf32, #tpu.memory_space<hbm>>
        tpu.enqueue_indirect_dma source(%dma_start3A_113 : memref<10240x64xf32, #tpu.memory_space<hbm>>) target(%arg10 : memref<400x64xf32, #tpu.memory_space<vmem>>) offsets(%dma_start3A_110 : memref<400xi32, #tpu.memory_space<vmem>>) semaphore(%arg14 : memref<!tpu.dma_semaphore, #tpu.memory_space<semaphore_mem>>)
      } else {
      }
    }
    %scan3A_38 = arith.constant 12 : i32
    %dma_wait3A = arith.constant 24 : i32
    %dma_wait3A_39 = arith.constant 0 : i32
    %dma_wait3A_40 = tpu.memref_slice %arg7[%dma_wait3A, %dma_wait3A_39] : memref<25x400xi32, #tpu.memory_space<vmem>> -> memref<1x400xi32, #tpu.memory_space<vmem>>
    %dma_wait3A_41 = tpu.memref_squeeze %dma_wait3A_40 : memref<1x400xi32, #tpu.memory_space<vmem>> -> memref<400xi32, #tpu.memory_space<vmem>>
    %dma_wait3A_42 = arith.constant 0 : i32
    %dma_wait3A_43 = arith.constant 0 : i32
    %dma_wait3A_44 = tpu.memref_slice %arg2[%dma_wait3A_42, %dma_wait3A_43] : memref<10240x64xf32, #tpu.memory_space<hbm>> -> memref<10240x64xf32, #tpu.memory_space<hbm>>
    tpu.wait_indirect_dma semaphore(%arg13 : memref<!tpu.dma_semaphore, #tpu.memory_space<semaphore_mem>>) src(%dma_wait3A_44 : memref<10240x64xf32, #tpu.memory_space<hbm>>) dst(%arg9 : memref<400x64xf32, #tpu.memory_space<vmem>>)
    %run_scoped3A = arith.constant 24 : i32
    "tpu.region"() ({
      %run_scoped3A_76 = tpu.sem_alloc : memref<!tpu.dma_semaphore, #tpu.memory_space<semaphore_mem>>
      %dma_start3A_77 = arith.constant 0 : i32
      %dma_start3A_78 = tpu.memref_slice %arg8[%run_scoped3A, %dma_start3A_77] : memref<25x400xi32, #tpu.memory_space<vmem>> -> memref<1x400xi32, #tpu.memory_space<vmem>>
      %dma_start3A_79 = tpu.memref_squeeze %dma_start3A_78 : memref<1x400xi32, #tpu.memory_space<vmem>> -> memref<400xi32, #tpu.memory_space<vmem>>
      %dma_start3A_80 = arith.constant 0 : i32
      %dma_start3A_81 = arith.constant 0 : i32
      %dma_start3A_82 = tpu.memref_slice %arg12[%dma_start3A_80, %dma_start3A_81] : memref<10240x64xf32, #tpu.memory_space<vmem_shared>> -> memref<10240x64xf32, #tpu.memory_space<vmem_shared>>
      tpu.enqueue_indirect_dma source(%arg9 : memref<400x64xf32, #tpu.memory_space<vmem>>) target(%dma_start3A_82 : memref<10240x64xf32, #tpu.memory_space<vmem_shared>>) offsets(%dma_start3A_79 : memref<400xi32, #tpu.memory_space<vmem>>) semaphore(%run_scoped3A_76 : memref<!tpu.dma_semaphore, #tpu.memory_space<semaphore_mem>>) {add = true}
      %dma_wait3A_83 = arith.constant 0 : i32
      %dma_wait3A_84 = tpu.memref_slice %arg8[%run_scoped3A, %dma_wait3A_83] : memref<25x400xi32, #tpu.memory_space<vmem>> -> memref<1x400xi32, #tpu.memory_space<vmem>>
      %dma_wait3A_85 = tpu.memref_squeeze %dma_wait3A_84 : memref<1x400xi32, #tpu.memory_space<vmem>> -> memref<400xi32, #tpu.memory_space<vmem>>
      %dma_wait3A_86 = arith.constant 0 : i32
      %dma_wait3A_87 = arith.constant 0 : i32
      %dma_wait3A_88 = tpu.memref_slice %arg12[%dma_wait3A_86, %dma_wait3A_87] : memref<10240x64xf32, #tpu.memory_space<vmem_shared>> -> memref<10240x64xf32, #tpu.memory_space<vmem_shared>>
      tpu.wait_indirect_dma semaphore(%run_scoped3A_76 : memref<!tpu.dma_semaphore, #tpu.memory_space<semaphore_mem>>) src(%arg9 : memref<400x64xf32, #tpu.memory_space<vmem>>) dst(%dma_wait3A_88 : memref<10240x64xf32, #tpu.memory_space<vmem_shared>>)
      tpu.yield
    }) : () -> ()
    %barrier3A_45 = arith.constant 0 : index
    tpu.barrier barrier_id(%barrier3A_45)
    %mul3A_46 = arith.constant 10240 : i32
    %mul3A_47 = arith.muli %arg0, %mul3A_46 : i32
    %mul3A_48 = arith.constant 640 : i32
    %mul3A_49 = arith.muli %arg1, %mul3A_48 : i32
    %add3A_50 = arith.addi %mul3A_47, %mul3A_49 : i32
    %multiple_of3A_51 = tpu.assume_multiple %add3A_50, 8 : i32
    %mul3A_52 = arith.constant 640 : i32
    %mul3A_53 = arith.muli %arg1, %mul3A_52 : i32
    %add3A_54 = arith.constant 0 : i32
    %add3A_55 = arith.addi %mul3A_53, %add3A_54 : i32
    "tpu.region"() ({
      %run_scoped3A_76 = tpu.sem_alloc : memref<!tpu.dma_semaphore, #tpu.memory_space<semaphore_mem>>
      %dma_start3A_77 = arith.constant 0 : i32
      %dma_start3A_78 = tpu.memref_slice %arg12[%add3A_55, %dma_start3A_77] : memref<10240x64xf32, #tpu.memory_space<vmem_shared>> -> memref<160x64xf32, #tpu.memory_space<vmem_shared>>
      %dma_start3A_79 = arith.constant 0 : i32
      %dma_start3A_80 = tpu.memref_slice %arg12[%add3A_55, %dma_start3A_79] : memref<10240x64xf32, #tpu.memory_space<vmem_shared>> -> memref<160x64xf32, #tpu.memory_space<vmem_shared>>
      tpu.enqueue_dma source(%dma_start3A_80 : memref<160x64xf32, #tpu.memory_space<vmem_shared>>) target(%arg11 : memref<160x64xf32, #tpu.memory_space<vmem>>) target_semaphore(%run_scoped3A_76 : memref<!tpu.dma_semaphore, #tpu.memory_space<semaphore_mem>>)
      %dma_wait3A_81 = arith.constant 0 : i32
      %dma_wait3A_82 = tpu.memref_slice %arg12[%add3A_55, %dma_wait3A_81] : memref<10240x64xf32, #tpu.memory_space<vmem_shared>> -> memref<160x64xf32, #tpu.memory_space<vmem_shared>>
      %dma_wait3A_83 = arith.constant 0 : i32
      %dma_wait3A_84 = tpu.memref_slice %arg12[%add3A_55, %dma_wait3A_83] : memref<10240x64xf32, #tpu.memory_space<vmem_shared>> -> memref<160x64xf32, #tpu.memory_space<vmem_shared>>
      tpu.wait_dma2 semaphore(%run_scoped3A_76 : memref<!tpu.dma_semaphore, #tpu.memory_space<semaphore_mem>>) src(%dma_wait3A_84 : memref<160x64xf32, #tpu.memory_space<vmem_shared>>) dst(%arg11 : memref<160x64xf32, #tpu.memory_space<vmem>>)
      tpu.yield
    }) : () -> ()
    %add3A_56 = arith.constant 0 : i32
    %add3A_57 = arith.addi %multiple_of3A_51, %add3A_56 : i32
    "tpu.region"() ({
      %run_scoped3A_76 = tpu.sem_alloc : memref<!tpu.dma_semaphore, #tpu.memory_space<semaphore_mem>>
      %dma_start3A_77 = arith.constant 0 : i32
      %dma_start3A_78 = tpu.memref_slice %arg6[%add3A_57, %dma_start3A_77] : memref<20480x64xf32, #tpu.memory_space<hbm>> -> memref<160x64xf32, #tpu.memory_space<hbm>>
      %dma_start3A_79 = arith.constant 0 : i32
      %dma_start3A_80 = tpu.memref_slice %arg6[%add3A_57, %dma_start3A_79] : memref<20480x64xf32, #tpu.memory_space<hbm>> -> memref<160x64xf32, #tpu.memory_space<hbm>>
      tpu.enqueue_dma source(%arg11 : memref<160x64xf32, #tpu.memory_space<vmem>>) target(%dma_start3A_80 : memref<160x64xf32, #tpu.memory_space<hbm>>) target_semaphore(%run_scoped3A_76 : memref<!tpu.dma_semaphore, #tpu.memory_space<semaphore_mem>>)
      %dma_wait3A_81 = arith.constant 0 : i32
      %dma_wait3A_82 = tpu.memref_slice %arg6[%add3A_57, %dma_wait3A_81] : memref<20480x64xf32, #tpu.memory_space<hbm>> -> memref<160x64xf32, #tpu.memory_space<hbm>>
      %dma_wait3A_83 = arith.constant 0 : i32
      %dma_wait3A_84 = tpu.memref_slice %arg6[%add3A_57, %dma_wait3A_83] : memref<20480x64xf32, #tpu.memory_space<hbm>> -> memref<160x64xf32, #tpu.memory_space<hbm>>
      tpu.wait_dma2 semaphore(%run_scoped3A_76 : memref<!tpu.dma_semaphore, #tpu.memory_space<semaphore_mem>>) src(%arg11 : memref<160x64xf32, #tpu.memory_space<vmem>>) dst(%dma_wait3A_84 : memref<160x64xf32, #tpu.memory_space<hbm>>)
      tpu.yield
    }) : () -> ()
    %mul3A_58 = arith.constant 640 : i32
    %mul3A_59 = arith.muli %arg1, %mul3A_58 : i32
    %add3A_60 = arith.constant 160 : i32
    %add3A_61 = arith.addi %mul3A_59, %add3A_60 : i32
    "tpu.region"() ({
      %run_scoped3A_76 = tpu.sem_alloc : memref<!tpu.dma_semaphore, #tpu.memory_space<semaphore_mem>>
      %dma_start3A_77 = arith.constant 0 : i32
      %dma_start3A_78 = tpu.memref_slice %arg12[%add3A_61, %dma_start3A_77] : memref<10240x64xf32, #tpu.memory_space<vmem_shared>> -> memref<160x64xf32, #tpu.memory_space<vmem_shared>>
      %dma_start3A_79 = arith.constant 0 : i32
      %dma_start3A_80 = tpu.memref_slice %arg12[%add3A_61, %dma_start3A_79] : memref<10240x64xf32, #tpu.memory_space<vmem_shared>> -> memref<160x64xf32, #tpu.memory_space<vmem_shared>>
      tpu.enqueue_dma source(%dma_start3A_80 : memref<160x64xf32, #tpu.memory_space<vmem_shared>>) target(%arg11 : memref<160x64xf32, #tpu.memory_space<vmem>>) target_semaphore(%run_scoped3A_76 : memref<!tpu.dma_semaphore, #tpu.memory_space<semaphore_mem>>)
      %dma_wait3A_81 = arith.constant 0 : i32
      %dma_wait3A_82 = tpu.memref_slice %arg12[%add3A_61, %dma_wait3A_81] : memref<10240x64xf32, #tpu.memory_space<vmem_shared>> -> memref<160x64xf32, #tpu.memory_space<vmem_shared>>
      %dma_wait3A_83 = arith.constant 0 : i32
      %dma_wait3A_84 = tpu.memref_slice %arg12[%add3A_61, %dma_wait3A_83] : memref<10240x64xf32, #tpu.memory_space<vmem_shared>> -> memref<160x64xf32, #tpu.memory_space<vmem_shared>>
      tpu.wait_dma2 semaphore(%run_scoped3A_76 : memref<!tpu.dma_semaphore, #tpu.memory_space<semaphore_mem>>) src(%dma_wait3A_84 : memref<160x64xf32, #tpu.memory_space<vmem_shared>>) dst(%arg11 : memref<160x64xf32, #tpu.memory_space<vmem>>)
      tpu.yield
    }) : () -> ()
    %add3A_62 = arith.constant 160 : i32
    %add3A_63 = arith.addi %multiple_of3A_51, %add3A_62 : i32
    "tpu.region"() ({
      %run_scoped3A_76 = tpu.sem_alloc : memref<!tpu.dma_semaphore, #tpu.memory_space<semaphore_mem>>
      %dma_start3A_77 = arith.constant 0 : i32
      %dma_start3A_78 = tpu.memref_slice %arg6[%add3A_63, %dma_start3A_77] : memref<20480x64xf32, #tpu.memory_space<hbm>> -> memref<160x64xf32, #tpu.memory_space<hbm>>
      %dma_start3A_79 = arith.constant 0 : i32
      %dma_start3A_80 = tpu.memref_slice %arg6[%add3A_63, %dma_start3A_79] : memref<20480x64xf32, #tpu.memory_space<hbm>> -> memref<160x64xf32, #tpu.memory_space<hbm>>
      tpu.enqueue_dma source(%arg11 : memref<160x64xf32, #tpu.memory_space<vmem>>) target(%dma_start3A_80 : memref<160x64xf32, #tpu.memory_space<hbm>>) target_semaphore(%run_scoped3A_76 : memref<!tpu.dma_semaphore, #tpu.memory_space<semaphore_mem>>)
      %dma_wait3A_81 = arith.constant 0 : i32
      %dma_wait3A_82 = tpu.memref_slice %arg6[%add3A_63, %dma_wait3A_81] : memref<20480x64xf32, #tpu.memory_space<hbm>> -> memref<160x64xf32, #tpu.memory_space<hbm>>
      %dma_wait3A_83 = arith.constant 0 : i32
      %dma_wait3A_84 = tpu.memref_slice %arg6[%add3A_63, %dma_wait3A_83] : memref<20480x64xf32, #tpu.memory_space<hbm>> -> memref<160x64xf32, #tpu.memory_space<hbm>>
      tpu.wait_dma2 semaphore(%run_scoped3A_76 : memref<!tpu.dma_semaphore, #tpu.memory_space<semaphore_mem>>) src(%arg11 : memref<160x64xf32, #tpu.memory_space<vmem>>) dst(%dma_wait3A_84 : memref<160x64xf32, #tpu.memory_space<hbm>>)
      tpu.yield
    }) : () -> ()
    %mul3A_64 = arith.constant 640 : i32
    %mul3A_65 = arith.muli %arg1, %mul3A_64 : i32
    %add3A_66 = arith.constant 320 : i32
    %add3A_67 = arith.addi %mul3A_65, %add3A_66 : i32
    "tpu.region"() ({
      %run_scoped3A_76 = tpu.sem_alloc : memref<!tpu.dma_semaphore, #tpu.memory_space<semaphore_mem>>
      %dma_start3A_77 = arith.constant 0 : i32
      %dma_start3A_78 = tpu.memref_slice %arg12[%add3A_67, %dma_start3A_77] : memref<10240x64xf32, #tpu.memory_space<vmem_shared>> -> memref<160x64xf32, #tpu.memory_space<vmem_shared>>
      %dma_start3A_79 = arith.constant 0 : i32
      %dma_start3A_80 = tpu.memref_slice %arg12[%add3A_67, %dma_start3A_79] : memref<10240x64xf32, #tpu.memory_space<vmem_shared>> -> memref<160x64xf32, #tpu.memory_space<vmem_shared>>
      tpu.enqueue_dma source(%dma_start3A_80 : memref<160x64xf32, #tpu.memory_space<vmem_shared>>) target(%arg11 : memref<160x64xf32, #tpu.memory_space<vmem>>) target_semaphore(%run_scoped3A_76 : memref<!tpu.dma_semaphore, #tpu.memory_space<semaphore_mem>>)
      %dma_wait3A_81 = arith.constant 0 : i32
      %dma_wait3A_82 = tpu.memref_slice %arg12[%add3A_67, %dma_wait3A_81] : memref<10240x64xf32, #tpu.memory_space<vmem_shared>> -> memref<160x64xf32, #tpu.memory_space<vmem_shared>>
      %dma_wait3A_83 = arith.constant 0 : i32
      %dma_wait3A_84 = tpu.memref_slice %arg12[%add3A_67, %dma_wait3A_83] : memref<10240x64xf32, #tpu.memory_space<vmem_shared>> -> memref<160x64xf32, #tpu.memory_space<vmem_shared>>
      tpu.wait_dma2 semaphore(%run_scoped3A_76 : memref<!tpu.dma_semaphore, #tpu.memory_space<semaphore_mem>>) src(%dma_wait3A_84 : memref<160x64xf32, #tpu.memory_space<vmem_shared>>) dst(%arg11 : memref<160x64xf32, #tpu.memory_space<vmem>>)
      tpu.yield
    }) : () -> ()
    %add3A_68 = arith.constant 320 : i32
    %add3A_69 = arith.addi %multiple_of3A_51, %add3A_68 : i32
    "tpu.region"() ({
      %run_scoped3A_76 = tpu.sem_alloc : memref<!tpu.dma_semaphore, #tpu.memory_space<semaphore_mem>>
      %dma_start3A_77 = arith.constant 0 : i32
      %dma_start3A_78 = tpu.memref_slice %arg6[%add3A_69, %dma_start3A_77] : memref<20480x64xf32, #tpu.memory_space<hbm>> -> memref<160x64xf32, #tpu.memory_space<hbm>>
      %dma_start3A_79 = arith.constant 0 : i32
      %dma_start3A_80 = tpu.memref_slice %arg6[%add3A_69, %dma_start3A_79] : memref<20480x64xf32, #tpu.memory_space<hbm>> -> memref<160x64xf32, #tpu.memory_space<hbm>>
      tpu.enqueue_dma source(%arg11 : memref<160x64xf32, #tpu.memory_space<vmem>>) target(%dma_start3A_80 : memref<160x64xf32, #tpu.memory_space<hbm>>) target_semaphore(%run_scoped3A_76 : memref<!tpu.dma_semaphore, #tpu.memory_space<semaphore_mem>>)
      %dma_wait3A_81 = arith.constant 0 : i32
      %dma_wait3A_82 = tpu.memref_slice %arg6[%add3A_69, %dma_wait3A_81] : memref<20480x64xf32, #tpu.memory_space<hbm>> -> memref<160x64xf32, #tpu.memory_space<hbm>>
      %dma_wait3A_83 = arith.constant 0 : i32
      %dma_wait3A_84 = tpu.memref_slice %arg6[%add3A_69, %dma_wait3A_83] : memref<20480x64xf32, #tpu.memory_space<hbm>> -> memref<160x64xf32, #tpu.memory_space<hbm>>
      tpu.wait_dma2 semaphore(%run_scoped3A_76 : memref<!tpu.dma_semaphore, #tpu.memory_space<semaphore_mem>>) src(%arg11 : memref<160x64xf32, #tpu.memory_space<vmem>>) dst(%dma_wait3A_84 : memref<160x64xf32, #tpu.memory_space<hbm>>)
      tpu.yield
    }) : () -> ()
    %mul3A_70 = arith.constant 640 : i32
    %mul3A_71 = arith.muli %arg1, %mul3A_70 : i32
    %add3A_72 = arith.constant 480 : i32
    %add3A_73 = arith.addi %mul3A_71, %add3A_72 : i32
    "tpu.region"() ({
      %run_scoped3A_76 = tpu.sem_alloc : memref<!tpu.dma_semaphore, #tpu.memory_space<semaphore_mem>>
      %dma_start3A_77 = arith.constant 0 : i32
      %dma_start3A_78 = tpu.memref_slice %arg12[%add3A_73, %dma_start3A_77] : memref<10240x64xf32, #tpu.memory_space<vmem_shared>> -> memref<160x64xf32, #tpu.memory_space<vmem_shared>>
      %dma_start3A_79 = arith.constant 0 : i32
      %dma_start3A_80 = tpu.memref_slice %arg12[%add3A_73, %dma_start3A_79] : memref<10240x64xf32, #tpu.memory_space<vmem_shared>> -> memref<160x64xf32, #tpu.memory_space<vmem_shared>>
      tpu.enqueue_dma source(%dma_start3A_80 : memref<160x64xf32, #tpu.memory_space<vmem_shared>>) target(%arg11 : memref<160x64xf32, #tpu.memory_space<vmem>>) target_semaphore(%run_scoped3A_76 : memref<!tpu.dma_semaphore, #tpu.memory_space<semaphore_mem>>)
      %dma_wait3A_81 = arith.constant 0 : i32
      %dma_wait3A_82 = tpu.memref_slice %arg12[%add3A_73, %dma_wait3A_81] : memref<10240x64xf32, #tpu.memory_space<vmem_shared>> -> memref<160x64xf32, #tpu.memory_space<vmem_shared>>
      %dma_wait3A_83 = arith.constant 0 : i32
      %dma_wait3A_84 = tpu.memref_slice %arg12[%add3A_73, %dma_wait3A_83] : memref<10240x64xf32, #tpu.memory_space<vmem_shared>> -> memref<160x64xf32, #tpu.memory_space<vmem_shared>>
      tpu.wait_dma2 semaphore(%run_scoped3A_76 : memref<!tpu.dma_semaphore, #tpu.memory_space<semaphore_mem>>) src(%dma_wait3A_84 : memref<160x64xf32, #tpu.memory_space<vmem_shared>>) dst(%arg11 : memref<160x64xf32, #tpu.memory_space<vmem>>)
      tpu.yield
    }) : () -> ()
    %add3A_74 = arith.constant 480 : i32
    %add3A_75 = arith.addi %multiple_of3A_51, %add3A_74 : i32
    "tpu.region"() ({
      %run_scoped3A_76 = tpu.sem_alloc : memref<!tpu.dma_semaphore, #tpu.memory_space<semaphore_mem>>
      %dma_start3A_77 = arith.constant 0 : i32
      %dma_start3A_78 = tpu.memref_slice %arg6[%add3A_75, %dma_start3A_77] : memref<20480x64xf32, #tpu.memory_space<hbm>> -> memref<160x64xf32, #tpu.memory_space<hbm>>
      %dma_start3A_79 = arith.constant 0 : i32
      %dma_start3A_80 = tpu.memref_slice %arg6[%add3A_75, %dma_start3A_79] : memref<20480x64xf32, #tpu.memory_space<hbm>> -> memref<160x64xf32, #tpu.memory_space<hbm>>
      tpu.enqueue_dma source(%arg11 : memref<160x64xf32, #tpu.memory_space<vmem>>) target(%dma_start3A_80 : memref<160x64xf32, #tpu.memory_space<hbm>>) target_semaphore(%run_scoped3A_76 : memref<!tpu.dma_semaphore, #tpu.memory_space<semaphore_mem>>)
      %dma_wait3A_81 = arith.constant 0 : i32
      %dma_wait3A_82 = tpu.memref_slice %arg6[%add3A_75, %dma_wait3A_81] : memref<20480x64xf32, #tpu.memory_space<hbm>> -> memref<160x64xf32, #tpu.memory_space<hbm>>
      %dma_wait3A_83 = arith.constant 0 : i32
      %dma_wait3A_84 = tpu.memref_slice %arg6[%add3A_75, %dma_wait3A_83] : memref<20480x64xf32, #tpu.memory_space<hbm>> -> memref<160x64xf32, #tpu.memory_space<hbm>>
      tpu.wait_dma2 semaphore(%run_scoped3A_76 : memref<!tpu.dma_semaphore, #tpu.memory_space<semaphore_mem>>) src(%arg11 : memref<160x64xf32, #tpu.memory_space<vmem>>) dst(%dma_wait3A_84 : memref<160x64xf32, #tpu.memory_space<hbm>>)
      tpu.yield
    }) : () -> ()
    return
  }
}

#map = affine_map<(d0, d1) -> (0, 0)>
module attributes {stable_mosaic.version = 14 : i64} {
  func.func @body(%arg0: i32, %arg1: i32, %arg2: memref<800x400xi32, #tpu.memory_space<hbm>>, %arg3: memref<640x8xf32, #tpu.memory_space<hbm>>, %arg4: memref<400x8xf32, #tpu.memory_space<hbm>>, %arg5: memref<20480x8xf32, #tpu.memory_space<hbm>>, %arg6: memref<25x400xi32, #tpu.memory_space<vmem>>, %arg7: memref<400x8xf32, #tpu.memory_space<vmem>>, %arg8: memref<640x8xf32, #tpu.memory_space<vmem>>, %arg9: memref<10240x8xf32, #tpu.memory_space<vmem_shared>>, %arg10: memref<!tpu.dma_semaphore, #tpu.memory_space<semaphore_mem>>) attributes {dimension_semantics = [#tpu.dimension_semantics<core_parallel>, #tpu.dimension_semantics<subcore_parallel>], iteration_bounds = array<i64: 2, 16>, scalar_prefetch = 0 : i64, scratch_operands = 5 : i64, tpu.core_type = #tpu.core_type<sc_vector_subcore>, window_params = [{transform_indices = #map}, {transform_indices = #map}, {transform_indices = #map}, {transform_indices = #map}]} {
    %mul3A = arith.constant 16 : i32
    %mul3A_0 = arith.muli %arg0, %mul3A : i32
    %add3A = arith.addi %mul3A_0, %arg1 : i32
    %mul3A_1 = arith.constant 640 : i32
    %mul3A_2 = arith.muli %arg1, %mul3A_1 : i32
    "tpu.region"() ({
      %run_scoped3A = tpu.sem_alloc : memref<!tpu.dma_semaphore, #tpu.memory_space<semaphore_mem>>
      tpu.enqueue_dma source(%arg3 : memref<640x8xf32, #tpu.memory_space<hbm>>) target(%arg8 : memref<640x8xf32, #tpu.memory_space<vmem>>) target_semaphore(%run_scoped3A : memref<!tpu.dma_semaphore, #tpu.memory_space<semaphore_mem>>)
      tpu.wait_dma2 semaphore(%run_scoped3A : memref<!tpu.dma_semaphore, #tpu.memory_space<semaphore_mem>>) src(%arg3 : memref<640x8xf32, #tpu.memory_space<hbm>>) dst(%arg8 : memref<640x8xf32, #tpu.memory_space<vmem>>)
      tpu.yield
    }) : () -> ()
    "tpu.region"() ({
      %run_scoped3A = tpu.sem_alloc : memref<!tpu.dma_semaphore, #tpu.memory_space<semaphore_mem>>
      %dma_start3A = arith.constant 0 : i32
      %dma_start3A_23 = tpu.memref_slice %arg9[%mul3A_2, %dma_start3A] : memref<10240x8xf32, #tpu.memory_space<vmem_shared>> -> memref<640x8xf32, #tpu.memory_space<vmem_shared>>
      %dma_start3A_24 = arith.constant 0 : i32
      %dma_start3A_25 = tpu.memref_slice %arg9[%mul3A_2, %dma_start3A_24] : memref<10240x8xf32, #tpu.memory_space<vmem_shared>> -> memref<640x8xf32, #tpu.memory_space<vmem_shared>>
      tpu.enqueue_dma source(%arg8 : memref<640x8xf32, #tpu.memory_space<vmem>>) target(%dma_start3A_25 : memref<640x8xf32, #tpu.memory_space<vmem_shared>>) target_semaphore(%run_scoped3A : memref<!tpu.dma_semaphore, #tpu.memory_space<semaphore_mem>>)
      %dma_wait3A = arith.constant 0 : i32
      %dma_wait3A_26 = tpu.memref_slice %arg9[%mul3A_2, %dma_wait3A] : memref<10240x8xf32, #tpu.memory_space<vmem_shared>> -> memref<640x8xf32, #tpu.memory_space<vmem_shared>>
      %dma_wait3A_27 = arith.constant 0 : i32
      %dma_wait3A_28 = tpu.memref_slice %arg9[%mul3A_2, %dma_wait3A_27] : memref<10240x8xf32, #tpu.memory_space<vmem_shared>> -> memref<640x8xf32, #tpu.memory_space<vmem_shared>>
      tpu.wait_dma2 semaphore(%run_scoped3A : memref<!tpu.dma_semaphore, #tpu.memory_space<semaphore_mem>>) src(%arg8 : memref<640x8xf32, #tpu.memory_space<vmem>>) dst(%dma_wait3A_28 : memref<640x8xf32, #tpu.memory_space<vmem_shared>>)
      tpu.yield
    }) : () -> ()
    "tpu.region"() ({
      %run_scoped3A = tpu.sem_alloc : memref<!tpu.dma_semaphore, #tpu.memory_space<semaphore_mem>>
      tpu.enqueue_dma source(%arg4 : memref<400x8xf32, #tpu.memory_space<hbm>>) target(%arg7 : memref<400x8xf32, #tpu.memory_space<vmem>>) target_semaphore(%run_scoped3A : memref<!tpu.dma_semaphore, #tpu.memory_space<semaphore_mem>>)
      tpu.wait_dma2 semaphore(%run_scoped3A : memref<!tpu.dma_semaphore, #tpu.memory_space<semaphore_mem>>) src(%arg4 : memref<400x8xf32, #tpu.memory_space<hbm>>) dst(%arg7 : memref<400x8xf32, #tpu.memory_space<vmem>>)
      tpu.yield
    }) : () -> ()
    %mul3A_3 = arith.constant 25 : i32
    %mul3A_4 = arith.muli %add3A, %mul3A_3 : i32
    %multiple_of3A = tpu.assume_multiple %mul3A_4, 8 : i32
    "tpu.region"() ({
      %run_scoped3A = tpu.sem_alloc : memref<!tpu.dma_semaphore, #tpu.memory_space<semaphore_mem>>
      %dma_start3A = arith.constant 0 : i32
      %dma_start3A_23 = tpu.memref_slice %arg2[%multiple_of3A, %dma_start3A] : memref<800x400xi32, #tpu.memory_space<hbm>> -> memref<25x400xi32, #tpu.memory_space<hbm>>
      %dma_start3A_24 = arith.constant 0 : i32
      %dma_start3A_25 = tpu.memref_slice %arg2[%multiple_of3A, %dma_start3A_24] : memref<800x400xi32, #tpu.memory_space<hbm>> -> memref<25x400xi32, #tpu.memory_space<hbm>>
      tpu.enqueue_dma source(%dma_start3A_25 : memref<25x400xi32, #tpu.memory_space<hbm>>) target(%arg6 : memref<25x400xi32, #tpu.memory_space<vmem>>) target_semaphore(%run_scoped3A : memref<!tpu.dma_semaphore, #tpu.memory_space<semaphore_mem>>)
      %dma_wait3A = arith.constant 0 : i32
      %dma_wait3A_26 = tpu.memref_slice %arg2[%multiple_of3A, %dma_wait3A] : memref<800x400xi32, #tpu.memory_space<hbm>> -> memref<25x400xi32, #tpu.memory_space<hbm>>
      %dma_wait3A_27 = arith.constant 0 : i32
      %dma_wait3A_28 = tpu.memref_slice %arg2[%multiple_of3A, %dma_wait3A_27] : memref<800x400xi32, #tpu.memory_space<hbm>> -> memref<25x400xi32, #tpu.memory_space<hbm>>
      tpu.wait_dma2 semaphore(%run_scoped3A : memref<!tpu.dma_semaphore, #tpu.memory_space<semaphore_mem>>) src(%dma_wait3A_28 : memref<25x400xi32, #tpu.memory_space<hbm>>) dst(%arg6 : memref<25x400xi32, #tpu.memory_space<vmem>>)
      tpu.yield
    }) : () -> ()
    %barrier3A = arith.constant 0 : index
    tpu.barrier barrier_id(%barrier3A)
    %scan3A = arith.constant 0 : i32
    %scan3A_5 = arith.constant 0 : i32
    %scan3A_6 = arith.constant 25 : i32
    %scan3A_7 = arith.addi %scan3A_5, %scan3A_6 : i32
    %scan3A_8 = arith.constant 1 : i32
    scf.for %scan3A_23 = %scan3A_5 to %scan3A_7 step %scan3A_8  : i32 {
      %dma_start3A = arith.constant 0 : i32
      %dma_start3A_24 = tpu.memref_slice %arg6[%scan3A_23, %dma_start3A] : memref<25x400xi32, #tpu.memory_space<vmem>> -> memref<1x400xi32, #tpu.memory_space<vmem>>
      %dma_start3A_25 = tpu.memref_squeeze %dma_start3A_24 : memref<1x400xi32, #tpu.memory_space<vmem>> -> memref<400xi32, #tpu.memory_space<vmem>>
      %dma_start3A_26 = arith.constant 0 : i32
      %dma_start3A_27 = arith.constant 0 : i32
      %dma_start3A_28 = tpu.memref_slice %arg9[%dma_start3A_26, %dma_start3A_27] : memref<10240x8xf32, #tpu.memory_space<vmem_shared>> -> memref<10240x8xf32, #tpu.memory_space<vmem_shared>>
      tpu.enqueue_indirect_dma source(%arg7 : memref<400x8xf32, #tpu.memory_space<vmem>>) target(%dma_start3A_28 : memref<10240x8xf32, #tpu.memory_space<vmem_shared>>) offsets(%dma_start3A_25 : memref<400xi32, #tpu.memory_space<vmem>>) semaphore(%arg10 : memref<!tpu.dma_semaphore, #tpu.memory_space<semaphore_mem>>) {add = true}
    }
    %scan3A_9 = arith.constant 25 : i32
    %scan3A_10 = arith.constant 0 : i32
    %scan3A_11 = arith.constant 0 : i32
    %scan3A_12 = arith.constant 25 : i32
    %scan3A_13 = arith.addi %scan3A_11, %scan3A_12 : i32
    %scan3A_14 = arith.constant 1 : i32
    scf.for %scan3A_23 = %scan3A_11 to %scan3A_13 step %scan3A_14  : i32 {
      %dma_wait3A = arith.constant 0 : i32
      %dma_wait3A_24 = tpu.memref_slice %arg6[%scan3A_23, %dma_wait3A] : memref<25x400xi32, #tpu.memory_space<vmem>> -> memref<1x400xi32, #tpu.memory_space<vmem>>
      %dma_wait3A_25 = tpu.memref_squeeze %dma_wait3A_24 : memref<1x400xi32, #tpu.memory_space<vmem>> -> memref<400xi32, #tpu.memory_space<vmem>>
      %dma_wait3A_26 = arith.constant 0 : i32
      %dma_wait3A_27 = arith.constant 0 : i32
      %dma_wait3A_28 = tpu.memref_slice %arg9[%dma_wait3A_26, %dma_wait3A_27] : memref<10240x8xf32, #tpu.memory_space<vmem_shared>> -> memref<10240x8xf32, #tpu.memory_space<vmem_shared>>
      tpu.wait_indirect_dma semaphore(%arg10 : memref<!tpu.dma_semaphore, #tpu.memory_space<semaphore_mem>>) src(%arg7 : memref<400x8xf32, #tpu.memory_space<vmem>>) dst(%dma_wait3A_28 : memref<10240x8xf32, #tpu.memory_space<vmem_shared>>)
    }
    %scan3A_15 = arith.constant 25 : i32
    %barrier3A_16 = arith.constant 0 : index
    tpu.barrier barrier_id(%barrier3A_16)
    %mul3A_17 = arith.constant 10240 : i32
    %mul3A_18 = arith.muli %arg0, %mul3A_17 : i32
    %mul3A_19 = arith.constant 640 : i32
    %mul3A_20 = arith.muli %arg1, %mul3A_19 : i32
    %add3A_21 = arith.addi %mul3A_18, %mul3A_20 : i32
    %multiple_of3A_22 = tpu.assume_multiple %add3A_21, 8 : i32
    "tpu.region"() ({
      %run_scoped3A = tpu.sem_alloc : memref<!tpu.dma_semaphore, #tpu.memory_space<semaphore_mem>>
      %dma_start3A = arith.constant 0 : i32
      %dma_start3A_23 = tpu.memref_slice %arg9[%mul3A_2, %dma_start3A] : memref<10240x8xf32, #tpu.memory_space<vmem_shared>> -> memref<640x8xf32, #tpu.memory_space<vmem_shared>>
      %dma_start3A_24 = arith.constant 0 : i32
      %dma_start3A_25 = tpu.memref_slice %arg9[%mul3A_2, %dma_start3A_24] : memref<10240x8xf32, #tpu.memory_space<vmem_shared>> -> memref<640x8xf32, #tpu.memory_space<vmem_shared>>
      tpu.enqueue_dma source(%dma_start3A_25 : memref<640x8xf32, #tpu.memory_space<vmem_shared>>) target(%arg8 : memref<640x8xf32, #tpu.memory_space<vmem>>) target_semaphore(%run_scoped3A : memref<!tpu.dma_semaphore, #tpu.memory_space<semaphore_mem>>)
      %dma_wait3A = arith.constant 0 : i32
      %dma_wait3A_26 = tpu.memref_slice %arg9[%mul3A_2, %dma_wait3A] : memref<10240x8xf32, #tpu.memory_space<vmem_shared>> -> memref<640x8xf32, #tpu.memory_space<vmem_shared>>
      %dma_wait3A_27 = arith.constant 0 : i32
      %dma_wait3A_28 = tpu.memref_slice %arg9[%mul3A_2, %dma_wait3A_27] : memref<10240x8xf32, #tpu.memory_space<vmem_shared>> -> memref<640x8xf32, #tpu.memory_space<vmem_shared>>
      tpu.wait_dma2 semaphore(%run_scoped3A : memref<!tpu.dma_semaphore, #tpu.memory_space<semaphore_mem>>) src(%dma_wait3A_28 : memref<640x8xf32, #tpu.memory_space<vmem_shared>>) dst(%arg8 : memref<640x8xf32, #tpu.memory_space<vmem>>)
      tpu.yield
    }) : () -> ()
    "tpu.region"() ({
      %run_scoped3A = tpu.sem_alloc : memref<!tpu.dma_semaphore, #tpu.memory_space<semaphore_mem>>
      %dma_start3A = arith.constant 0 : i32
      %dma_start3A_23 = tpu.memref_slice %arg5[%multiple_of3A_22, %dma_start3A] : memref<20480x8xf32, #tpu.memory_space<hbm>> -> memref<640x8xf32, #tpu.memory_space<hbm>>
      %dma_start3A_24 = arith.constant 0 : i32
      %dma_start3A_25 = tpu.memref_slice %arg5[%multiple_of3A_22, %dma_start3A_24] : memref<20480x8xf32, #tpu.memory_space<hbm>> -> memref<640x8xf32, #tpu.memory_space<hbm>>
      tpu.enqueue_dma source(%arg8 : memref<640x8xf32, #tpu.memory_space<vmem>>) target(%dma_start3A_25 : memref<640x8xf32, #tpu.memory_space<hbm>>) target_semaphore(%run_scoped3A : memref<!tpu.dma_semaphore, #tpu.memory_space<semaphore_mem>>)
      %dma_wait3A = arith.constant 0 : i32
      %dma_wait3A_26 = tpu.memref_slice %arg5[%multiple_of3A_22, %dma_wait3A] : memref<20480x8xf32, #tpu.memory_space<hbm>> -> memref<640x8xf32, #tpu.memory_space<hbm>>
      %dma_wait3A_27 = arith.constant 0 : i32
      %dma_wait3A_28 = tpu.memref_slice %arg5[%multiple_of3A_22, %dma_wait3A_27] : memref<20480x8xf32, #tpu.memory_space<hbm>> -> memref<640x8xf32, #tpu.memory_space<hbm>>
      tpu.wait_dma2 semaphore(%run_scoped3A : memref<!tpu.dma_semaphore, #tpu.memory_space<semaphore_mem>>) src(%arg8 : memref<640x8xf32, #tpu.memory_space<vmem>>) dst(%dma_wait3A_28 : memref<640x8xf32, #tpu.memory_space<hbm>>)
      tpu.yield
    }) : () -> ()
    return
  }
}

module attributes {stable_mosaic.version = 14 : i64} {
  func.func @_tc1(%arg0: i32, %arg1: memref<512x128xf32, #tpu.memory_space<vmem>>, %arg2: memref<128x64xf32, #tpu.memory_space<vmem>>, %arg3: memref<128x64xf32, #tpu.memory_space<vmem>>, %arg4: memref<1x64xf32, #tpu.memory_space<vmem>>, %arg5: memref<512x64xf32, #tpu.memory_space<vmem>>, %arg6: memref<512x64xf32, #tpu.memory_space<vmem>>) attributes {dimension_semantics = [#tpu.dimension_semantics<arbitrary>], iteration_bounds = array<i64: 20>, scalar_prefetch = 0 : i64, scratch_operands = 0 : i64, tpu.core_type = #tpu.core_type<tc>, window_params = [{transform_indices = @transform_0, window_bounds = array<i64: 512, 128>}, {pipeline_mode = #tpu.pipeline_mode<synchronous>, transform_indices = @transform_1, window_bounds = array<i64: 128, 64>}, {pipeline_mode = #tpu.pipeline_mode<synchronous>, transform_indices = @transform_2, window_bounds = array<i64: 128, 64>}, {pipeline_mode = #tpu.pipeline_mode<synchronous>, transform_indices = @transform_3, window_bounds = array<i64: 1, 64>}, {transform_indices = @transform_4, window_bounds = array<i64: 512, 64>}, {transform_indices = @transform_5, window_bounds = array<i64: 512, 64>}]} {
    %get3A = arith.constant 0 : index
    %get3A_0 = arith.constant 0 : index
    %get3A_1 = vector.load %arg1[%get3A, %get3A_0] : memref<512x128xf32, #tpu.memory_space<vmem>>, vector<512x128xf32>
    %get3A_2 = arith.constant 0 : index
    %get3A_3 = arith.constant 0 : index
    %get3A_4 = vector.load %arg2[%get3A_2, %get3A_3] : memref<128x64xf32, #tpu.memory_space<vmem>>, vector<128x64xf32>
    %dot_general3A = arith.constant dense<0.000000e+00> : vector<512x64xf32>
    %dot_general3A_5 = tpu.matmul %get3A_1, %get3A_4, %dot_general3A {dimension_numbers = #tpu.dot_dimension_numbers<[1], [0], [0], [1], [0, 0, 1, 1], [], []>, transpose_lhs_hint = false} : vector<512x128xf32>, vector<128x64xf32>, vector<512x64xf32> -> vector<512x64xf32>
    %swap3A = arith.constant 0 : index
    %swap3A_6 = arith.constant 0 : index
    %swap3A_7 = vector.load %arg5[%swap3A, %swap3A_6] : memref<512x64xf32, #tpu.memory_space<vmem>>, vector<512x64xf32>
    tpu.vector_store %arg5[%swap3A, %swap3A_6], %dot_general3A_5 {strides = array<i32>} : memref<512x64xf32, #tpu.memory_space<vmem>>, vector<512x64xf32>,
    %get3A_8 = arith.constant 0 : index
    %get3A_9 = arith.constant 0 : index
    %get3A_10 = vector.load %arg3[%get3A_8, %get3A_9] : memref<128x64xf32, #tpu.memory_space<vmem>>, vector<128x64xf32>
    %dot_general3A_11 = arith.constant dense<0.000000e+00> : vector<512x64xf32>
    %dot_general3A_12 = tpu.matmul %get3A_1, %get3A_10, %dot_general3A_11 {dimension_numbers = #tpu.dot_dimension_numbers<[1], [0], [0], [1], [0, 0, 1, 1], [], []>, transpose_lhs_hint = false} : vector<512x128xf32>, vector<128x64xf32>, vector<512x64xf32> -> vector<512x64xf32>
    %get3A_13 = arith.constant 0 : index
    %get3A_14 = arith.constant 0 : index
    %get3A_15 = vector.load %arg4[%get3A_13, %get3A_14] : memref<1x64xf32, #tpu.memory_space<vmem>>, vector<1x64xf32>
    %add3A = vector.broadcast %get3A_15 : vector<1x64xf32> to vector<512x64xf32>
    %add3A_16 = arith.addf %dot_general3A_12, %add3A : vector<512x64xf32>
    %swap3A_17 = arith.constant 0 : index
    %swap3A_18 = arith.constant 0 : index
    %swap3A_19 = vector.load %arg6[%swap3A_17, %swap3A_18] : memref<512x64xf32, #tpu.memory_space<vmem>>, vector<512x64xf32>
    tpu.vector_store %arg6[%swap3A_17, %swap3A_18], %add3A_16 {strides = array<i32>} : memref<512x64xf32, #tpu.memory_space<vmem>>, vector<512x64xf32>,
    return
  }
  func.func @transform_0(%arg0: i32) -> (i32, i32) {
    %c0_i32 = arith.constant 0 : i32
    %c0_i32_0 = arith.constant 0 : i32
    return %arg0, %c0_i32 : i32, i32
  }
  func.func @transform_1(%arg0: i32) -> (i32, i32) {
    %c0_i32 = arith.constant 0 : i32
    %c0_i32_0 = arith.constant 0 : i32
    %c0_i32_1 = arith.constant 0 : i32
    return %c0_i32, %c0_i32_0 : i32, i32
  }
  func.func @transform_2(%arg0: i32) -> (i32, i32) {
    %c0_i32 = arith.constant 0 : i32
    %c0_i32_0 = arith.constant 0 : i32
    %c0_i32_1 = arith.constant 0 : i32
    return %c0_i32, %c0_i32_0 : i32, i32
  }
  func.func @transform_3(%arg0: i32) -> (i32, i32) {
    %c0_i32 = arith.constant 0 : i32
    %c0_i32_0 = arith.constant 0 : i32
    %c0_i32_1 = arith.constant 0 : i32
    return %c0_i32, %c0_i32_0 : i32, i32
  }
  func.func @transform_4(%arg0: i32) -> (i32, i32) {
    %c0_i32 = arith.constant 0 : i32
    %c0_i32_0 = arith.constant 0 : i32
    return %arg0, %c0_i32 : i32, i32
  }
  func.func @transform_5(%arg0: i32) -> (i32, i32) {
    %c0_i32 = arith.constant 0 : i32
    %c0_i32_0 = arith.constant 0 : i32
    return %arg0, %c0_i32 : i32, i32
  }
}

module attributes {stable_mosaic.version = 14 : i64} {
  func.func @_tc2(%arg0: i32, %arg1: memref<512x64xf32, #tpu.memory_space<vmem>>, %arg2: memref<512x64xf32, #tpu.memory_space<vmem>>, %arg3: memref<512x8xf32, #tpu.memory_space<vmem>>, %arg4: memref<512x8xf32, #tpu.memory_space<vmem>>, %arg5: memref<512x64xf32, #tpu.memory_space<vmem>>, %arg6: memref<512x64xf32, #tpu.memory_space<vmem>>) attributes {dimension_semantics = [#tpu.dimension_semantics<arbitrary>], iteration_bounds = array<i64: 20>, scalar_prefetch = 0 : i64, scratch_operands = 0 : i64, tpu.core_type = #tpu.core_type<tc>, window_params = [{transform_indices = @transform_0, window_bounds = array<i64: 512, 64>}, {transform_indices = @transform_1, window_bounds = array<i64: 512, 64>}, {transform_indices = @transform_2, window_bounds = array<i64: 512, 8>}, {transform_indices = @transform_3, window_bounds = array<i64: 512, 8>}, {transform_indices = @transform_4, window_bounds = array<i64: 512, 64>}, {transform_indices = @transform_5, window_bounds = array<i64: 512, 64>}]} {
    %get3A = arith.constant 0 : index
    %get3A_0 = arith.constant 0 : index
    %get3A_1 = vector.load %arg1[%get3A, %get3A_0] : memref<512x64xf32, #tpu.memory_space<vmem>>, vector<512x64xf32>
    %get3A_2 = arith.constant 0 : index
    %get3A_3 = arith.constant 0 : index
    %get3A_4 = vector.load %arg2[%get3A_2, %get3A_3] : memref<512x64xf32, #tpu.memory_space<vmem>>, vector<512x64xf32>
    %add3A = arith.addf %get3A_1, %get3A_4 : vector<512x64xf32>
    %get3A_5 = arith.constant 0 : index
    %get3A_6 = arith.constant 0 : index
    %get3A_7 = vector.load %arg3[%get3A_5, %get3A_6] : memref<512x8xf32, #tpu.memory_space<vmem>>, vector<512x8xf32>
    %slice3A = vector.extract_strided_slice %get3A_7 {offsets = [0, 0], sizes = [512, 1], strides = [1, 1]} : vector<512x8xf32> to vector<512x1xf32>
    %get3A_8 = arith.constant 0 : index
    %get3A_9 = arith.constant 0 : index
    %get3A_10 = vector.load %arg4[%get3A_8, %get3A_9] : memref<512x8xf32, #tpu.memory_space<vmem>>, vector<512x8xf32>
    %slice3A_11 = vector.extract_strided_slice %get3A_10 {offsets = [0, 0], sizes = [512, 1], strides = [1, 1]} : vector<512x8xf32> to vector<512x1xf32>
    %add3A_12 = arith.addf %slice3A, %slice3A_11 : vector<512x1xf32>
    %max3A = arith.constant 1.000000e+00 : f32
    %max3A_13 = vector.broadcast %max3A : f32 to vector<512x1xf32>
    %max3A_14 = arith.maximumf %add3A_12, %max3A_13 : vector<512x1xf32>
    %div3A = vector.broadcast %max3A_14 : vector<512x1xf32> to vector<512x64xf32>
    %div3A_15 = arith.divf %add3A, %div3A : vector<512x64xf32>
    %get3A_16 = arith.constant 0 : index
    %get3A_17 = arith.constant 0 : index
    %get3A_18 = vector.load %arg5[%get3A_16, %get3A_17] : memref<512x64xf32, #tpu.memory_space<vmem>>, vector<512x64xf32>
    %add3A_19 = arith.addf %div3A_15, %get3A_18 : vector<512x64xf32>
    %max3A_20 = arith.constant 0.000000e+00 : f32
    %max3A_21 = vector.broadcast %max3A_20 : f32 to vector<512x64xf32>
    %max3A_22 = arith.maximumf %add3A_19, %max3A_21 : vector<512x64xf32>
    %swap3A = arith.constant 0 : index
    %swap3A_23 = arith.constant 0 : index
    %swap3A_24 = vector.load %arg6[%swap3A, %swap3A_23] : memref<512x64xf32, #tpu.memory_space<vmem>>, vector<512x64xf32>
    tpu.vector_store %arg6[%swap3A, %swap3A_23], %max3A_22 {strides = array<i32>} : memref<512x64xf32, #tpu.memory_space<vmem>>, vector<512x64xf32>,
    return
  }
  func.func @transform_0(%arg0: i32) -> (i32, i32) {
    %c0_i32 = arith.constant 0 : i32
    %c0_i32_0 = arith.constant 0 : i32
    return %arg0, %c0_i32 : i32, i32
  }
  func.func @transform_1(%arg0: i32) -> (i32, i32) {
    %add3A = arith.constant 20 : i32
    %add3A_0 = arith.addi %arg0, %add3A : i32
    %c0_i32 = arith.constant 0 : i32
    %c0_i32_1 = arith.constant 0 : i32
    return %add3A_0, %c0_i32 : i32, i32
  }
  func.func @transform_2(%arg0: i32) -> (i32, i32) {
    %c0_i32 = arith.constant 0 : i32
    %c0_i32_0 = arith.constant 0 : i32
    return %arg0, %c0_i32 : i32, i32
  }
  func.func @transform_3(%arg0: i32) -> (i32, i32) {
    %add3A = arith.constant 20 : i32
    %add3A_0 = arith.addi %arg0, %add3A : i32
    %c0_i32 = arith.constant 0 : i32
    %c0_i32_1 = arith.constant 0 : i32
    return %add3A_0, %c0_i32 : i32, i32
  }
  func.func @transform_4(%arg0: i32) -> (i32, i32) {
    %c0_i32 = arith.constant 0 : i32
    %c0_i32_0 = arith.constant 0 : i32
    return %arg0, %c0_i32 : i32, i32
  }
  func.func @transform_5(%arg0: i32) -> (i32, i32) {
    %c0_i32 = arith.constant 0 : i32
    %c0_i32_0 = arith.constant 0 : i32
    return %arg0, %c0_i32 : i32, i32
  }
}

module attributes {stable_mosaic.version = 14 : i64} {
  func.func @_tc3(%arg0: i32, %arg1: memref<512x64xf32, #tpu.memory_space<vmem>>, %arg2: memref<512x64xf32, #tpu.memory_space<vmem>>, %arg3: memref<512x8xf32, #tpu.memory_space<vmem>>, %arg4: memref<512x8xf32, #tpu.memory_space<vmem>>, %arg5: memref<512x64xf32, #tpu.memory_space<vmem>>, %arg6: memref<64x32xf32, #tpu.memory_space<vmem>>, %arg7: memref<64x32xf32, #tpu.memory_space<vmem>>, %arg8: memref<1x32xf32, #tpu.memory_space<vmem>>, %arg9: memref<32x2xf32, #tpu.memory_space<vmem>>, %arg10: memref<1x2xf32, #tpu.memory_space<vmem>>, %arg11: memref<512x2xf32, #tpu.memory_space<vmem>>) attributes {dimension_semantics = [#tpu.dimension_semantics<arbitrary>], iteration_bounds = array<i64: 20>, scalar_prefetch = 0 : i64, scratch_operands = 0 : i64, tpu.core_type = #tpu.core_type<tc>, window_params = [{transform_indices = @transform_0, window_bounds = array<i64: 512, 64>}, {transform_indices = @transform_1, window_bounds = array<i64: 512, 64>}, {transform_indices = @transform_2, window_bounds = array<i64: 512, 8>}, {transform_indices = @transform_3, window_bounds = array<i64: 512, 8>}, {transform_indices = @transform_4, window_bounds = array<i64: 512, 64>}, {pipeline_mode = #tpu.pipeline_mode<synchronous>, transform_indices = @transform_5, window_bounds = array<i64: 64, 32>}, {pipeline_mode = #tpu.pipeline_mode<synchronous>, transform_indices = @transform_6, window_bounds = array<i64: 64, 32>}, {pipeline_mode = #tpu.pipeline_mode<synchronous>, transform_indices = @transform_7, window_bounds = array<i64: 1, 32>}, {pipeline_mode = #tpu.pipeline_mode<synchronous>, transform_indices = @transform_8, window_bounds = array<i64: 32, 2>}, {pipeline_mode = #tpu.pipeline_mode<synchronous>, transform_indices = @transform_9, window_bounds = array<i64: 1, 2>}, {transform_indices = @transform_10, window_bounds = array<i64: 512, 2>}]} {
    %get3A = arith.constant 0 : index
    %get3A_0 = arith.constant 0 : index
    %get3A_1 = vector.load %arg1[%get3A, %get3A_0] : memref<512x64xf32, #tpu.memory_space<vmem>>, vector<512x64xf32>
    %get3A_2 = arith.constant 0 : index
    %get3A_3 = arith.constant 0 : index
    %get3A_4 = vector.load %arg2[%get3A_2, %get3A_3] : memref<512x64xf32, #tpu.memory_space<vmem>>, vector<512x64xf32>
    %add3A = arith.addf %get3A_1, %get3A_4 : vector<512x64xf32>
    %get3A_5 = arith.constant 0 : index
    %get3A_6 = arith.constant 0 : index
    %get3A_7 = vector.load %arg3[%get3A_5, %get3A_6] : memref<512x8xf32, #tpu.memory_space<vmem>>, vector<512x8xf32>
    %slice3A = vector.extract_strided_slice %get3A_7 {offsets = [0, 0], sizes = [512, 1], strides = [1, 1]} : vector<512x8xf32> to vector<512x1xf32>
    %get3A_8 = arith.constant 0 : index
    %get3A_9 = arith.constant 0 : index
    %get3A_10 = vector.load %arg4[%get3A_8, %get3A_9] : memref<512x8xf32, #tpu.memory_space<vmem>>, vector<512x8xf32>
    %slice3A_11 = vector.extract_strided_slice %get3A_10 {offsets = [0, 0], sizes = [512, 1], strides = [1, 1]} : vector<512x8xf32> to vector<512x1xf32>
    %add3A_12 = arith.addf %slice3A, %slice3A_11 : vector<512x1xf32>
    %max3A = arith.constant 1.000000e+00 : f32
    %max3A_13 = vector.broadcast %max3A : f32 to vector<512x1xf32>
    %max3A_14 = arith.maximumf %add3A_12, %max3A_13 : vector<512x1xf32>
    %div3A = vector.broadcast %max3A_14 : vector<512x1xf32> to vector<512x64xf32>
    %div3A_15 = arith.divf %add3A, %div3A : vector<512x64xf32>
    %get3A_16 = arith.constant 0 : index
    %get3A_17 = arith.constant 0 : index
    %get3A_18 = vector.load %arg5[%get3A_16, %get3A_17] : memref<512x64xf32, #tpu.memory_space<vmem>>, vector<512x64xf32>
    %get3A_19 = arith.constant 0 : index
    %get3A_20 = arith.constant 0 : index
    %get3A_21 = vector.load %arg6[%get3A_19, %get3A_20] : memref<64x32xf32, #tpu.memory_space<vmem>>, vector<64x32xf32>
    %dot_general3A = arith.constant dense<0.000000e+00> : vector<512x32xf32>
    %dot_general3A_22 = tpu.matmul %div3A_15, %get3A_21, %dot_general3A {dimension_numbers = #tpu.dot_dimension_numbers<[1], [0], [0], [1], [0, 0, 1, 1], [], []>, transpose_lhs_hint = false} : vector<512x64xf32>, vector<64x32xf32>, vector<512x32xf32> -> vector<512x32xf32>
    %get3A_23 = arith.constant 0 : index
    %get3A_24 = arith.constant 0 : index
    %get3A_25 = vector.load %arg7[%get3A_23, %get3A_24] : memref<64x32xf32, #tpu.memory_space<vmem>>, vector<64x32xf32>
    %dot_general3A_26 = arith.constant dense<0.000000e+00> : vector<512x32xf32>
    %dot_general3A_27 = tpu.matmul %get3A_18, %get3A_25, %dot_general3A_26 {dimension_numbers = #tpu.dot_dimension_numbers<[1], [0], [0], [1], [0, 0, 1, 1], [], []>, transpose_lhs_hint = false} : vector<512x64xf32>, vector<64x32xf32>, vector<512x32xf32> -> vector<512x32xf32>
    %add3A_28 = arith.addf %dot_general3A_22, %dot_general3A_27 : vector<512x32xf32>
    %get3A_29 = arith.constant 0 : index
    %get3A_30 = arith.constant 0 : index
    %get3A_31 = vector.load %arg8[%get3A_29, %get3A_30] : memref<1x32xf32, #tpu.memory_space<vmem>>, vector<1x32xf32>
    %add3A_32 = vector.broadcast %get3A_31 : vector<1x32xf32> to vector<512x32xf32>
    %add3A_33 = arith.addf %add3A_28, %add3A_32 : vector<512x32xf32>
    %max3A_34 = arith.constant 0.000000e+00 : f32
    %max3A_35 = vector.broadcast %max3A_34 : f32 to vector<512x32xf32>
    %max3A_36 = arith.maximumf %add3A_33, %max3A_35 : vector<512x32xf32>
    %get3A_37 = arith.constant 0 : index
    %get3A_38 = arith.constant 0 : index
    %get3A_39 = vector.load %arg9[%get3A_37, %get3A_38] : memref<32x2xf32, #tpu.memory_space<vmem>>, vector<32x2xf32>
    %dot_general3A_40 = arith.constant dense<0.000000e+00> : vector<512x2xf32>
    %dot_general3A_41 = tpu.matmul %max3A_36, %get3A_39, %dot_general3A_40 {dimension_numbers = #tpu.dot_dimension_numbers<[1], [0], [0], [1], [0, 0, 1, 1], [], []>, transpose_lhs_hint = false} : vector<512x32xf32>, vector<32x2xf32>, vector<512x2xf32> -> vector<512x2xf32>
    %get3A_42 = arith.constant 0 : index
    %get3A_43 = arith.constant 0 : index
    %get3A_44 = vector.load %arg10[%get3A_42, %get3A_43] : memref<1x2xf32, #tpu.memory_space<vmem>>, vector<1x2xf32>
    %add3A_45 = vector.broadcast %get3A_44 : vector<1x2xf32> to vector<512x2xf32>
    %add3A_46 = arith.addf %dot_general3A_41, %add3A_45 : vector<512x2xf32>
    %max3A_47 = arith.constant 0.000000e+00 : f32
    %max3A_48 = vector.broadcast %max3A_47 : f32 to vector<512x2xf32>
    %max3A_49 = arith.maximumf %add3A_46, %max3A_48 : vector<512x2xf32>
    %swap3A = arith.constant 0 : index
    %swap3A_50 = arith.constant 0 : index
    %swap3A_51 = vector.load %arg11[%swap3A, %swap3A_50] : memref<512x2xf32, #tpu.memory_space<vmem>>, vector<512x2xf32>
    tpu.vector_store %arg11[%swap3A, %swap3A_50], %max3A_49 {strides = array<i32>} : memref<512x2xf32, #tpu.memory_space<vmem>>, vector<512x2xf32>,
    return
  }
  func.func @transform_0(%arg0: i32) -> (i32, i32) {
    %c0_i32 = arith.constant 0 : i32
    %c0_i32_0 = arith.constant 0 : i32
    return %arg0, %c0_i32 : i32, i32
  }
  func.func @transform_1(%arg0: i32) -> (i32, i32) {
    %add3A = arith.constant 20 : i32
    %add3A_0 = arith.addi %arg0, %add3A : i32
    %c0_i32 = arith.constant 0 : i32
    %c0_i32_1 = arith.constant 0 : i32
    return %add3A_0, %c0_i32 : i32, i32
  }
  func.func @transform_2(%arg0: i32) -> (i32, i32) {
    %c0_i32 = arith.constant 0 : i32
    %c0_i32_0 = arith.constant 0 : i32
    return %arg0, %c0_i32 : i32, i32
  }
  func.func @transform_3(%arg0: i32) -> (i32, i32) {
    %add3A = arith.constant 20 : i32
    %add3A_0 = arith.addi %arg0, %add3A : i32
    %c0_i32 = arith.constant 0 : i32
    %c0_i32_1 = arith.constant 0 : i32
    return %add3A_0, %c0_i32 : i32, i32
  }
  func.func @transform_4(%arg0: i32) -> (i32, i32) {
    %c0_i32 = arith.constant 0 : i32
    %c0_i32_0 = arith.constant 0 : i32
    return %arg0, %c0_i32 : i32, i32
  }
  func.func @transform_5(%arg0: i32) -> (i32, i32) {
    %c0_i32 = arith.constant 0 : i32
    %c0_i32_0 = arith.constant 0 : i32
    %c0_i32_1 = arith.constant 0 : i32
    return %c0_i32, %c0_i32_0 : i32, i32
  }
  func.func @transform_6(%arg0: i32) -> (i32, i32) {
    %c0_i32 = arith.constant 0 : i32
    %c0_i32_0 = arith.constant 0 : i32
    %c0_i32_1 = arith.constant 0 : i32
    return %c0_i32, %c0_i32_0 : i32, i32
  }
  func.func @transform_7(%arg0: i32) -> (i32, i32) {
    %c0_i32 = arith.constant 0 : i32
    %c0_i32_0 = arith.constant 0 : i32
    %c0_i32_1 = arith.constant 0 : i32
    return %c0_i32, %c0_i32_0 : i32, i32
  }
  func.func @transform_8(%arg0: i32) -> (i32, i32) {
    %c0_i32 = arith.constant 0 : i32
    %c0_i32_0 = arith.constant 0 : i32
    %c0_i32_1 = arith.constant 0 : i32
    return %c0_i32, %c0_i32_0 : i32, i32
  }
  func.func @transform_9(%arg0: i32) -> (i32, i32) {
    %c0_i32 = arith.constant 0 : i32
    %c0_i32_0 = arith.constant 0 : i32
    %c0_i32_1 = arith.constant 0 : i32
    return %c0_i32, %c0_i32_0 : i32, i32
  }
  func.func @transform_10(%arg0: i32) -> (i32, i32) {
    %c0_i32 = arith.constant 0 : i32
    %c0_i32_0 = arith.constant 0 : i32
    return %arg0, %c0_i32 : i32, i32
  }
}

</mosaic_0001>

<sc_bundles>
// kernel: kernel.11.cloned.1.call-start
scs
__scs_entry_jumppad:
0x0: {  	(pc) =	sbr.rel $0x88, $3  }
0x1: {  	(tag) =	ssettag $0x0;
	lr =	simm.s32 $0x1  }
0x2: {  	[smem:$0x3F97] =	sst lr;
	_ =	strace $0xD0000000  }
0x3: {  	_ = 	snop  }
0x4: {  	_ = 	snop  }
0x5: {  	_ = 	snop  }
0x6: {  	_ = 	snop  }
0x7: {  	_ = 	snop  }
__scs_overlays_trampoline_lowered:
0x8: {  	[smem:$0x3FA6] =	sst s0  }
0x9: {  	[smem:$0x3FA7] =	sst s1  }
0xa: {  	[smem:$0x3FA8] =	sst s2  }
0xb: {  	[smem:$0x3FA9] =	sst s3  }
0xc: {  	[smem:$0x3FAA] =	sst s4  }
0xd: {  	[smem:$0x3FAB] =	sst s5  }
0xe: {  	[smem:$0x3FAC] =	sst s6  }
0xf: {  	[smem:$0x3FAD] =	sst s7  }
0x10: {  	[smem:$0x3FAE] =	sst s8  }
0x11: {  	[smem:$0x3FAF] =	sst s9;
	s0 =	simm.s32 @!p0 $0x0  }
0x12: {  	s1 =	sld [smem:$0x3F95];
	s0 =	simm.s32 @p0 $0x1  }
0x13: {  	[smem:$0x3FB0] =	sst s0;
	s0 =	simm.s32 @!p1 $0x0  }
0x14: {  	s2 =	sld [smem:$0x3F94];
	s0 =	simm.s32 @p1 $0x1  }
0x15: {  	[smem:$0x3FB1] =	sst s0;
	s0 =	simm.s32 @!p2 $0x0  }
0x16: {  	s3 =	sld [smem:$0x3FDB];
	s0 =	simm.s32 @p2 $0x1  }
0x17: {  	s4 =	simm.s32 $0x1BF5;
	[smem:$0x3FB3] =	sst s0  }
0x18: {  	s0 =	sld [smem:$0x3F96];
	_ =	swait.ge [sflag:s4], $0x0  }
0x19: {  	s7 =	sld [smem:$0x3F97]  }
0x1a: {  	s8 =	sadd.s32 $0xFFFFE003, lr  }
0x1b: {  	s9 =	sadd.s32 $0xFFFFFEF7, lr;
	s5 =	simm.s32 $0xFFFFFFFF;
	p2 =	slt.u32 s8, $0xFFFFF086  }
0x1c: {  	p1 =	slt.u32 s9, $0xF7A;
	s5 =	simm.s32 @!p2 $0x0  }
0x1d: {  	s5 =	simm.s32 @p1 $0x1;
	p0 =	seq.s32 s7, s2  }
0x1e: {  	s7 =	smul.u32 @!p0 $0xF7A, s2;
	p2 =	seq.s32 @!p0 s5, $0x0  }
0x1f: {  	s9 =	smul.u32 $0xF7A, s1;
	s8 =	simm.s32 @!p0 $0x1BF5;
	p2 =	por !p2, p0  }
0x20: {  	[sflag:s8] =	ssyncset.s32 @!p0 $0xFFFFF086;
	s6 =	sadd.s32 @!p0 s3, s7;
	s7 =	simm.s32 @!p0 $0x108  }
0x21: {  	s3 =	sadd.s32 s3, s9;
	s6 =	sadd.s32 @!p0 $0x88, s6;
	s7 =	simm.s32 @p2 $0x1082  }
0x22: {  	[simem:s7], [sflag:s8] =	dma.local @!p0 [hbm:s6], $0xF7A  }
0x23: {  	s9 =	sor.u32 $0xD0000000, s2;
	s6 =	simm.s32 $0x108;
	_ =	swait.ge @!p0 [sflag:s8], $0x0  }
0x24: {  	s3 =	sadd.s32 $0x88, s3;
	s6 =	simm.s32 @!p1 $0x1082;
	[sflag:s4] =	ssyncset.s32 $0xFFFFF086  }
0x25: {  	[simem:s6], [sflag:s4] =	dma.local [hbm:s3], $0xF7A  }
0x26: {  	[smem:$0x3F97] =	sst s1;
	(tag) =	ssettag s2;
	_ =	strace s9  }
0x27: {  	s1 =	sld [smem:$0x3FA7]  }
0x28: {  	s2 =	sld [smem:$0x3FA8]  }
0x29: {  	s4 =	sld [smem:$0x3FAA]  }
0x2a: {  	p0 =	seq.s32 s5, $0x0;
	s5 =	sld [smem:$0x3FAB]  }
0x2b: {  	s6 =	sld [smem:$0x3FAC]  }
0x2c: {  	s7 =	sld [smem:$0x3FAD]  }
0x2d: {  	s3 =	simm.s32 $0x108;
	s8 =	sld [smem:$0x3FAE]  }
0x2e: {  	s3 =	simm.s32 @!p0 $0x1082;
	s9 =	sld [smem:$0x3FAF]  }
0x2f: {  	lr =	sadd.s32 s0, s3;
	s0 =	sld [smem:$0x3FA6]  }
0x30: {  	s3 =	sld [smem:$0x3FA9]  }
0x31: {  	[smem:$0x3FB2] =	sst s10  }
0x32: {  	s10 =	sld [smem:$0x3FB0];
	_ =	sdelay $0x3  }
0x33: {  	p0 =	seq.s32 s10, $0x1;
	s10 =	sld [smem:$0x3FB2];
	_ =	sdelay $0x3  }
0x34: {  	[smem:$0x3FB2] =	sst s10  }
0x35: {  	s10 =	sld [smem:$0x3FB1];
	_ =	sdelay $0x3  }
0x36: {  	p1 =	seq.s32 s10, $0x1;
	s10 =	sld [smem:$0x3FB2];
	_ =	sdelay $0x3  }
0x37: {  	[smem:$0x3FB2] =	sst s10  }
0x38: {  	s10 =	sld [smem:$0x3FB3]  }
0x39: {  	_ = 	snop;
	(pc) =	sbr.ind lr, $3  }
0x3a: {  	_ = 	snop  }
0x3b: {  	_ = 	snop  }
0x3c: {  	p2 =	seq.s32 s10, $0x1;
	s10 =	sld [smem:$0x3FB2]  }
0x3d: {  	_ =	shalt  }
0x3e: {  	_ =	shalt  }
0x3f: {  	_ =	shalt  }
0x40: {  	_ =	shalt  }
0x41: {  	_ =	shalt  }
0x42: {  	_ =	shalt  }
0x43: {  	_ =	shalt  }
0x44: {  	_ =	shalt  }
0x45: {  	_ =	shalt  }
0x46: {  	_ =	shalt  }
0x47: {  	_ =	shalt  }
0x48: {  	_ =	shalt  }
0x49: {  	_ =	shalt  }
0x4a: {  	_ =	shalt  }
0x4b: {  	_ =	shalt  }
0x4c: {  	_ =	shalt  }
0x4d: {  	_ =	shalt  }
0x4e: {  	_ =	shalt  }
0x4f: {  	_ =	shalt  }
0x50: {  	_ =	shalt  }
0x51: {  	_ =	shalt  }
0x52: {  	_ =	shalt  }
0x53: {  	_ =	shalt  }
0x54: {  	_ =	shalt  }
0x55: {  	_ =	shalt  }
0x56: {  	_ =	shalt  }
0x57: {  	_ =	shalt  }
0x58: {  	_ =	shalt  }
0x59: {  	_ =	shalt  }
0x5a: {  	_ =	shalt  }
0x5b: {  	_ =	shalt  }
0x5c: {  	_ =	shalt  }
0x5d: {  	_ =	shalt  }
0x5e: {  	_ =	shalt  }
0x5f: {  	_ =	shalt  }
0x60: {  	_ =	shalt  }
0x61: {  	_ =	shalt  }
0x62: {  	_ =	shalt  }
0x63: {  	_ =	shalt  }
0x64: {  	_ =	shalt  }
0x65: {  	_ =	shalt  }
0x66: {  	_ =	shalt  }
0x67: {  	_ =	shalt  }
0x68: {  	_ =	shalt  }
0x69: {  	_ =	shalt  }
0x6a: {  	_ =	shalt  }
0x6b: {  	_ =	shalt  }
0x6c: {  	_ =	shalt  }
0x6d: {  	_ =	shalt  }
0x6e: {  	_ =	shalt  }
0x6f: {  	_ =	shalt  }
0x70: {  	_ =	shalt  }
0x71: {  	_ =	shalt  }
0x72: {  	_ =	shalt  }
0x73: {  	_ =	shalt  }
0x74: {  	_ =	shalt  }
0x75: {  	_ =	shalt  }
0x76: {  	_ =	shalt  }
0x77: {  	_ =	shalt  }
0x78: {  	_ =	shalt  }
0x79: {  	_ =	shalt  }
0x7a: {  	_ =	shalt  }
0x7b: {  	_ =	shalt  }
0x7c: {  	_ =	shalt  }
0x7d: {  	_ =	shalt  }
0x7e: {  	_ =	shalt  }
0x7f: {  	_ =	shalt  }
0x80: {  	_ =	shalt  }
0x81: {  	_ =	shalt  }
0x82: {  	_ =	shalt  }
0x83: {  	_ =	shalt  }
0x84: {  	_ =	shalt  }
0x85: {  	_ =	shalt  }
0x86: {  	_ =	shalt  }
0x87: {  	_ =	shalt  }
.Lfunc_end0:
.L_simem_size_0:
called_computation.1_lowered:
.L_overlay_start_0:
0x88: {  	s2 =	sld [smem:$0x3FD9]  }
0x89: {  	s3 =	sld [smem:$0x3FFE];
	_ =	sdelay $0x1  }
0x8a: {  	s1 =	srdreg.scid  }
0x8b: {  	s0 =	sand.u32 $0x1, s1  }
0x8c: {  	s17 =	sshll.u32 s0, $0xA;
	s2 =	sadd.s32 s3, s2  }
0x8d: {  	s2 =	sadd.s32 s2, s17  }
0x8e: {  	[smem:$0x3FBE] =	sst s2  }
0x8f: {  	_ = 	snop  }
0x90: {  	s2 =	sld [smem:$0x3FD0];
	(tm) =	ssettm $0x1  }
0x91: {  	s18 =	sld [smem:$0x3FFB];
	_ =	sdelay $0x3  }
0x92: {  	_ =	strace s18  }
0x93: {  	s3 =	sld [smem:$0x3FFC];
	_ =	sdelay $0x3  }
0x94: {  	_ =	strace s3  }
0x95: {  	s3 =	sld [smem:$0x3FFD];
	_ =	sdelay $0x3  }
0x96: {  	_ =	strace s3  }
0x97: {  	_ =	strace $0x8FFFFFFF  }
0x98: {  	s19 =	sld [smem:$0x3FDB];
	_ =	sdelay $0x1  }
0x99: {  	s4 =	simm.s32 $_scs_section_size  }
0x9a: {  	s5 =	simm.s32 $_size__tile_overlayer_lowered;
	s6 =	simm.s32 $_tile_overlayer_lowered  }
0x9b: {  	s22 =	simm.s32 $0x1BFF;
	s21 =	sshll.u32 s6, $0x1;
	s3 =	sadd.s32 s4, s19  }
0x9c: {  	s7 =	simm.s32 $0x0;
	s20 =	sshll.u32 s5, $0x1;
	s5 =	sadd.s32 s21, s3  }
0x9d: {  	[timem:s7], [sflag:s22] =	dma.local [hbm:s5], s20  }
0x9e: {  	_ =	swait.ge [sflag:s22], s20  }
0x9f: {  	s4 =	ssub.s32 $0x0, s20;
	[sflag:s22] =	ssyncset.done $0x0  }
0xa0: {  	[sflag:s22] =	ssyncadd.s32 s4;
	_ =	sdelay $0x1  }
0xa1: {  	s23 =	simm.s32 $0x1B8B  }
0xa2: {  	_ =	swait.ge [sflag:s23], $0x1  }
0xa3: {  	[sflag:s23] =	ssyncset.done $0x0  }
0xa4: {  	s25 =	simm.s32 $0x1B8E;
	s24 =	sld [smem:$0x3FFE];
	[sflag:s23] =	ssyncadd.s32 $0xFFFFFFFF  }
0xa5: {  	s26 =	simm.s32 $execute0_lowered;
	[smem:$0x3FD2] =	sst s25  }
0xa6: {  	s5 =	sshll.u32 s26, $0x1;
	_ =	strace $0x80000046;
	[dreg:$0x1] =	wrdreg $0xFFFFFFFF  }
0xa7: {  	s28 =	simm.s32 $_size_execute0_lowered;
	s3 =	sadd.s32 s3, s5;
	[dreg:$0x0] =	wrdreg $0x0  }
0xa8: {  	s5 =	sshll.u32 s28, $0x1;
	[dreg:$0x2] =	wrdreg s3  }
0xa9: {  	[dreg:$0x3] =	wrdreg s5  }
0xaa: {  	[dreg:$0x4] =	wrdreg $0xC0  }
0xab: {  	_ =	task [dreg:s7], $0x5FFFF  }
0xac: {  	[dreg:$0x1] =	wrdreg $0xFFFFFFFF  }
0xad: {  	[dreg:$0x0] =	wrdreg $0x60  }
0xae: {  	[dreg:$0x2] =	wrdreg s24  }
0xaf: {  	[dreg:$0x3] =	wrdreg s2  }
0xb0: {  	[dreg:$0x4] =	wrdreg $0x13E200  }
0xb1: {  	[dreg:$0x5] =	wrdreg $0xA  }
0xb2: {  	_ =	task.clear_ibuf [dreg:s7], $0x6FFFF;
	_ =	strace $0x90000046  }
0xb3: {  	s29 =	simm.s32 $0xA;
	_ =	strace $0x80000048  }
0xb4: {  	_ =	swait.ge [sflag:s29], $0x1  }
0xb5: {  	[sflag:s29] =	ssyncadd.s32 $0xFFFFFFFF  }
0xb6: {  	_ =	strace $0x90000048  }
0xb7: {  	_ =	sfence  }
0xb8: {  	s30 =	sld [smem:$0x0];
	_ =	sdelay $0x2  }
0xb9: {  	s31 =	sshll.u32 s1, $0xD;
	s1 =	sshrl.u32 s1, $0x2  }
0xba: {  	s3 =	sand.u32 $0x4000, s31;
	s1 =	sadd.s32 s1, s30  }
0xbb: {  	s0 =	sor.u32 s3, s0;
	s1 =	sshll.u32 s1, $0x11  }
0xbc: {  	s0 =	sor.u32 s1, s0  }
0xbd: {  	s0 =	sadd.s32 $0x8F2B, s0  }
0xbe: {  	[sflag:s0] =	ssyncadd.remote.s32 $0x1  }
0xbf: {  	_ =	sfence.sel $0xFFFF  }
0xc0: {  	[dreg:$0x0] =	wrdreg $0xFFFFFFFF;
	(pc) =	sbr.abs _section_cstart, $3  }
0xc1: {  	[dreg:$0x1] =	wrdreg $0xFFFFFFFF  }
0xc2: {  	_ =	task.clear_ibuf [dreg:s7], $0x2FFFF;
	_ =	strace $0x9FFFFFFF  }
0xc3: {  	(tm) =	ssettm $0x7FFFFFFF  }
tec
execute0_lowered:
.L_overlay_start_1:
0x0: {  	(tag) =	ssettag $0x1  }
0x1: {  	s0 =	srdreg.scid  }
0x2: {  	s6 =	rddreg [dreg:$0x0];
	s24 =	stileid.u32  }
0x3: {  	s2 =	rddreg [dreg:$0x1];
	s17 =	simm.s32 $0x11620;
	s18 =	simm.s32 $0x3  }
0x4: {  	s19 =	simm.s32 $0x2710;
	s20 =	simm.s32 $0x190;
	s21 =	simm.s32 $0x4E20  }
0x5: {  	s22 =	simm.s32 $0xB220;
	s23 =	simm.s32 $0x1;
	s28 =	simm.s32 $0x4B00  }
0x6: {  	s29 =	simm.s32 $0x4C90;
	s30 =	simm.s32 $0x0;
	s8 =	smul.u32 $0x280, s24  }
0x7: {  	s1 =	sand.u32 $0x1, s0;
	s10 =	smul.u32 $0x28000, s24;
	s5 =	sadd.s32 $0x15400, s6  }
0x8: {  	s3 =	sshll.u32 s1, $0x4;
	s9 =	smul.u32 $0x2800, s1;
	s1 =	ssub.s32 $0x2, s1  }
0x9: {  	s4 =	sor.u32 s24, s3;
	s3 =	rddreg [dreg:$0x2];
	s26 =	sshrl.u32 s10, $0x2  }
0xa: {  	s31 =	sshrl.u32 s1, $0x1;
	s7 =	smul.u32 $0x4E2, s4;
	s4 =	simm.s32 $0x0  }
0xb: {  	s24 =	simm.s32 $0x2;
	s1 =	ssub.s32 s1, s31;
	[smem:$0x7FF] =	sst s4  }
0xc: {  	s25 =	sadd.s32 s8, s9;
	s16 =	smax.u32 s1, $0x1;
	_ =	strace $0x80000047  }
0xd: {  	s11 =	sadd.s32 s7, s6;
	s7 =	sshll.u32 s25, $0x3;
	s25 =	simm.s32 $0x4970  }
0xe: {  	s15 =	sadd.s32 s7, s6;
	s6 =	sadd.s32 s26, s3;
	s10 =	sadd.s32 $0xB600, s11  }
0xf: {  	s11 =	sadd.s32 $0x1800, s11;
	s26 =	simm.s32 $0x2580;
	s7 =	sadd.s32 $0x2800, s6  }
0x10: {  	s8 =	sadd.s32 $0x5000, s6;
	s9 =	sadd.s32 $0x7800, s6;
	s12 =	sadd.s32 $0x29400, s15  }
0x11: {  	s13 =	sadd.s32 $0x29900, s15;
	s14 =	sadd.s32 $0x29E00, s15;
	s15 =	sadd.s32 $0x2A300, s15  }
.LBB2_1:
0x12: {  	[tilespmem:s17], [sflag:$0x3] =	stream.linear.gather [hbm4b:s2+s4], $0x2800, $0x38;
	[tilespmem:$0x1DE20] =	vst v63  }
0x13: {  	_ =	swait.ge [sflag:s18], $0x2800  }
0x14: {  	[sflag:s18] =	ssyncset.done $0x0  }
0x15: {  	[sflag:s18] =	ssyncadd.s32 $0xFFFFD800  }
0x16: {  	[spmem:s6] =	stream.linear.scatter [tilespmem:s17], [sflag:$0x3], $0x2800, $0x38;
	[tilespmem:$0x1DE20] =	vst v63  }
0x17: {  	_ =	swait.ge [sflag:s18], $0x2800  }
0x18: {  	[sflag:s18] =	ssyncset.done $0x0  }
0x19: {  	[sflag:s18] =	ssyncadd.s32 $0xFFFFD800  }
0x1a: {  	[spmem:s7] =	stream.linear.scatter [tilespmem:s17], [sflag:$0x3], $0x2800, $0x38;
	[tilespmem:$0x1DE20] =	vst v63  }
0x1b: {  	_ =	swait.ge [sflag:s18], $0x2800  }
0x1c: {  	[sflag:s18] =	ssyncset.done $0x0  }
0x1d: {  	[sflag:s18] =	ssyncadd.s32 $0xFFFFD800  }
0x1e: {  	[spmem:s8] =	stream.linear.scatter [tilespmem:s17], [sflag:$0x3], $0x2800, $0x38;
	[tilespmem:$0x1DE20] =	vst v63  }
0x1f: {  	_ =	swait.ge [sflag:s18], $0x2800  }
0x20: {  	[sflag:s18] =	ssyncset.done $0x0  }
0x21: {  	[sflag:s18] =	ssyncadd.s32 $0xFFFFD800  }
0x22: {  	[spmem:s9] =	stream.linear.scatter [tilespmem:s17], [sflag:$0x3], $0x2800, $0x38;
	[tilespmem:$0x1DE20] =	vst v63  }
0x23: {  	_ =	swait.ge [sflag:s18], $0x2800  }
0x24: {  	[sflag:s18] =	ssyncset.done $0x0  }
0x25: {  	[sflag:s18] =	ssyncadd.s32 $0xFFFFD800  }
0x26: {  	[tilespmem:s4], [sflag:$0x3] =	stream.linear.gather [hbm4b:s10+s4], $0x2710, $0x38;
	[tilespmem:$0x1DE20] =	vst v63  }
0x27: {  	_ =	swait.ge [sflag:s18], $0x2710  }
0x28: {  	[sflag:s18] =	ssyncset.done $0x0  }
0x29: {  	[sflag:s18] =	ssyncadd.s32 $0xFFFFD8F0  }
0x2a: {  	[tilespmem:s19], [sflag:$0x3] =	stream.linear.gather [hbm4b:s11+s4], $0x2710, $0x38;
	[tilespmem:$0x1DE20] =	vst v63  }
0x2b: {  	_ =	swait.ge [sflag:s18], $0x2710  }
0x2c: {  	[sflag:s18] =	ssyncset.done $0x0  }
0x2d: {  	[sflag:s18] =	ssyncadd.s32 $0xFFFFD8F0  }
0x2e: {  	[bflag:$0x0] =	sbarrier.arrive $0xFFFF  }
0x2f: {  	[tilespmem:s21], [sflag:$0x1] =	stream.indirect.gather [hbm4b:s5+s20], $0x40, s4, s20, $0xb8;
	[tilespmem:$0x1DE20] =	vst v63  }
0x30: {  	_ = 	snop  }
0x31: {  	[tilespmem:s22], [sflag:$0x2] =	stream.indirect.gather [hbm4b:s5+s20], $0x40, s20, s20, $0xb8;
	[tilespmem:$0x1DE20] =	vst v63  }
0x32: {  	_ =	swait.ge [sflag:s23], $0x6400  }
0x33: {  	[sflag:s23] =	ssyncset.done $0x0  }
0x34: {  	s1 =	simm.s32 $0x2710;
	[sflag:s23] =	ssyncadd.s32 $0xFFFF9C00  }
0x35: {  	[spmem:s3] =	stream.indirect.scatter.add.f32 [tilespmem:s21], [sflag:$0x3], $0x40, s1, s20, $0xb8;
	[tilespmem:$0x1DE20] =	vst v63  }
0x36: {  	_ =	swait.ge [sflag:s18], $0x6400  }
0x37: {  	[sflag:s18] =	ssyncset.done $0x0  }
0x38: {  	s0 =	simm.s32 $0x320;
	[sflag:s18] =	ssyncadd.s32 $0xFFFF9C00  }
0x39: {  	[tilespmem:s21], [sflag:$0x1] =	stream.indirect.gather [hbm4b:s5+s20], $0x40, s0, s20, $0xb8;
	[tilespmem:$0x1DE20] =	vst v63  }
0x3a: {  	_ =	swait.ge [sflag:s24], $0x6400  }
0x3b: {  	[sflag:s24] =	ssyncset.done $0x0  }
0x3c: {  	s0 =	simm.s32 $0x28A0;
	[sflag:s24] =	ssyncadd.s32 $0xFFFF9C00  }
0x3d: {  	[spmem:s3] =	stream.indirect.scatter.add.f32 [tilespmem:s22], [sflag:$0x3], $0x40, s0, s20, $0xb8;
	[tilespmem:$0x1DE20] =	vst v63  }
0x3e: {  	_ =	swait.ge [sflag:s18], $0x6400  }
0x3f: {  	[sflag:s18] =	ssyncset.done $0x0  }
0x40: {  	s31 =	simm.s32 $0xC80;
	s1 =	simm.s32 $0x4B0;
	[sflag:s18] =	ssyncadd.s32 $0xFFFF9C00  }
.LBB2_2:
0x41: {  	[tilespmem:s22], [sflag:$0x2] =	stream.indirect.gather [hbm4b:s5+s20], $0x40, s1, s20, $0xb8;
	[tilespmem:$0x1DE20] =	vst v63  }
0x42: {  	s1 =	smov.u32 s31  }
0x43: {  	p0 =	sne.s32 s31, $0x7D00;
	s31 =	sadd.s32 $0xC80, s31;
	_ =	swait.ge [sflag:s23], $0x6400  }
0x44: {  	s1 =	sshra.s32 s1, $0x2;
	[sflag:s23] =	ssyncset.done $0x0  }
0x45: {  	s0 =	sadd.s32 $0x2710, s1;
	[sflag:s23] =	ssyncadd.s32 $0xFFFF9C00  }
0x46: {  	[spmem:s3] =	stream.indirect.scatter.add.f32 [tilespmem:s21], [sflag:$0x3], $0x40, s0, s20, $0xb8;
	[tilespmem:$0x1DE20] =	vst v63  }
0x47: {  	_ =	swait.ge [sflag:s18], $0x6400  }
0x48: {  	[sflag:s18] =	ssyncset.done $0x0  }
0x49: {  	s0 =	sadd.s32 $0x320, s1;
	[sflag:s18] =	ssyncadd.s32 $0xFFFF9C00  }
0x4a: {  	[tilespmem:s21], [sflag:$0x1] =	stream.indirect.gather [hbm4b:s5+s20], $0x40, s0, s20, $0xb8;
	[tilespmem:$0x1DE20] =	vst v63  }
0x4b: {  	_ =	swait.ge [sflag:s24], $0x6400  }
0x4c: {  	[sflag:s24] =	ssyncset.done $0x0  }
.Ltmp0:
0x4d: {  	s0 =	sadd.s32 $0x28A0, s1;
	[sflag:s24] =	ssyncadd.s32 $0xFFFF9C00;
	(pc) =	sbr.rel @p0 .LBB2_2-.Ltmp0, $4  }
0x4e: {  	[spmem:s3] =	stream.indirect.scatter.add.f32 [tilespmem:s22], [sflag:$0x3], $0x40, s0, s20, $0xb8;
	[tilespmem:$0x1DE20] =	vst v63  }
0x4f: {  	_ =	swait.ge [sflag:s18], $0x6400  }
0x50: {  	[sflag:s18] =	ssyncset.done $0x0  }
0x51: {  	s1 =	sadd.s32 $0x4B0, s1;
	[sflag:s18] =	ssyncadd.s32 $0xFFFF9C00  }
0x52: {  	[tilespmem:s22], [sflag:$0x2] =	stream.indirect.gather [hbm4b:s5+s20], $0x40, s1, s20, $0xb8;
	[tilespmem:$0x1DE20] =	vst v63  }
0x53: {  	_ =	swait.ge [sflag:s23], $0x6400  }
0x54: {  	[sflag:s23] =	ssyncset.done $0x0  }
0x55: {  	[sflag:s23] =	ssyncadd.s32 $0xFFFF9C00  }
0x56: {  	[spmem:s3] =	stream.indirect.scatter.add.f32 [tilespmem:s21], [sflag:$0x3], $0x40, s25, s20, $0xb8;
	[tilespmem:$0x1DE20] =	vst v63  }
0x57: {  	_ =	swait.ge [sflag:s18], $0x6400  }
0x58: {  	[sflag:s18] =	ssyncset.done $0x0  }
0x59: {  	[sflag:s18] =	ssyncadd.s32 $0xFFFF9C00  }
0x5a: {  	[tilespmem:s21], [sflag:$0x1] =	stream.indirect.gather [hbm4b:s5+s20], $0x40, s26, s20, $0xb8;
	[tilespmem:$0x1DE20] =	vst v63  }
0x5b: {  	_ =	swait.ge [sflag:s24], $0x6400  }
0x5c: {  	[sflag:s24] =	ssyncset.done $0x0  }
0x5d: {  	[sflag:s24] =	ssyncadd.s32 $0xFFFF9C00  }
0x5e: {  	[spmem:s3] =	stream.indirect.scatter.add.f32 [tilespmem:s22], [sflag:$0x3], $0x40, s28, s20, $0xb8;
	[tilespmem:$0x1DE20] =	vst v63  }
0x5f: {  	_ =	swait.ge [sflag:s18], $0x6400  }
0x60: {  	[sflag:s18] =	ssyncset.done $0x0  }
0x61: {  	[sflag:s18] =	ssyncadd.s32 $0xFFFF9C00  }
0x62: {  	_ =	swait.ge [sflag:s23], $0x6400  }
0x63: {  	[sflag:s23] =	ssyncset.done $0x0  }
0x64: {  	[sflag:s23] =	ssyncadd.s32 $0xFFFF9C00  }
0x65: {  	[spmem:s3] =	stream.indirect.scatter.add.f32 [tilespmem:s21], [sflag:$0x3], $0x40, s29, s20, $0xb8;
	[tilespmem:$0x1DE20] =	vst v63  }
0x66: {  	_ =	swait.ge [sflag:s18], $0x6400  }
0x67: {  	[sflag:s18] =	ssyncset.done $0x0  }
0x68: {  	[sflag:s18] =	ssyncadd.s32 $0xFFFF9C00  }
0x69: {  	[bflag:$0x0] =	sbarrier.arrive $0xFFFF  }
0x6a: {  	[tilespmem:s17], [sflag:$0x3] =	stream.linear.gather [spmem:s6], $0x2800, $0x38;
	[tilespmem:$0x1DE20] =	vst v63  }
0x6b: {  	_ =	swait.ge [sflag:s18], $0x2800  }
0x6c: {  	[sflag:s18] =	ssyncset.done $0x0  }
0x6d: {  	[sflag:s18] =	ssyncadd.s32 $0xFFFFD800  }
0x6e: {  	[hbm4b:s12+s4] =	stream.linear.scatter [tilespmem:s17], [sflag:$0x3], $0x2800, $0x38;
	[tilespmem:$0x1DE20] =	vst v63  }
0x6f: {  	_ =	swait.ge [sflag:s18], $0x2800  }
0x70: {  	[sflag:s18] =	ssyncset.done $0x0  }
0x71: {  	[sflag:s18] =	ssyncadd.s32 $0xFFFFD800  }
0x72: {  	[tilespmem:s17], [sflag:$0x3] =	stream.linear.gather [spmem:s7], $0x2800, $0x38;
	[tilespmem:$0x1DE20] =	vst v63  }
0x73: {  	_ =	swait.ge [sflag:s18], $0x2800  }
0x74: {  	[sflag:s18] =	ssyncset.done $0x0  }
0x75: {  	[sflag:s18] =	ssyncadd.s32 $0xFFFFD800  }
0x76: {  	[hbm4b:s13+s4] =	stream.linear.scatter [tilespmem:s17], [sflag:$0x3], $0x2800, $0x38;
	[tilespmem:$0x1DE20] =	vst v63  }
0x77: {  	_ =	swait.ge [sflag:s18], $0x2800  }
0x78: {  	[sflag:s18] =	ssyncset.done $0x0  }
0x79: {  	[sflag:s18] =	ssyncadd.s32 $0xFFFFD800  }
0x7a: {  	[tilespmem:s17], [sflag:$0x3] =	stream.linear.gather [spmem:s8], $0x2800, $0x38;
	[tilespmem:$0x1DE20] =	vst v63  }
0x7b: {  	_ =	swait.ge [sflag:s18], $0x2800  }
0x7c: {  	[sflag:s18] =	ssyncset.done $0x0  }
0x7d: {  	[sflag:s18] =	ssyncadd.s32 $0xFFFFD800  }
0x7e: {  	[hbm4b:s14+s4] =	stream.linear.scatter [tilespmem:s17], [sflag:$0x3], $0x2800, $0x38;
	[tilespmem:$0x1DE20] =	vst v63  }
0x7f: {  	_ =	swait.ge [sflag:s18], $0x2800  }
0x80: {  	[sflag:s18] =	ssyncset.done $0x0  }
0x81: {  	[sflag:s18] =	ssyncadd.s32 $0xFFFFD800  }
0x82: {  	[tilespmem:s17], [sflag:$0x3] =	stream.linear.gather [spmem:s9], $0x2800, $0x38;
	[tilespmem:$0x1DE20] =	vst v63  }
0x83: {  	s30 =	sadd.s32 $0x1, s30;
	_ =	swait.ge [sflag:s18], $0x2800  }
0x84: {  	p0 =	sne.s32 s30, s16;
	[sflag:s18] =	ssyncset.done $0x0  }
.Ltmp1:
0x85: {  	[sflag:s18] =	ssyncadd.s32 $0xFFFFD800;
	(pc) =	sbr.rel @p0 .LBB2_1-.Ltmp1, $4  }
0x86: {  	[hbm4b:s15+s4] =	stream.linear.scatter [tilespmem:s17], [sflag:$0x3], $0x2800, $0x38;
	[tilespmem:$0x1DE20] =	vst v63  }
0x87: {  	_ =	swait.ge [sflag:s18], $0x2800  }
0x88: {  	[sflag:s18] =	ssyncset.done $0x0  }
0x89: {  	[sflag:s18] =	ssyncadd.s32 $0xFFFFD800  }
0x8a: {  	_ =	sfence.sel $0x180000  }
0x8b: {  	[bflag:$0x0] =	sbarrier.arrive $0xFFFF  }
0x8c: {  	_ =	strace $0x90000047  }
0x8d: {  	s0 =	stileid.u32;
	[bflag:$0x2] =	sbarrier.arrive $0xFFFF  }
0x8e: {  	p0 =	sne.s32 s0, $0x0;
	s0 =	rddreg [dreg:$0x3]  }
0x8f: {  	s0 =	sadd.s32 @!p0 $0x100000, s0  }
0x90: {  	[sflag:s0] =	ssyncadd.tile.s32 @!p0 $0x1;
	_ =	shalt  }
.Lfunc_end2:
_tile_overlayer_lowered:
.L_overlay_start_2:
0x91: {  	(tag) =	ssettag $0x2  }
0x92: {  	s0 =	rddreg [dreg:$0x0];
	s2 =	stileid.u32  }
0x93: {  	s1 =	rddreg [dreg:$0x1];
	p0 =	sne.s32 s2, $0x0  }
0x94: {  	s3 =	rddreg [dreg:$0x2];
	[bflag:$0x3] =	sbarrier.arrive $0xFFFF;
	s2 =	simm.s32 @!p0 $0x1C03  }
0x95: {  	[timem:s3], [sflag:s2] =	dma.local @!p0 [hbm:s0], s1  }
0x96: {  	s0 =	simm.s32 @!p0 $0x3  }
0x97: {  	_ =	swait.ge @!p0 [sflag:s0], s1  }
0x98: {  	s1 =	ssub.s32 @!p0 $0x0, s1;
	[sflag:s0] =	ssyncset.done @!p0 $0x0  }
0x99: {  	[sflag:s0] =	ssyncadd.s32 @!p0 s1  }
0x9a: {  	[bflag:$0x3] =	sbarrier.arrive $0xFFFF  }
0x9b: {  	_ =	shalt  }

// kernel: kernel.14.cloned.1.call-start
scs
__scs_entry_jumppad:
0x0: {  	(pc) =	sbr.rel $0x88, $3  }
0x1: {  	(tag) =	ssettag $0x0;
	lr =	simm.s32 $0x1  }
0x2: {  	[smem:$0x3F97] =	sst lr;
	_ =	strace $0xD0000000  }
0x3: {  	_ = 	snop  }
0x4: {  	_ = 	snop  }
0x5: {  	_ = 	snop  }
0x6: {  	_ = 	snop  }
0x7: {  	_ = 	snop  }
__scs_overlays_trampoline_lowered:
0x8: {  	[smem:$0x3FA6] =	sst s0  }
0x9: {  	[smem:$0x3FA7] =	sst s1  }
0xa: {  	[smem:$0x3FA8] =	sst s2  }
0xb: {  	[smem:$0x3FA9] =	sst s3  }
0xc: {  	[smem:$0x3FAA] =	sst s4  }
0xd: {  	[smem:$0x3FAB] =	sst s5  }
0xe: {  	[smem:$0x3FAC] =	sst s6  }
0xf: {  	[smem:$0x3FAD] =	sst s7  }
0x10: {  	[smem:$0x3FAE] =	sst s8  }
0x11: {  	[smem:$0x3FAF] =	sst s9;
	s0 =	simm.s32 @!p0 $0x0  }
0x12: {  	s1 =	sld [smem:$0x3F95];
	s0 =	simm.s32 @p0 $0x1  }
0x13: {  	[smem:$0x3FB0] =	sst s0;
	s0 =	simm.s32 @!p1 $0x0  }
0x14: {  	s2 =	sld [smem:$0x3F94];
	s0 =	simm.s32 @p1 $0x1  }
0x15: {  	[smem:$0x3FB1] =	sst s0;
	s0 =	simm.s32 @!p2 $0x0  }
0x16: {  	s3 =	sld [smem:$0x3FDB];
	s0 =	simm.s32 @p2 $0x1  }
0x17: {  	s4 =	simm.s32 $0x1BF5;
	[smem:$0x3FB3] =	sst s0  }
0x18: {  	s0 =	sld [smem:$0x3F96];
	_ =	swait.ge [sflag:s4], $0x0  }
0x19: {  	s7 =	sld [smem:$0x3F97]  }
0x1a: {  	s8 =	sadd.s32 $0xFFFFE003, lr  }
0x1b: {  	s9 =	sadd.s32 $0xFFFFFEF7, lr;
	s5 =	simm.s32 $0xFFFFFFFF;
	p2 =	slt.u32 s8, $0xFFFFF086  }
0x1c: {  	p1 =	slt.u32 s9, $0xF7A;
	s5 =	simm.s32 @!p2 $0x0  }
0x1d: {  	s5 =	simm.s32 @p1 $0x1;
	p0 =	seq.s32 s7, s2  }
0x1e: {  	s7 =	smul.u32 @!p0 $0xF7A, s2;
	p2 =	seq.s32 @!p0 s5, $0x0  }
0x1f: {  	s9 =	smul.u32 $0xF7A, s1;
	s8 =	simm.s32 @!p0 $0x1BF5;
	p2 =	por !p2, p0  }
0x20: {  	[sflag:s8] =	ssyncset.s32 @!p0 $0xFFFFF086;
	s6 =	sadd.s32 @!p0 s3, s7;
	s7 =	simm.s32 @!p0 $0x108  }
0x21: {  	s3 =	sadd.s32 s3, s9;
	s6 =	sadd.s32 @!p0 $0x88, s6;
	s7 =	simm.s32 @p2 $0x1082  }
0x22: {  	[simem:s7], [sflag:s8] =	dma.local @!p0 [hbm:s6], $0xF7A  }
0x23: {  	s9 =	sor.u32 $0xD0000000, s2;
	s6 =	simm.s32 $0x108;
	_ =	swait.ge @!p0 [sflag:s8], $0x0  }
0x24: {  	s3 =	sadd.s32 $0x88, s3;
	s6 =	simm.s32 @!p1 $0x1082;
	[sflag:s4] =	ssyncset.s32 $0xFFFFF086  }
0x25: {  	[simem:s6], [sflag:s4] =	dma.local [hbm:s3], $0xF7A  }
0x26: {  	[smem:$0x3F97] =	sst s1;
	(tag) =	ssettag s2;
	_ =	strace s9  }
0x27: {  	s1 =	sld [smem:$0x3FA7]  }
0x28: {  	s2 =	sld [smem:$0x3FA8]  }
0x29: {  	s4 =	sld [smem:$0x3FAA]  }
0x2a: {  	p0 =	seq.s32 s5, $0x0;
	s5 =	sld [smem:$0x3FAB]  }
0x2b: {  	s6 =	sld [smem:$0x3FAC]  }
0x2c: {  	s7 =	sld [smem:$0x3FAD]  }
0x2d: {  	s3 =	simm.s32 $0x108;
	s8 =	sld [smem:$0x3FAE]  }
0x2e: {  	s3 =	simm.s32 @!p0 $0x1082;
	s9 =	sld [smem:$0x3FAF]  }
0x2f: {  	lr =	sadd.s32 s0, s3;
	s0 =	sld [smem:$0x3FA6]  }
0x30: {  	s3 =	sld [smem:$0x3FA9]  }
0x31: {  	[smem:$0x3FB2] =	sst s10  }
0x32: {  	s10 =	sld [smem:$0x3FB0];
	_ =	sdelay $0x3  }
0x33: {  	p0 =	seq.s32 s10, $0x1;
	s10 =	sld [smem:$0x3FB2];
	_ =	sdelay $0x3  }
0x34: {  	[smem:$0x3FB2] =	sst s10  }
0x35: {  	s10 =	sld [smem:$0x3FB1];
	_ =	sdelay $0x3  }
0x36: {  	p1 =	seq.s32 s10, $0x1;
	s10 =	sld [smem:$0x3FB2];
	_ =	sdelay $0x3  }
0x37: {  	[smem:$0x3FB2] =	sst s10  }
0x38: {  	s10 =	sld [smem:$0x3FB3]  }
0x39: {  	_ = 	snop;
	(pc) =	sbr.ind lr, $3  }
0x3a: {  	_ = 	snop  }
0x3b: {  	_ = 	snop  }
0x3c: {  	p2 =	seq.s32 s10, $0x1;
	s10 =	sld [smem:$0x3FB2]  }
0x3d: {  	_ =	shalt  }
0x3e: {  	_ =	shalt  }
0x3f: {  	_ =	shalt  }
0x40: {  	_ =	shalt  }
0x41: {  	_ =	shalt  }
0x42: {  	_ =	shalt  }
0x43: {  	_ =	shalt  }
0x44: {  	_ =	shalt  }
0x45: {  	_ =	shalt  }
0x46: {  	_ =	shalt  }
0x47: {  	_ =	shalt  }
0x48: {  	_ =	shalt  }
0x49: {  	_ =	shalt  }
0x4a: {  	_ =	shalt  }
0x4b: {  	_ =	shalt  }
0x4c: {  	_ =	shalt  }
0x4d: {  	_ =	shalt  }
0x4e: {  	_ =	shalt  }
0x4f: {  	_ =	shalt  }
0x50: {  	_ =	shalt  }
0x51: {  	_ =	shalt  }
0x52: {  	_ =	shalt  }
0x53: {  	_ =	shalt  }
0x54: {  	_ =	shalt  }
0x55: {  	_ =	shalt  }
0x56: {  	_ =	shalt  }
0x57: {  	_ =	shalt  }
0x58: {  	_ =	shalt  }
0x59: {  	_ =	shalt  }
0x5a: {  	_ =	shalt  }
0x5b: {  	_ =	shalt  }
0x5c: {  	_ =	shalt  }
0x5d: {  	_ =	shalt  }
0x5e: {  	_ =	shalt  }
0x5f: {  	_ =	shalt  }
0x60: {  	_ =	shalt  }
0x61: {  	_ =	shalt  }
0x62: {  	_ =	shalt  }
0x63: {  	_ =	shalt  }
0x64: {  	_ =	shalt  }
0x65: {  	_ =	shalt  }
0x66: {  	_ =	shalt  }
0x67: {  	_ =	shalt  }
0x68: {  	_ =	shalt  }
0x69: {  	_ =	shalt  }
0x6a: {  	_ =	shalt  }
0x6b: {  	_ =	shalt  }
0x6c: {  	_ =	shalt  }
0x6d: {  	_ =	shalt  }
0x6e: {  	_ =	shalt  }
0x6f: {  	_ =	shalt  }
0x70: {  	_ =	shalt  }
0x71: {  	_ =	shalt  }
0x72: {  	_ =	shalt  }
0x73: {  	_ =	shalt  }
0x74: {  	_ =	shalt  }
0x75: {  	_ =	shalt  }
0x76: {  	_ =	shalt  }
0x77: {  	_ =	shalt  }
0x78: {  	_ =	shalt  }
0x79: {  	_ =	shalt  }
0x7a: {  	_ =	shalt  }
0x7b: {  	_ =	shalt  }
0x7c: {  	_ =	shalt  }
0x7d: {  	_ =	shalt  }
0x7e: {  	_ =	shalt  }
0x7f: {  	_ =	shalt  }
0x80: {  	_ =	shalt  }
0x81: {  	_ =	shalt  }
0x82: {  	_ =	shalt  }
0x83: {  	_ =	shalt  }
0x84: {  	_ =	shalt  }
0x85: {  	_ =	shalt  }
0x86: {  	_ =	shalt  }
0x87: {  	_ =	shalt  }
.Lfunc_end0:
.L_simem_size_0:
called_computation.2_lowered:
.L_overlay_start_0:
0x88: {  	s2 =	sld [smem:$0x3FD9]  }
0x89: {  	s3 =	sld [smem:$0x3FFE];
	_ =	sdelay $0x1  }
0x8a: {  	s1 =	srdreg.scid  }
0x8b: {  	s0 =	sand.u32 $0x1, s1  }
0x8c: {  	s17 =	sshll.u32 s0, $0xA;
	s2 =	sadd.s32 s3, s2  }
0x8d: {  	s2 =	sadd.s32 s2, s17  }
0x8e: {  	[smem:$0x3FBE] =	sst s2  }
0x8f: {  	_ = 	snop  }
0x90: {  	s2 =	sld [smem:$0x3FD0];
	(tm) =	ssettm $0x1  }
0x91: {  	s18 =	sld [smem:$0x3FFB];
	_ =	sdelay $0x3  }
0x92: {  	_ =	strace s18  }
0x93: {  	s3 =	sld [smem:$0x3FFC];
	_ =	sdelay $0x3  }
0x94: {  	_ =	strace s3  }
0x95: {  	s3 =	sld [smem:$0x3FFD];
	_ =	sdelay $0x3  }
0x96: {  	_ =	strace s3  }
0x97: {  	_ =	strace $0x8FFFFFFF  }
0x98: {  	s19 =	sld [smem:$0x3FDB];
	_ =	sdelay $0x1  }
0x99: {  	s4 =	simm.s32 $_scs_section_size  }
0x9a: {  	s5 =	simm.s32 $_size__tile_overlayer_lowered;
	s6 =	simm.s32 $_tile_overlayer_lowered  }
0x9b: {  	s22 =	simm.s32 $0x1BFF;
	s21 =	sshll.u32 s6, $0x1;
	s3 =	sadd.s32 s4, s19  }
0x9c: {  	s7 =	simm.s32 $0x0;
	s20 =	sshll.u32 s5, $0x1;
	s5 =	sadd.s32 s21, s3  }
0x9d: {  	[timem:s7], [sflag:s22] =	dma.local [hbm:s5], s20  }
0x9e: {  	_ =	swait.ge [sflag:s22], s20  }
0x9f: {  	s4 =	ssub.s32 $0x0, s20;
	[sflag:s22] =	ssyncset.done $0x0  }
0xa0: {  	[sflag:s22] =	ssyncadd.s32 s4;
	_ =	sdelay $0x1  }
0xa1: {  	s23 =	simm.s32 $0x1B8B  }
0xa2: {  	_ =	swait.ge [sflag:s23], $0x1  }
0xa3: {  	[sflag:s23] =	ssyncset.done $0x0  }
0xa4: {  	s25 =	simm.s32 $0x1B8E;
	s24 =	sld [smem:$0x3FFE];
	[sflag:s23] =	ssyncadd.s32 $0xFFFFFFFF  }
0xa5: {  	s26 =	simm.s32 $execute0_lowered;
	[smem:$0x3FD2] =	sst s25  }
0xa6: {  	s5 =	sshll.u32 s26, $0x1;
	_ =	strace $0x8000004C;
	[dreg:$0x1] =	wrdreg $0xFFFFFFFF  }
0xa7: {  	s28 =	simm.s32 $_size_execute0_lowered;
	s3 =	sadd.s32 s3, s5;
	[dreg:$0x0] =	wrdreg $0x0  }
0xa8: {  	s5 =	sshll.u32 s28, $0x1;
	[dreg:$0x2] =	wrdreg s3  }
0xa9: {  	[dreg:$0x3] =	wrdreg s5  }
0xaa: {  	[dreg:$0x4] =	wrdreg $0xC0  }
0xab: {  	_ =	task [dreg:s7], $0x5FFFF  }
0xac: {  	[dreg:$0x1] =	wrdreg $0xFFFFFFFF  }
0xad: {  	[dreg:$0x0] =	wrdreg $0x60  }
0xae: {  	[dreg:$0x2] =	wrdreg s24  }
0xaf: {  	[dreg:$0x3] =	wrdreg s2  }
0xb0: {  	[dreg:$0x4] =	wrdreg $0x13E200  }
0xb1: {  	[dreg:$0x5] =	wrdreg $0x9  }
0xb2: {  	_ =	task.clear_ibuf [dreg:s7], $0x6FFFF;
	_ =	strace $0x9000004C  }
0xb3: {  	s29 =	simm.s32 $0x9;
	_ =	strace $0x8000004E  }
0xb4: {  	_ =	swait.ge [sflag:s29], $0x1  }
0xb5: {  	[sflag:s29] =	ssyncadd.s32 $0xFFFFFFFF  }
0xb6: {  	_ =	strace $0x9000004E  }
0xb7: {  	_ =	sfence  }
0xb8: {  	s30 =	sld [smem:$0x0];
	_ =	sdelay $0x2  }
0xb9: {  	s31 =	sshll.u32 s1, $0xD;
	s1 =	sshrl.u32 s1, $0x2  }
0xba: {  	s3 =	sand.u32 $0x4000, s31;
	s1 =	sadd.s32 s1, s30  }
0xbb: {  	s0 =	sor.u32 s3, s0;
	s1 =	sshll.u32 s1, $0x11  }
0xbc: {  	s0 =	sor.u32 s1, s0  }
0xbd: {  	s0 =	sadd.s32 $0x8F2B, s0  }
0xbe: {  	[sflag:s0] =	ssyncadd.remote.s32 $0x1  }
0xbf: {  	_ =	sfence.sel $0xFFFF  }
0xc0: {  	[dreg:$0x0] =	wrdreg $0xFFFFFFFF;
	(pc) =	sbr.abs _section_cstart, $3  }
0xc1: {  	[dreg:$0x1] =	wrdreg $0xFFFFFFFF  }
0xc2: {  	_ =	task.clear_ibuf [dreg:s7], $0x2FFFF;
	_ =	strace $0x9FFFFFFF  }
0xc3: {  	(tm) =	ssettm $0x7FFFFFFF  }
tec
execute0_lowered:
.L_overlay_start_1:
0x0: {  	(tag) =	ssettag $0x1  }
0x1: {  	s0 =	srdreg.scid  }
0x2: {  	s6 =	rddreg [dreg:$0x0];
	s24 =	stileid.u32  }
0x3: {  	s2 =	rddreg [dreg:$0x1];
	s17 =	simm.s32 $0x11620;
	s18 =	simm.s32 $0x3  }
0x4: {  	s19 =	simm.s32 $0x2710;
	s20 =	simm.s32 $0x190;
	s21 =	simm.s32 $0x4E20  }
0x5: {  	s22 =	simm.s32 $0xB220;
	s23 =	simm.s32 $0x1;
	s28 =	simm.s32 $0x4B00  }
0x6: {  	s29 =	simm.s32 $0x4C90;
	s30 =	simm.s32 $0x0;
	s8 =	smul.u32 $0x280, s24  }
0x7: {  	s1 =	sand.u32 $0x1, s0;
	s10 =	smul.u32 $0x28000, s24;
	s5 =	sadd.s32 $0x15400, s6  }
0x8: {  	s3 =	sshll.u32 s1, $0x4;
	s9 =	smul.u32 $0x2800, s1;
	s1 =	ssub.s32 $0x2, s1  }
0x9: {  	s4 =	sor.u32 s24, s3;
	s3 =	rddreg [dreg:$0x2];
	s26 =	sshrl.u32 s10, $0x2  }
0xa: {  	s31 =	sshrl.u32 s1, $0x1;
	s7 =	smul.u32 $0x4E2, s4;
	s4 =	simm.s32 $0x0  }
0xb: {  	s24 =	simm.s32 $0x2;
	s1 =	ssub.s32 s1, s31;
	[smem:$0x7FF] =	sst s4  }
0xc: {  	s25 =	sadd.s32 s8, s9;
	s16 =	smax.u32 s1, $0x1;
	_ =	strace $0x8000004D  }
0xd: {  	s11 =	sadd.s32 s7, s6;
	s7 =	sshll.u32 s25, $0x3;
	s25 =	simm.s32 $0x4970  }
0xe: {  	s15 =	sadd.s32 s7, s6;
	s6 =	sadd.s32 s26, s3;
	s10 =	sadd.s32 $0xB600, s11  }
0xf: {  	s11 =	sadd.s32 $0x1800, s11;
	s26 =	simm.s32 $0x2580;
	s7 =	sadd.s32 $0x2800, s6  }
0x10: {  	s8 =	sadd.s32 $0x5000, s6;
	s9 =	sadd.s32 $0x7800, s6;
	s12 =	sadd.s32 $0x29400, s15  }
0x11: {  	s13 =	sadd.s32 $0x29900, s15;
	s14 =	sadd.s32 $0x29E00, s15;
	s15 =	sadd.s32 $0x2A300, s15  }
.LBB2_1:
0x12: {  	[tilespmem:s17], [sflag:$0x3] =	stream.linear.gather [hbm4b:s2+s4], $0x2800, $0x38;
	[tilespmem:$0x1DE20] =	vst v63  }
0x13: {  	_ =	swait.ge [sflag:s18], $0x2800  }
0x14: {  	[sflag:s18] =	ssyncset.done $0x0  }
0x15: {  	[sflag:s18] =	ssyncadd.s32 $0xFFFFD800  }
0x16: {  	[spmem:s6] =	stream.linear.scatter [tilespmem:s17], [sflag:$0x3], $0x2800, $0x38;
	[tilespmem:$0x1DE20] =	vst v63  }
0x17: {  	_ =	swait.ge [sflag:s18], $0x2800  }
0x18: {  	[sflag:s18] =	ssyncset.done $0x0  }
0x19: {  	[sflag:s18] =	ssyncadd.s32 $0xFFFFD800  }
0x1a: {  	[spmem:s7] =	stream.linear.scatter [tilespmem:s17], [sflag:$0x3], $0x2800, $0x38;
	[tilespmem:$0x1DE20] =	vst v63  }
0x1b: {  	_ =	swait.ge [sflag:s18], $0x2800  }
0x1c: {  	[sflag:s18] =	ssyncset.done $0x0  }
0x1d: {  	[sflag:s18] =	ssyncadd.s32 $0xFFFFD800  }
0x1e: {  	[spmem:s8] =	stream.linear.scatter [tilespmem:s17], [sflag:$0x3], $0x2800, $0x38;
	[tilespmem:$0x1DE20] =	vst v63  }
0x1f: {  	_ =	swait.ge [sflag:s18], $0x2800  }
0x20: {  	[sflag:s18] =	ssyncset.done $0x0  }
0x21: {  	[sflag:s18] =	ssyncadd.s32 $0xFFFFD800  }
0x22: {  	[spmem:s9] =	stream.linear.scatter [tilespmem:s17], [sflag:$0x3], $0x2800, $0x38;
	[tilespmem:$0x1DE20] =	vst v63  }
0x23: {  	_ =	swait.ge [sflag:s18], $0x2800  }
0x24: {  	[sflag:s18] =	ssyncset.done $0x0  }
0x25: {  	[sflag:s18] =	ssyncadd.s32 $0xFFFFD800  }
0x26: {  	[tilespmem:s4], [sflag:$0x3] =	stream.linear.gather [hbm4b:s10+s4], $0x2710, $0x38;
	[tilespmem:$0x1DE20] =	vst v63  }
0x27: {  	_ =	swait.ge [sflag:s18], $0x2710  }
0x28: {  	[sflag:s18] =	ssyncset.done $0x0  }
0x29: {  	[sflag:s18] =	ssyncadd.s32 $0xFFFFD8F0  }
0x2a: {  	[tilespmem:s19], [sflag:$0x3] =	stream.linear.gather [hbm4b:s11+s4], $0x2710, $0x38;
	[tilespmem:$0x1DE20] =	vst v63  }
0x2b: {  	_ =	swait.ge [sflag:s18], $0x2710  }
0x2c: {  	[sflag:s18] =	ssyncset.done $0x0  }
0x2d: {  	[sflag:s18] =	ssyncadd.s32 $0xFFFFD8F0  }
0x2e: {  	[bflag:$0x0] =	sbarrier.arrive $0xFFFF  }
0x2f: {  	[tilespmem:s21], [sflag:$0x1] =	stream.indirect.gather [hbm4b:s5+s20], $0x40, s4, s20, $0xb8;
	[tilespmem:$0x1DE20] =	vst v63  }
0x30: {  	_ = 	snop  }
0x31: {  	[tilespmem:s22], [sflag:$0x2] =	stream.indirect.gather [hbm4b:s5+s20], $0x40, s20, s20, $0xb8;
	[tilespmem:$0x1DE20] =	vst v63  }
0x32: {  	_ =	swait.ge [sflag:s23], $0x6400  }
0x33: {  	[sflag:s23] =	ssyncset.done $0x0  }
0x34: {  	s1 =	simm.s32 $0x2710;
	[sflag:s23] =	ssyncadd.s32 $0xFFFF9C00  }
0x35: {  	[spmem:s3] =	stream.indirect.scatter.add.f32 [tilespmem:s21], [sflag:$0x3], $0x40, s1, s20, $0xb8;
	[tilespmem:$0x1DE20] =	vst v63  }
0x36: {  	_ =	swait.ge [sflag:s18], $0x6400  }
0x37: {  	[sflag:s18] =	ssyncset.done $0x0  }
0x38: {  	s0 =	simm.s32 $0x320;
	[sflag:s18] =	ssyncadd.s32 $0xFFFF9C00  }
0x39: {  	[tilespmem:s21], [sflag:$0x1] =	stream.indirect.gather [hbm4b:s5+s20], $0x40, s0, s20, $0xb8;
	[tilespmem:$0x1DE20] =	vst v63  }
0x3a: {  	_ =	swait.ge [sflag:s24], $0x6400  }
0x3b: {  	[sflag:s24] =	ssyncset.done $0x0  }
0x3c: {  	s0 =	simm.s32 $0x28A0;
	[sflag:s24] =	ssyncadd.s32 $0xFFFF9C00  }
0x3d: {  	[spmem:s3] =	stream.indirect.scatter.add.f32 [tilespmem:s22], [sflag:$0x3], $0x40, s0, s20, $0xb8;
	[tilespmem:$0x1DE20] =	vst v63  }
0x3e: {  	_ =	swait.ge [sflag:s18], $0x6400  }
0x3f: {  	[sflag:s18] =	ssyncset.done $0x0  }
0x40: {  	s31 =	simm.s32 $0xC80;
	s1 =	simm.s32 $0x4B0;
	[sflag:s18] =	ssyncadd.s32 $0xFFFF9C00  }
.LBB2_2:
0x41: {  	[tilespmem:s22], [sflag:$0x2] =	stream.indirect.gather [hbm4b:s5+s20], $0x40, s1, s20, $0xb8;
	[tilespmem:$0x1DE20] =	vst v63  }
0x42: {  	s1 =	smov.u32 s31  }
0x43: {  	p0 =	sne.s32 s31, $0x7D00;
	s31 =	sadd.s32 $0xC80, s31;
	_ =	swait.ge [sflag:s23], $0x6400  }
0x44: {  	s1 =	sshra.s32 s1, $0x2;
	[sflag:s23] =	ssyncset.done $0x0  }
0x45: {  	s0 =	sadd.s32 $0x2710, s1;
	[sflag:s23] =	ssyncadd.s32 $0xFFFF9C00  }
0x46: {  	[spmem:s3] =	stream.indirect.scatter.add.f32 [tilespmem:s21], [sflag:$0x3], $0x40, s0, s20, $0xb8;
	[tilespmem:$0x1DE20] =	vst v63  }
0x47: {  	_ =	swait.ge [sflag:s18], $0x6400  }
0x48: {  	[sflag:s18] =	ssyncset.done $0x0  }
0x49: {  	s0 =	sadd.s32 $0x320, s1;
	[sflag:s18] =	ssyncadd.s32 $0xFFFF9C00  }
0x4a: {  	[tilespmem:s21], [sflag:$0x1] =	stream.indirect.gather [hbm4b:s5+s20], $0x40, s0, s20, $0xb8;
	[tilespmem:$0x1DE20] =	vst v63  }
0x4b: {  	_ =	swait.ge [sflag:s24], $0x6400  }
0x4c: {  	[sflag:s24] =	ssyncset.done $0x0  }
.Ltmp0:
0x4d: {  	s0 =	sadd.s32 $0x28A0, s1;
	[sflag:s24] =	ssyncadd.s32 $0xFFFF9C00;
	(pc) =	sbr.rel @p0 .LBB2_2-.Ltmp0, $4  }
0x4e: {  	[spmem:s3] =	stream.indirect.scatter.add.f32 [tilespmem:s22], [sflag:$0x3], $0x40, s0, s20, $0xb8;
	[tilespmem:$0x1DE20] =	vst v63  }
0x4f: {  	_ =	swait.ge [sflag:s18], $0x6400  }
0x50: {  	[sflag:s18] =	ssyncset.done $0x0  }
0x51: {  	s1 =	sadd.s32 $0x4B0, s1;
	[sflag:s18] =	ssyncadd.s32 $0xFFFF9C00  }
0x52: {  	[tilespmem:s22], [sflag:$0x2] =	stream.indirect.gather [hbm4b:s5+s20], $0x40, s1, s20, $0xb8;
	[tilespmem:$0x1DE20] =	vst v63  }
0x53: {  	_ =	swait.ge [sflag:s23], $0x6400  }
0x54: {  	[sflag:s23] =	ssyncset.done $0x0  }
0x55: {  	[sflag:s23] =	ssyncadd.s32 $0xFFFF9C00  }
0x56: {  	[spmem:s3] =	stream.indirect.scatter.add.f32 [tilespmem:s21], [sflag:$0x3], $0x40, s25, s20, $0xb8;
	[tilespmem:$0x1DE20] =	vst v63  }
0x57: {  	_ =	swait.ge [sflag:s18], $0x6400  }
0x58: {  	[sflag:s18] =	ssyncset.done $0x0  }
0x59: {  	[sflag:s18] =	ssyncadd.s32 $0xFFFF9C00  }
0x5a: {  	[tilespmem:s21], [sflag:$0x1] =	stream.indirect.gather [hbm4b:s5+s20], $0x40, s26, s20, $0xb8;
	[tilespmem:$0x1DE20] =	vst v63  }
0x5b: {  	_ =	swait.ge [sflag:s24], $0x6400  }
0x5c: {  	[sflag:s24] =	ssyncset.done $0x0  }
0x5d: {  	[sflag:s24] =	ssyncadd.s32 $0xFFFF9C00  }
0x5e: {  	[spmem:s3] =	stream.indirect.scatter.add.f32 [tilespmem:s22], [sflag:$0x3], $0x40, s28, s20, $0xb8;
	[tilespmem:$0x1DE20] =	vst v63  }
0x5f: {  	_ =	swait.ge [sflag:s18], $0x6400  }
0x60: {  	[sflag:s18] =	ssyncset.done $0x0  }
0x61: {  	[sflag:s18] =	ssyncadd.s32 $0xFFFF9C00  }
0x62: {  	_ =	swait.ge [sflag:s23], $0x6400  }
0x63: {  	[sflag:s23] =	ssyncset.done $0x0  }
0x64: {  	[sflag:s23] =	ssyncadd.s32 $0xFFFF9C00  }
0x65: {  	[spmem:s3] =	stream.indirect.scatter.add.f32 [tilespmem:s21], [sflag:$0x3], $0x40, s29, s20, $0xb8;
	[tilespmem:$0x1DE20] =	vst v63  }
0x66: {  	_ =	swait.ge [sflag:s18], $0x6400  }
0x67: {  	[sflag:s18] =	ssyncset.done $0x0  }
0x68: {  	[sflag:s18] =	ssyncadd.s32 $0xFFFF9C00  }
0x69: {  	[bflag:$0x0] =	sbarrier.arrive $0xFFFF  }
0x6a: {  	[tilespmem:s17], [sflag:$0x3] =	stream.linear.gather [spmem:s6], $0x2800, $0x38;
	[tilespmem:$0x1DE20] =	vst v63  }
0x6b: {  	_ =	swait.ge [sflag:s18], $0x2800  }
0x6c: {  	[sflag:s18] =	ssyncset.done $0x0  }
0x6d: {  	[sflag:s18] =	ssyncadd.s32 $0xFFFFD800  }
0x6e: {  	[hbm4b:s12+s4] =	stream.linear.scatter [tilespmem:s17], [sflag:$0x3], $0x2800, $0x38;
	[tilespmem:$0x1DE20] =	vst v63  }
0x6f: {  	_ =	swait.ge [sflag:s18], $0x2800  }
0x70: {  	[sflag:s18] =	ssyncset.done $0x0  }
0x71: {  	[sflag:s18] =	ssyncadd.s32 $0xFFFFD800  }
0x72: {  	[tilespmem:s17], [sflag:$0x3] =	stream.linear.gather [spmem:s7], $0x2800, $0x38;
	[tilespmem:$0x1DE20] =	vst v63  }
0x73: {  	_ =	swait.ge [sflag:s18], $0x2800  }
0x74: {  	[sflag:s18] =	ssyncset.done $0x0  }
0x75: {  	[sflag:s18] =	ssyncadd.s32 $0xFFFFD800  }
0x76: {  	[hbm4b:s13+s4] =	stream.linear.scatter [tilespmem:s17], [sflag:$0x3], $0x2800, $0x38;
	[tilespmem:$0x1DE20] =	vst v63  }
0x77: {  	_ =	swait.ge [sflag:s18], $0x2800  }
0x78: {  	[sflag:s18] =	ssyncset.done $0x0  }
0x79: {  	[sflag:s18] =	ssyncadd.s32 $0xFFFFD800  }
0x7a: {  	[tilespmem:s17], [sflag:$0x3] =	stream.linear.gather [spmem:s8], $0x2800, $0x38;
	[tilespmem:$0x1DE20] =	vst v63  }
0x7b: {  	_ =	swait.ge [sflag:s18], $0x2800  }
0x7c: {  	[sflag:s18] =	ssyncset.done $0x0  }
0x7d: {  	[sflag:s18] =	ssyncadd.s32 $0xFFFFD800  }
0x7e: {  	[hbm4b:s14+s4] =	stream.linear.scatter [tilespmem:s17], [sflag:$0x3], $0x2800, $0x38;
	[tilespmem:$0x1DE20] =	vst v63  }
0x7f: {  	_ =	swait.ge [sflag:s18], $0x2800  }
0x80: {  	[sflag:s18] =	ssyncset.done $0x0  }
0x81: {  	[sflag:s18] =	ssyncadd.s32 $0xFFFFD800  }
0x82: {  	[tilespmem:s17], [sflag:$0x3] =	stream.linear.gather [spmem:s9], $0x2800, $0x38;
	[tilespmem:$0x1DE20] =	vst v63  }
0x83: {  	s30 =	sadd.s32 $0x1, s30;
	_ =	swait.ge [sflag:s18], $0x2800  }
0x84: {  	p0 =	sne.s32 s30, s16;
	[sflag:s18] =	ssyncset.done $0x0  }
.Ltmp1:
0x85: {  	[sflag:s18] =	ssyncadd.s32 $0xFFFFD800;
	(pc) =	sbr.rel @p0 .LBB2_1-.Ltmp1, $4  }
0x86: {  	[hbm4b:s15+s4] =	stream.linear.scatter [tilespmem:s17], [sflag:$0x3], $0x2800, $0x38;
	[tilespmem:$0x1DE20] =	vst v63  }
0x87: {  	_ =	swait.ge [sflag:s18], $0x2800  }
0x88: {  	[sflag:s18] =	ssyncset.done $0x0  }
0x89: {  	[sflag:s18] =	ssyncadd.s32 $0xFFFFD800  }
0x8a: {  	_ =	sfence.sel $0x180000  }
0x8b: {  	[bflag:$0x0] =	sbarrier.arrive $0xFFFF  }
0x8c: {  	_ =	strace $0x9000004D  }
0x8d: {  	s0 =	stileid.u32;
	[bflag:$0x2] =	sbarrier.arrive $0xFFFF  }
0x8e: {  	p0 =	sne.s32 s0, $0x0;
	s0 =	rddreg [dreg:$0x3]  }
0x8f: {  	s0 =	sadd.s32 @!p0 $0x100000, s0  }
0x90: {  	[sflag:s0] =	ssyncadd.tile.s32 @!p0 $0x1;
	_ =	shalt  }
.Lfunc_end2:
_tile_overlayer_lowered:
.L_overlay_start_2:
0x91: {  	(tag) =	ssettag $0x2  }
0x92: {  	s0 =	rddreg [dreg:$0x0];
	s2 =	stileid.u32  }
0x93: {  	s1 =	rddreg [dreg:$0x1];
	p0 =	sne.s32 s2, $0x0  }
0x94: {  	s3 =	rddreg [dreg:$0x2];
	[bflag:$0x3] =	sbarrier.arrive $0xFFFF;
	s2 =	simm.s32 @!p0 $0x1C03  }
0x95: {  	[timem:s3], [sflag:s2] =	dma.local @!p0 [hbm:s0], s1  }
0x96: {  	s0 =	simm.s32 @!p0 $0x3  }
0x97: {  	_ =	swait.ge @!p0 [sflag:s0], s1  }
0x98: {  	s1 =	ssub.s32 @!p0 $0x0, s1;
	[sflag:s0] =	ssyncset.done @!p0 $0x0  }
0x99: {  	[sflag:s0] =	ssyncadd.s32 @!p0 s1  }
0x9a: {  	[bflag:$0x3] =	sbarrier.arrive $0xFFFF  }
0x9b: {  	_ =	shalt  }

// kernel: kernel.8.cloned.1.call-start
scs
__scs_entry_jumppad:
0x0: {  	(pc) =	sbr.rel $0x88, $3  }
0x1: {  	(tag) =	ssettag $0x0;
	lr =	simm.s32 $0x1  }
0x2: {  	[smem:$0x3F97] =	sst lr;
	_ =	strace $0xD0000000  }
0x3: {  	_ = 	snop  }
0x4: {  	_ = 	snop  }
0x5: {  	_ = 	snop  }
0x6: {  	_ = 	snop  }
0x7: {  	_ = 	snop  }
__scs_overlays_trampoline_lowered:
0x8: {  	[smem:$0x3FA6] =	sst s0  }
0x9: {  	[smem:$0x3FA7] =	sst s1  }
0xa: {  	[smem:$0x3FA8] =	sst s2  }
0xb: {  	[smem:$0x3FA9] =	sst s3  }
0xc: {  	[smem:$0x3FAA] =	sst s4  }
0xd: {  	[smem:$0x3FAB] =	sst s5  }
0xe: {  	[smem:$0x3FAC] =	sst s6  }
0xf: {  	[smem:$0x3FAD] =	sst s7  }
0x10: {  	[smem:$0x3FAE] =	sst s8  }
0x11: {  	[smem:$0x3FAF] =	sst s9;
	s0 =	simm.s32 @!p0 $0x0  }
0x12: {  	s1 =	sld [smem:$0x3F95];
	s0 =	simm.s32 @p0 $0x1  }
0x13: {  	[smem:$0x3FB0] =	sst s0;
	s0 =	simm.s32 @!p1 $0x0  }
0x14: {  	s2 =	sld [smem:$0x3F94];
	s0 =	simm.s32 @p1 $0x1  }
0x15: {  	[smem:$0x3FB1] =	sst s0;
	s0 =	simm.s32 @!p2 $0x0  }
0x16: {  	s3 =	sld [smem:$0x3FDB];
	s0 =	simm.s32 @p2 $0x1  }
0x17: {  	s4 =	simm.s32 $0x1BF5;
	[smem:$0x3FB3] =	sst s0  }
0x18: {  	s0 =	sld [smem:$0x3F96];
	_ =	swait.ge [sflag:s4], $0x0  }
0x19: {  	s7 =	sld [smem:$0x3F97]  }
0x1a: {  	s8 =	sadd.s32 $0xFFFFE003, lr  }
0x1b: {  	s9 =	sadd.s32 $0xFFFFFEF7, lr;
	s5 =	simm.s32 $0xFFFFFFFF;
	p2 =	slt.u32 s8, $0xFFFFF086  }
0x1c: {  	p1 =	slt.u32 s9, $0xF7A;
	s5 =	simm.s32 @!p2 $0x0  }
0x1d: {  	s5 =	simm.s32 @p1 $0x1;
	p0 =	seq.s32 s7, s2  }
0x1e: {  	s7 =	smul.u32 @!p0 $0xF7A, s2;
	p2 =	seq.s32 @!p0 s5, $0x0  }
0x1f: {  	s9 =	smul.u32 $0xF7A, s1;
	s8 =	simm.s32 @!p0 $0x1BF5;
	p2 =	por !p2, p0  }
0x20: {  	[sflag:s8] =	ssyncset.s32 @!p0 $0xFFFFF086;
	s6 =	sadd.s32 @!p0 s3, s7;
	s7 =	simm.s32 @!p0 $0x108  }
0x21: {  	s3 =	sadd.s32 s3, s9;
	s6 =	sadd.s32 @!p0 $0x88, s6;
	s7 =	simm.s32 @p2 $0x1082  }
0x22: {  	[simem:s7], [sflag:s8] =	dma.local @!p0 [hbm:s6], $0xF7A  }
0x23: {  	s9 =	sor.u32 $0xD0000000, s2;
	s6 =	simm.s32 $0x108;
	_ =	swait.ge @!p0 [sflag:s8], $0x0  }
0x24: {  	s3 =	sadd.s32 $0x88, s3;
	s6 =	simm.s32 @!p1 $0x1082;
	[sflag:s4] =	ssyncset.s32 $0xFFFFF086  }
0x25: {  	[simem:s6], [sflag:s4] =	dma.local [hbm:s3], $0xF7A  }
0x26: {  	[smem:$0x3F97] =	sst s1;
	(tag) =	ssettag s2;
	_ =	strace s9  }
0x27: {  	s1 =	sld [smem:$0x3FA7]  }
0x28: {  	s2 =	sld [smem:$0x3FA8]  }
0x29: {  	s4 =	sld [smem:$0x3FAA]  }
0x2a: {  	p0 =	seq.s32 s5, $0x0;
	s5 =	sld [smem:$0x3FAB]  }
0x2b: {  	s6 =	sld [smem:$0x3FAC]  }
0x2c: {  	s7 =	sld [smem:$0x3FAD]  }
0x2d: {  	s3 =	simm.s32 $0x108;
	s8 =	sld [smem:$0x3FAE]  }
0x2e: {  	s3 =	simm.s32 @!p0 $0x1082;
	s9 =	sld [smem:$0x3FAF]  }
0x2f: {  	lr =	sadd.s32 s0, s3;
	s0 =	sld [smem:$0x3FA6]  }
0x30: {  	s3 =	sld [smem:$0x3FA9]  }
0x31: {  	[smem:$0x3FB2] =	sst s10  }
0x32: {  	s10 =	sld [smem:$0x3FB0];
	_ =	sdelay $0x3  }
0x33: {  	p0 =	seq.s32 s10, $0x1;
	s10 =	sld [smem:$0x3FB2];
	_ =	sdelay $0x3  }
0x34: {  	[smem:$0x3FB2] =	sst s10  }
0x35: {  	s10 =	sld [smem:$0x3FB1];
	_ =	sdelay $0x3  }
0x36: {  	p1 =	seq.s32 s10, $0x1;
	s10 =	sld [smem:$0x3FB2];
	_ =	sdelay $0x3  }
0x37: {  	[smem:$0x3FB2] =	sst s10  }
0x38: {  	s10 =	sld [smem:$0x3FB3]  }
0x39: {  	_ = 	snop;
	(pc) =	sbr.ind lr, $3  }
0x3a: {  	_ = 	snop  }
0x3b: {  	_ = 	snop  }
0x3c: {  	p2 =	seq.s32 s10, $0x1;
	s10 =	sld [smem:$0x3FB2]  }
0x3d: {  	_ =	shalt  }
0x3e: {  	_ =	shalt  }
0x3f: {  	_ =	shalt  }
0x40: {  	_ =	shalt  }
0x41: {  	_ =	shalt  }
0x42: {  	_ =	shalt  }
0x43: {  	_ =	shalt  }
0x44: {  	_ =	shalt  }
0x45: {  	_ =	shalt  }
0x46: {  	_ =	shalt  }
0x47: {  	_ =	shalt  }
0x48: {  	_ =	shalt  }
0x49: {  	_ =	shalt  }
0x4a: {  	_ =	shalt  }
0x4b: {  	_ =	shalt  }
0x4c: {  	_ =	shalt  }
0x4d: {  	_ =	shalt  }
0x4e: {  	_ =	shalt  }
0x4f: {  	_ =	shalt  }
0x50: {  	_ =	shalt  }
0x51: {  	_ =	shalt  }
0x52: {  	_ =	shalt  }
0x53: {  	_ =	shalt  }
0x54: {  	_ =	shalt  }
0x55: {  	_ =	shalt  }
0x56: {  	_ =	shalt  }
0x57: {  	_ =	shalt  }
0x58: {  	_ =	shalt  }
0x59: {  	_ =	shalt  }
0x5a: {  	_ =	shalt  }
0x5b: {  	_ =	shalt  }
0x5c: {  	_ =	shalt  }
0x5d: {  	_ =	shalt  }
0x5e: {  	_ =	shalt  }
0x5f: {  	_ =	shalt  }
0x60: {  	_ =	shalt  }
0x61: {  	_ =	shalt  }
0x62: {  	_ =	shalt  }
0x63: {  	_ =	shalt  }
0x64: {  	_ =	shalt  }
0x65: {  	_ =	shalt  }
0x66: {  	_ =	shalt  }
0x67: {  	_ =	shalt  }
0x68: {  	_ =	shalt  }
0x69: {  	_ =	shalt  }
0x6a: {  	_ =	shalt  }
0x6b: {  	_ =	shalt  }
0x6c: {  	_ =	shalt  }
0x6d: {  	_ =	shalt  }
0x6e: {  	_ =	shalt  }
0x6f: {  	_ =	shalt  }
0x70: {  	_ =	shalt  }
0x71: {  	_ =	shalt  }
0x72: {  	_ =	shalt  }
0x73: {  	_ =	shalt  }
0x74: {  	_ =	shalt  }
0x75: {  	_ =	shalt  }
0x76: {  	_ =	shalt  }
0x77: {  	_ =	shalt  }
0x78: {  	_ =	shalt  }
0x79: {  	_ =	shalt  }
0x7a: {  	_ =	shalt  }
0x7b: {  	_ =	shalt  }
0x7c: {  	_ =	shalt  }
0x7d: {  	_ =	shalt  }
0x7e: {  	_ =	shalt  }
0x7f: {  	_ =	shalt  }
0x80: {  	_ =	shalt  }
0x81: {  	_ =	shalt  }
0x82: {  	_ =	shalt  }
0x83: {  	_ =	shalt  }
0x84: {  	_ =	shalt  }
0x85: {  	_ =	shalt  }
0x86: {  	_ =	shalt  }
0x87: {  	_ =	shalt  }
.Lfunc_end0:
.L_simem_size_0:
called_computation_lowered:
.L_overlay_start_0:
0x88: {  	s2 =	sld [smem:$0x3FD9]  }
0x89: {  	s3 =	sld [smem:$0x3FFE];
	_ =	sdelay $0x1  }
0x8a: {  	s1 =	srdreg.scid  }
0x8b: {  	s0 =	sand.u32 $0x1, s1  }
0x8c: {  	s17 =	sshll.u32 s0, $0xA;
	s2 =	sadd.s32 s3, s2  }
0x8d: {  	s2 =	sadd.s32 s2, s17  }
0x8e: {  	[smem:$0x3FBE] =	sst s2  }
0x8f: {  	_ = 	snop  }
0x90: {  	(tm) =	ssettm $0x1  }
0x91: {  	s18 =	sld [smem:$0x3FFB];
	_ =	sdelay $0x3  }
0x92: {  	_ =	strace s18  }
0x93: {  	s2 =	sld [smem:$0x3FFC];
	_ =	sdelay $0x3  }
0x94: {  	_ =	strace s2  }
0x95: {  	s2 =	sld [smem:$0x3FFD];
	_ =	sdelay $0x3  }
0x96: {  	_ =	strace s2  }
0x97: {  	_ =	strace $0x8FFFFFFF  }
0x98: {  	s19 =	sld [smem:$0x3FDB];
	_ =	sdelay $0x1  }
0x99: {  	s20 =	simm.s32 $_scs_section_size  }
0x9a: {  	s4 =	simm.s32 $_size__tile_overlayer_lowered;
	s5 =	simm.s32 $_tile_overlayer_lowered  }
0x9b: {  	s6 =	simm.s32 $0x1BFF;
	s21 =	sshll.u32 s5, $0x1;
	s3 =	sadd.s32 s20, s19  }
0x9c: {  	s22 =	simm.s32 $0x0;
	s4 =	sshll.u32 s4, $0x1;
	s5 =	sadd.s32 s21, s3  }
0x9d: {  	[timem:s22], [sflag:s6] =	dma.local [hbm:s5], s4  }
0x9e: {  	_ =	swait.ge [sflag:s6], s4  }
0x9f: {  	s4 =	ssub.s32 $0x0, s4;
	[sflag:s6] =	ssyncset.done $0x0  }
0xa0: {  	[sflag:s6] =	ssyncadd.s32 s4;
	_ =	sdelay $0x1  }
0xa1: {  	s23 =	simm.s32 $0x1B8B  }
0xa2: {  	_ =	swait.ge [sflag:s23], $0x1  }
0xa3: {  	[sflag:s23] =	ssyncset.done $0x0  }
0xa4: {  	[sflag:s23] =	ssyncadd.s32 $0xFFFFFFFF  }
0xa5: {  	s4 =	sld [smem:$0x0]  }
0xa6: {  	s5 =	sand.u32 $0xFFFFFFFE, s1  }
0xa7: {  	p0 =	sne.s32 s1, s5  }
0xa8: {  	s5 =	sshll.u32 @p0 s5, $0xE  }
0xa9: {  	s5 =	sadd.s32 @p0 $0x11B8D, s5;
	s6 =	sshll.u32 @p0 s4, $0x11  }
0xaa: {  	s5 =	sor.u32 @p0 s6, s5  }
0xab: {  	[sflag:s5] =	ssyncadd.remote.s32 @p0 $0x1;
	_ =	sdelay $0x1  }
0xac: {  	s5 =	simm.s32 @p0 $0x1B8D  }
0xad: {  	_ =	swait.eq @p0 [sflag:s5], $0x1  }
0xae: {  	[sflag:s5] =	ssyncadd.s32 @p0 $0xFFFFFFFF  }
0xaf: {  	s6 =	sshll.u32 @!p0 s1, $0xE  }
0xb0: {  	s6 =	sor.u32 @!p0 $0x4000, s6;
	s5 =	simm.s32 @!p0 $0x1B8D  }
0xb1: {  	s4 =	sshll.u32 @!p0 s4, $0x11;
	s6 =	sadd.s32 @!p0 $0x11B8D, s6;
	_ =	swait.eq @!p0 [sflag:s5], $0x1  }
0xb2: {  	s4 =	sor.u32 @!p0 s4, s6;
	[sflag:s5] =	ssyncadd.s32 @!p0 $0xFFFFFFFF  }
0xb3: {  	s25 =	simm.s32 $0x1B8E;
	s24 =	sld [smem:$0x3FFE];
	[sflag:s4] =	ssyncadd.remote.s32 @!p0 $0x1  }
0xb4: {  	s26 =	simm.s32 $execute0_lowered;
	[smem:$0x3FD2] =	sst s25  }
0xb5: {  	s5 =	sshll.u32 s26, $0x1;
	_ =	strace $0x80000049;
	[dreg:$0x1] =	wrdreg $0xFFFFFFFF  }
0xb6: {  	s28 =	simm.s32 $_size_execute0_lowered;
	s3 =	sadd.s32 s3, s5;
	[dreg:$0x0] =	wrdreg $0x0  }
0xb7: {  	s5 =	sshll.u32 s28, $0x1;
	[dreg:$0x2] =	wrdreg s3  }
0xb8: {  	[dreg:$0x3] =	wrdreg s5  }
0xb9: {  	[dreg:$0x4] =	wrdreg $0xC0  }
0xba: {  	_ =	task [dreg:s22], $0x5FFFF  }
0xbb: {  	[dreg:$0x1] =	wrdreg $0xFFFFFFFF  }
0xbc: {  	[dreg:$0x0] =	wrdreg $0x60  }
0xbd: {  	[dreg:$0x2] =	wrdreg s24  }
0xbe: {  	[dreg:$0x3] =	wrdreg $0x47900  }
0xbf: {  	[dreg:$0x4] =	wrdreg $0x9  }
0xc0: {  	_ =	task.clear_ibuf [dreg:s22], $0x5FFFF;
	_ =	strace $0x90000049  }
0xc1: {  	s29 =	simm.s32 $0x9;
	_ =	strace $0x8000004B  }
0xc2: {  	_ =	swait.ge [sflag:s29], $0x1  }
0xc3: {  	[sflag:s29] =	ssyncadd.s32 $0xFFFFFFFF  }
0xc4: {  	_ =	strace $0x9000004B  }
0xc5: {  	_ =	sfence  }
0xc6: {  	s30 =	sld [smem:$0x0];
	_ =	sdelay $0x2  }
0xc7: {  	s31 =	sshll.u32 s1, $0xD;
	s1 =	sshrl.u32 s1, $0x2  }
0xc8: {  	s4 =	sand.u32 $0x4000, s31;
	s1 =	sadd.s32 s1, s30  }
0xc9: {  	s0 =	sor.u32 s4, s0;
	s1 =	sshll.u32 s1, $0x11  }
0xca: {  	s0 =	sor.u32 s1, s0  }
0xcb: {  	s0 =	sadd.s32 $0x8F2B, s0  }
0xcc: {  	[sflag:s0] =	ssyncadd.remote.s32 $0x1  }
0xcd: {  	_ =	sfence.sel $0xFFFF  }
0xce: {  	[dreg:$0x0] =	wrdreg $0xFFFFFFFF;
	(pc) =	sbr.abs _section_cstart, $3  }
0xcf: {  	[dreg:$0x1] =	wrdreg $0xFFFFFFFF  }
0xd0: {  	_ =	task.clear_ibuf [dreg:s22], $0x2FFFF;
	_ =	strace $0x9FFFFFFF  }
0xd1: {  	(tm) =	ssettm $0x7FFFFFFF  }
tec
execute0_lowered:
.L_overlay_start_1:
0x0: {  	(tag) =	ssettag $0x1  }
0x1: {  	s1 =	rddreg [dreg:$0x0]  }
0x2: {  	s0 =	srdreg.scid;
	s7 =	rddreg [dreg:$0x1]  }
0x3: {  	s6 =	stileid.u32;
	s10 =	rddreg [dreg:$0x2];
	s2 =	simm.s32 $0x0  }
0x4: {  	s25 =	simm.s32 $0x320;
	s12 =	simm.s32 $0x7D0;
	s13 =	simm.s32 $0x960  }
0x5: {  	s14 =	simm.s32 $0xAF0;
	s15 =	simm.s32 $0xC80;
	s16 =	simm.s32 $0xE10  }
0x6: {  	s17 =	simm.s32 $0xFA0;
	s18 =	simm.s32 $0x1130;
	s19 =	simm.s32 $0x12C0  }
0x7: {  	s20 =	simm.s32 $0x1450;
	s21 =	simm.s32 $0x15E0;
	s22 =	simm.s32 $0x1770  }
0x8: {  	s23 =	simm.s32 $0x1900;
	s24 =	simm.s32 $0x1A90;
	p0 =	por $0x0, $0x0  }
0x9: {  	s28 =	simm.s32 $0x1F40;
	s29 =	simm.s32 $0x20D0;
	s30 =	simm.s32 $0x2260  }
0xa: {  	s31 =	simm.s32 $0x23F0;
	s0 =	sand.u32 $0x1, s0;
	[smem:$0x7FF] =	sst s2  }
0xb: {  	s4 =	sadd.s32 $0x51400, s1;
	s5 =	smul.u32 $0x280, s6;
	s8 =	sadd.s32 $0x51800, s1  }
0xc: {  	s3 =	sshll.u32 s0, $0x4;
	_ =	strace $0x8000004A;
	[dreg:$0x3] =	wrdreg s4  }
0xd: {  	s26 =	ssub.s32 $0x2, s0;
	s0 =	smul.u32 $0x2800, s0;
	[dreg:$0x4] =	wrdreg s8  }
0xe: {  	[dreg:$0x7] =	wrdreg s25;
	s3 =	sor.u32 s6, s3;
	s6 =	smul.u32 $0x5000, s6  }
0xf: {  	s25 =	simm.s32 $0x1C20;
	s9 =	sshrl.u32 s26, $0x1;
	s3 =	smul.u32 $0x4E2, s3  }
0x10: {  	s8 =	ssub.s32 s26, s9;
	s26 =	simm.s32 $0x4B0;
	s9 =	sshrl.u32 s6, $0x2  }
0x11: {  	s11 =	smax.u32 s8, $0x1;
	s8 =	simm.s32 $0x2710;
	[dreg:$0x8] =	wrdreg s26  }
0x12: {  	s26 =	simm.s32 $0x1DB0;
	s6 =	simm.s32 $0x1;
	p1 =	sne.s32 s11, $0x1  }
.Ltmp0:
0x13: {  	s3 =	sadd.s32 s3, s1;
	s1 =	sadd.s32 s5, s1;
	(pc) =	sbr.rel @!p1 .LBB2_1-.Ltmp0, $4  }
0x14: {  	s4 =	sadd.s32 s9, s7;
	s5 =	simm.s32 $0x3390;
	s9 =	simm.s32 $0x190  }
0x15: {  	s3 =	sadd.s32 $0x1800, s3;
	s0 =	sadd.s32 s0, s1;
	s1 =	rddreg [dreg:$0x3]  }
0x16: {  	[dreg:$0x5] =	wrdreg s3;
	s0 =	sadd.s32 $0x51A00, s0;
	s3 =	simm.s32 $0x2  }
0x17: {  	[dreg:$0x6] =	wrdreg s0;
	s0 =	sadd.s32 $0xFFFFFFFF, s11;
	s11 =	simm.s32 $0x2580  }
0x18: {  	[tilespmem:s5], [sflag:$0x2] =	stream.linear.gather [hbm4b:s1+s2], $0x1400, $0x38;
	[tilespmem:$0x5B90] =	vst v63  }
0x19: {  	_ =	swait.ge [sflag:s3], $0x1400  }
0x1a: {  	[sflag:s3] =	ssyncset.done $0x0  }
0x1b: {  	[sflag:s3] =	ssyncadd.s32 $0xFFFFEC00  }
0x1c: {  	[spmem:s4] =	stream.linear.scatter [tilespmem:s5], [sflag:$0x2], $0x1400, $0x38;
	[tilespmem:$0x5B90] =	vst v63  }
0x1d: {  	_ =	swait.ge [sflag:s3], $0x1400  }
0x1e: {  	[sflag:s3] =	ssyncset.done $0x0  }
0x1f: {  	s10 =	rddreg [dreg:$0x4];
	[sflag:s3] =	ssyncadd.s32 $0xFFFFEC00  }
0x20: {  	[tilespmem:s8], [sflag:$0x2] =	stream.linear.gather [hbm4b:s10+s2], $0xC80, $0x38;
	[tilespmem:$0x5B90] =	vst v63  }
0x21: {  	_ =	swait.ge [sflag:s3], $0xC80  }
0x22: {  	[sflag:s3] =	ssyncset.done $0x0  }
0x23: {  	s10 =	rddreg [dreg:$0x5];
	[sflag:s3] =	ssyncadd.s32 $0xFFFFF380  }
0x24: {  	[tilespmem:s2], [sflag:$0x2] =	stream.linear.gather [hbm4b:s10+s2], $0x2710, $0x38;
	[tilespmem:$0x5B90] =	vst v63  }
0x25: {  	_ =	swait.ge [sflag:s3], $0x2710  }
0x26: {  	[sflag:s3] =	ssyncset.done $0x0  }
0x27: {  	[sflag:s3] =	ssyncadd.s32 $0xFFFFD8F0  }
0x28: {  	[bflag:$0x0] =	sbarrier.arrive $0xFFFF  }
0x29: {  	[spmem:s7] =	stream.indirect.scatter.add.f32 [tilespmem:s8], [sflag:$0x1], $0x8, s2, s9, $0xb8;
	[tilespmem:$0x5B90] =	vst v63  }
0x2a: {  	_ = 	snop  }
0x2b: {  	[spmem:s7] =	stream.indirect.scatter.add.f32 [tilespmem:s8], [sflag:$0x1], $0x8, s9, s9, $0xb8;
	[tilespmem:$0x5B90] =	vst v63  }
0x2c: {  	s1 =	rddreg [dreg:$0x7]  }
0x2d: {  	[spmem:s7] =	stream.indirect.scatter.add.f32 [tilespmem:s8], [sflag:$0x1], $0x8, s1, s9, $0xb8;
	[tilespmem:$0x5B90] =	vst v63  }
0x2e: {  	s10 =	smov.u32 s0;
	s0 =	rddreg [dreg:$0x8]  }
0x2f: {  	[spmem:s7] =	stream.indirect.scatter.add.f32 [tilespmem:s8], [sflag:$0x1], $0x8, s0, s9, $0xb8;
	[tilespmem:$0x5B90] =	vst v63  }
0x30: {  	s1 =	simm.s32 $0x640  }
0x31: {  	[spmem:s7] =	stream.indirect.scatter.add.f32 [tilespmem:s8], [sflag:$0x1], $0x8, s1, s9, $0xb8;
	[tilespmem:$0x5B90] =	vst v63  }
0x32: {  	_ = 	snop  }
0x33: {  	[spmem:s7] =	stream.indirect.scatter.add.f32 [tilespmem:s8], [sflag:$0x1], $0x8, s12, s9, $0xb8;
	[tilespmem:$0x5B90] =	vst v63  }
0x34: {  	_ = 	snop  }
0x35: {  	[spmem:s7] =	stream.indirect.scatter.add.f32 [tilespmem:s8], [sflag:$0x1], $0x8, s13, s9, $0xb8;
	[tilespmem:$0x5B90] =	vst v63  }
0x36: {  	_ = 	snop  }
0x37: {  	[spmem:s7] =	stream.indirect.scatter.add.f32 [tilespmem:s8], [sflag:$0x1], $0x8, s14, s9, $0xb8;
	[tilespmem:$0x5B90] =	vst v63  }
0x38: {  	_ = 	snop  }
0x39: {  	[spmem:s7] =	stream.indirect.scatter.add.f32 [tilespmem:s8], [sflag:$0x1], $0x8, s15, s9, $0xb8;
	[tilespmem:$0x5B90] =	vst v63  }
0x3a: {  	_ = 	snop  }
0x3b: {  	[spmem:s7] =	stream.indirect.scatter.add.f32 [tilespmem:s8], [sflag:$0x1], $0x8, s16, s9, $0xb8;
	[tilespmem:$0x5B90] =	vst v63  }
0x3c: {  	_ = 	snop  }
0x3d: {  	[spmem:s7] =	stream.indirect.scatter.add.f32 [tilespmem:s8], [sflag:$0x1], $0x8, s17, s9, $0xb8;
	[tilespmem:$0x5B90] =	vst v63  }
0x3e: {  	_ = 	snop  }
0x3f: {  	[spmem:s7] =	stream.indirect.scatter.add.f32 [tilespmem:s8], [sflag:$0x1], $0x8, s18, s9, $0xb8;
	[tilespmem:$0x5B90] =	vst v63  }
0x40: {  	_ = 	snop  }
0x41: {  	[spmem:s7] =	stream.indirect.scatter.add.f32 [tilespmem:s8], [sflag:$0x1], $0x8, s19, s9, $0xb8;
	[tilespmem:$0x5B90] =	vst v63  }
0x42: {  	_ = 	snop  }
0x43: {  	[spmem:s7] =	stream.indirect.scatter.add.f32 [tilespmem:s8], [sflag:$0x1], $0x8, s20, s9, $0xb8;
	[tilespmem:$0x5B90] =	vst v63  }
0x44: {  	_ = 	snop  }
0x45: {  	[spmem:s7] =	stream.indirect.scatter.add.f32 [tilespmem:s8], [sflag:$0x1], $0x8, s21, s9, $0xb8;
	[tilespmem:$0x5B90] =	vst v63  }
0x46: {  	_ = 	snop  }
0x47: {  	[spmem:s7] =	stream.indirect.scatter.add.f32 [tilespmem:s8], [sflag:$0x1], $0x8, s22, s9, $0xb8;
	[tilespmem:$0x5B90] =	vst v63  }
0x48: {  	_ = 	snop  }
0x49: {  	[spmem:s7] =	stream.indirect.scatter.add.f32 [tilespmem:s8], [sflag:$0x1], $0x8, s23, s9, $0xb8;
	[tilespmem:$0x5B90] =	vst v63  }
0x4a: {  	_ = 	snop  }
0x4b: {  	[spmem:s7] =	stream.indirect.scatter.add.f32 [tilespmem:s8], [sflag:$0x1], $0x8, s24, s9, $0xb8;
	[tilespmem:$0x5B90] =	vst v63  }
0x4c: {  	_ = 	snop  }
0x4d: {  	[spmem:s7] =	stream.indirect.scatter.add.f32 [tilespmem:s8], [sflag:$0x1], $0x8, s25, s9, $0xb8;
	[tilespmem:$0x5B90] =	vst v63  }
0x4e: {  	_ = 	snop  }
0x4f: {  	[spmem:s7] =	stream.indirect.scatter.add.f32 [tilespmem:s8], [sflag:$0x1], $0x8, s26, s9, $0xb8;
	[tilespmem:$0x5B90] =	vst v63  }
0x50: {  	_ = 	snop  }
0x51: {  	[spmem:s7] =	stream.indirect.scatter.add.f32 [tilespmem:s8], [sflag:$0x1], $0x8, s28, s9, $0xb8;
	[tilespmem:$0x5B90] =	vst v63  }
0x52: {  	_ = 	snop  }
0x53: {  	[spmem:s7] =	stream.indirect.scatter.add.f32 [tilespmem:s8], [sflag:$0x1], $0x8, s29, s9, $0xb8;
	[tilespmem:$0x5B90] =	vst v63  }
0x54: {  	_ = 	snop  }
0x55: {  	[spmem:s7] =	stream.indirect.scatter.add.f32 [tilespmem:s8], [sflag:$0x1], $0x8, s30, s9, $0xb8;
	[tilespmem:$0x5B90] =	vst v63  }
0x56: {  	_ = 	snop  }
0x57: {  	[spmem:s7] =	stream.indirect.scatter.add.f32 [tilespmem:s8], [sflag:$0x1], $0x8, s31, s9, $0xb8;
	[tilespmem:$0x5B90] =	vst v63  }
0x58: {  	_ = 	snop  }
0x59: {  	[spmem:s7] =	stream.indirect.scatter.add.f32 [tilespmem:s8], [sflag:$0x1], $0x8, s11, s9, $0xb8;
	[tilespmem:$0x5B90] =	vst v63  }
0x5a: {  	_ =	swait.ge [sflag:s6], $0xC80  }
0x5b: {  	[sflag:s6] =	ssyncset.done $0x0  }
0x5c: {  	[sflag:s6] =	ssyncadd.s32 $0xFFFFF380  }
0x5d: {  	_ =	swait.ge [sflag:s6], $0xC80  }
0x5e: {  	[sflag:s6] =	ssyncset.done $0x0  }
0x5f: {  	[sflag:s6] =	ssyncadd.s32 $0xFFFFF380  }
0x60: {  	_ =	swait.ge [sflag:s6], $0xC80  }
0x61: {  	[sflag:s6] =	ssyncset.done $0x0  }
0x62: {  	[sflag:s6] =	ssyncadd.s32 $0xFFFFF380  }
0x63: {  	_ =	swait.ge [sflag:s6], $0xC80  }
0x64: {  	[sflag:s6] =	ssyncset.done $0x0  }
0x65: {  	[sflag:s6] =	ssyncadd.s32 $0xFFFFF380  }
0x66: {  	_ =	swait.ge [sflag:s6], $0xC80  }
0x67: {  	[sflag:s6] =	ssyncset.done $0x0  }
0x68: {  	[sflag:s6] =	ssyncadd.s32 $0xFFFFF380  }
0x69: {  	_ =	swait.ge [sflag:s6], $0xC80  }
0x6a: {  	[sflag:s6] =	ssyncset.done $0x0  }
0x6b: {  	[sflag:s6] =	ssyncadd.s32 $0xFFFFF380  }
0x6c: {  	_ =	swait.ge [sflag:s6], $0xC80  }
0x6d: {  	[sflag:s6] =	ssyncset.done $0x0  }
0x6e: {  	[sflag:s6] =	ssyncadd.s32 $0xFFFFF380  }
0x6f: {  	_ =	swait.ge [sflag:s6], $0xC80  }
0x70: {  	[sflag:s6] =	ssyncset.done $0x0  }
0x71: {  	[sflag:s6] =	ssyncadd.s32 $0xFFFFF380  }
0x72: {  	_ =	swait.ge [sflag:s6], $0xC80  }
0x73: {  	[sflag:s6] =	ssyncset.done $0x0  }
0x74: {  	[sflag:s6] =	ssyncadd.s32 $0xFFFFF380  }
0x75: {  	_ =	swait.ge [sflag:s6], $0xC80  }
0x76: {  	[sflag:s6] =	ssyncset.done $0x0  }
0x77: {  	[sflag:s6] =	ssyncadd.s32 $0xFFFFF380  }
0x78: {  	_ =	swait.ge [sflag:s6], $0xC80  }
0x79: {  	[sflag:s6] =	ssyncset.done $0x0  }
0x7a: {  	[sflag:s6] =	ssyncadd.s32 $0xFFFFF380  }
0x7b: {  	_ =	swait.ge [sflag:s6], $0xC80  }
0x7c: {  	[sflag:s6] =	ssyncset.done $0x0  }
0x7d: {  	[sflag:s6] =	ssyncadd.s32 $0xFFFFF380  }
0x7e: {  	_ =	swait.ge [sflag:s6], $0xC80  }
0x7f: {  	[sflag:s6] =	ssyncset.done $0x0  }
0x80: {  	[sflag:s6] =	ssyncadd.s32 $0xFFFFF380  }
0x81: {  	_ =	swait.ge [sflag:s6], $0xC80  }
0x82: {  	[sflag:s6] =	ssyncset.done $0x0  }
0x83: {  	[sflag:s6] =	ssyncadd.s32 $0xFFFFF380  }
0x84: {  	_ =	swait.ge [sflag:s6], $0xC80  }
0x85: {  	[sflag:s6] =	ssyncset.done $0x0  }
0x86: {  	[sflag:s6] =	ssyncadd.s32 $0xFFFFF380  }
0x87: {  	_ =	swait.ge [sflag:s6], $0xC80  }
0x88: {  	[sflag:s6] =	ssyncset.done $0x0  }
0x89: {  	[sflag:s6] =	ssyncadd.s32 $0xFFFFF380  }
0x8a: {  	_ =	swait.ge [sflag:s6], $0xC80  }
0x8b: {  	[sflag:s6] =	ssyncset.done $0x0  }
0x8c: {  	[sflag:s6] =	ssyncadd.s32 $0xFFFFF380  }
0x8d: {  	_ =	swait.ge [sflag:s6], $0xC80  }
0x8e: {  	[sflag:s6] =	ssyncset.done $0x0  }
0x8f: {  	[sflag:s6] =	ssyncadd.s32 $0xFFFFF380  }
0x90: {  	_ =	swait.ge [sflag:s6], $0xC80  }
0x91: {  	[sflag:s6] =	ssyncset.done $0x0  }
0x92: {  	[sflag:s6] =	ssyncadd.s32 $0xFFFFF380  }
0x93: {  	_ =	swait.ge [sflag:s6], $0xC80  }
0x94: {  	[sflag:s6] =	ssyncset.done $0x0  }
0x95: {  	[sflag:s6] =	ssyncadd.s32 $0xFFFFF380  }
0x96: {  	_ =	swait.ge [sflag:s6], $0xC80  }
0x97: {  	[sflag:s6] =	ssyncset.done $0x0  }
0x98: {  	[sflag:s6] =	ssyncadd.s32 $0xFFFFF380  }
0x99: {  	_ =	swait.ge [sflag:s6], $0xC80  }
0x9a: {  	[sflag:s6] =	ssyncset.done $0x0  }
0x9b: {  	[sflag:s6] =	ssyncadd.s32 $0xFFFFF380  }
0x9c: {  	_ =	swait.ge [sflag:s6], $0xC80  }
0x9d: {  	[sflag:s6] =	ssyncset.done $0x0  }
0x9e: {  	[sflag:s6] =	ssyncadd.s32 $0xFFFFF380  }
0x9f: {  	_ =	swait.ge [sflag:s6], $0xC80  }
0xa0: {  	[sflag:s6] =	ssyncset.done $0x0  }
0xa1: {  	[sflag:s6] =	ssyncadd.s32 $0xFFFFF380  }
0xa2: {  	_ =	swait.ge [sflag:s6], $0xC80  }
0xa3: {  	[sflag:s6] =	ssyncset.done $0x0  }
0xa4: {  	[sflag:s6] =	ssyncadd.s32 $0xFFFFF380  }
0xa5: {  	[bflag:$0x0] =	sbarrier.arrive $0xFFFF  }
0xa6: {  	[tilespmem:s5], [sflag:$0x2] =	stream.linear.gather [spmem:s4], $0x1400, $0x38;
	[tilespmem:$0x5B90] =	vst v63  }
0xa7: {  	p1 =	sne.s32 s10, $0x1;
	_ =	swait.ge [sflag:s3], $0x1400  }
.Ltmp1:
0xa8: {  	[sflag:s3] =	ssyncset.done $0x0;
	(pc) =	sbr.rel @!p1 .LBB2_3-.Ltmp1, $4  }
0xa9: {  	s1 =	rddreg [dreg:$0x6];
	[sflag:s3] =	ssyncadd.s32 $0xFFFFEC00  }
0xaa: {  	[hbm4b:s1+s2] =	stream.linear.scatter [tilespmem:s5], [sflag:$0x2], $0x1400, $0x38;
	[tilespmem:$0x5B90] =	vst v63  }
0xab: {  	p0 =	por $0x1, $0x1;
	_ =	swait.ge [sflag:s3], $0x1400  }
0xac: {  	s0 =	sadd.s32 $0xFFFFFFFF, s10;
	s1 =	rddreg [dreg:$0x3];
	[sflag:s3] =	ssyncset.done $0x0  }
.LBB2_4:
0xad: {  	[sflag:s3] =	ssyncadd.s32 $0xFFFFEC00  }
0xae: {  	[tilespmem:s5], [sflag:$0x2] =	stream.linear.gather [hbm4b:s1+s2], $0x1400, $0x38;
	[tilespmem:$0x5B90] =	vst v63  }
0xaf: {  	_ =	swait.ge [sflag:s3], $0x1400  }
0xb0: {  	[sflag:s3] =	ssyncset.done $0x0  }
0xb1: {  	[sflag:s3] =	ssyncadd.s32 $0xFFFFEC00  }
0xb2: {  	[spmem:s4] =	stream.linear.scatter [tilespmem:s5], [sflag:$0x2], $0x1400, $0x38;
	[tilespmem:$0x5B90] =	vst v63  }
0xb3: {  	_ =	swait.ge [sflag:s3], $0x1400  }
0xb4: {  	[sflag:s3] =	ssyncset.done $0x0  }
0xb5: {  	s10 =	rddreg [dreg:$0x4];
	[sflag:s3] =	ssyncadd.s32 $0xFFFFEC00  }
0xb6: {  	[tilespmem:s8], [sflag:$0x2] =	stream.linear.gather [hbm4b:s10+s2], $0xC80, $0x38;
	[tilespmem:$0x5B90] =	vst v63  }
0xb7: {  	_ =	swait.ge [sflag:s3], $0xC80  }
0xb8: {  	[sflag:s3] =	ssyncset.done $0x0  }
0xb9: {  	s10 =	rddreg [dreg:$0x5];
	[sflag:s3] =	ssyncadd.s32 $0xFFFFF380  }
0xba: {  	[tilespmem:s2], [sflag:$0x2] =	stream.linear.gather [hbm4b:s10+s2], $0x2710, $0x38;
	[tilespmem:$0x5B90] =	vst v63  }
0xbb: {  	_ =	swait.ge [sflag:s3], $0x2710  }
0xbc: {  	[sflag:s3] =	ssyncset.done $0x0  }
0xbd: {  	[sflag:s3] =	ssyncadd.s32 $0xFFFFD8F0  }
0xbe: {  	[bflag:$0x0] =	sbarrier.arrive $0xFFFF  }
0xbf: {  	[spmem:s7] =	stream.indirect.scatter.add.f32 [tilespmem:s8], [sflag:$0x1], $0x8, s2, s9, $0xb8;
	[tilespmem:$0x5B90] =	vst v63  }
0xc0: {  	_ = 	snop  }
0xc1: {  	[spmem:s7] =	stream.indirect.scatter.add.f32 [tilespmem:s8], [sflag:$0x1], $0x8, s9, s9, $0xb8;
	[tilespmem:$0x5B90] =	vst v63  }
0xc2: {  	s1 =	rddreg [dreg:$0x7]  }
0xc3: {  	[spmem:s7] =	stream.indirect.scatter.add.f32 [tilespmem:s8], [sflag:$0x1], $0x8, s1, s9, $0xb8;
	[tilespmem:$0x5B90] =	vst v63  }
0xc4: {  	s10 =	rddreg [dreg:$0x8]  }
0xc5: {  	[spmem:s7] =	stream.indirect.scatter.add.f32 [tilespmem:s8], [sflag:$0x1], $0x8, s10, s9, $0xb8;
	[tilespmem:$0x5B90] =	vst v63  }
0xc6: {  	s10 =	simm.s32 $0x640  }
0xc7: {  	[spmem:s7] =	stream.indirect.scatter.add.f32 [tilespmem:s8], [sflag:$0x1], $0x8, s10, s9, $0xb8;
	[tilespmem:$0x5B90] =	vst v63  }
0xc8: {  	_ = 	snop  }
0xc9: {  	[spmem:s7] =	stream.indirect.scatter.add.f32 [tilespmem:s8], [sflag:$0x1], $0x8, s12, s9, $0xb8;
	[tilespmem:$0x5B90] =	vst v63  }
0xca: {  	_ = 	snop  }
0xcb: {  	[spmem:s7] =	stream.indirect.scatter.add.f32 [tilespmem:s8], [sflag:$0x1], $0x8, s13, s9, $0xb8;
	[tilespmem:$0x5B90] =	vst v63  }
0xcc: {  	_ = 	snop  }
0xcd: {  	[spmem:s7] =	stream.indirect.scatter.add.f32 [tilespmem:s8], [sflag:$0x1], $0x8, s14, s9, $0xb8;
	[tilespmem:$0x5B90] =	vst v63  }
0xce: {  	_ = 	snop  }
0xcf: {  	[spmem:s7] =	stream.indirect.scatter.add.f32 [tilespmem:s8], [sflag:$0x1], $0x8, s15, s9, $0xb8;
	[tilespmem:$0x5B90] =	vst v63  }
0xd0: {  	_ = 	snop  }
0xd1: {  	[spmem:s7] =	stream.indirect.scatter.add.f32 [tilespmem:s8], [sflag:$0x1], $0x8, s16, s9, $0xb8;
	[tilespmem:$0x5B90] =	vst v63  }
0xd2: {  	_ = 	snop  }
0xd3: {  	[spmem:s7] =	stream.indirect.scatter.add.f32 [tilespmem:s8], [sflag:$0x1], $0x8, s17, s9, $0xb8;
	[tilespmem:$0x5B90] =	vst v63  }
0xd4: {  	_ = 	snop  }
0xd5: {  	[spmem:s7] =	stream.indirect.scatter.add.f32 [tilespmem:s8], [sflag:$0x1], $0x8, s18, s9, $0xb8;
	[tilespmem:$0x5B90] =	vst v63  }
0xd6: {  	_ = 	snop  }
0xd7: {  	[spmem:s7] =	stream.indirect.scatter.add.f32 [tilespmem:s8], [sflag:$0x1], $0x8, s19, s9, $0xb8;
	[tilespmem:$0x5B90] =	vst v63  }
0xd8: {  	_ = 	snop  }
0xd9: {  	[spmem:s7] =	stream.indirect.scatter.add.f32 [tilespmem:s8], [sflag:$0x1], $0x8, s20, s9, $0xb8;
	[tilespmem:$0x5B90] =	vst v63  }
0xda: {  	_ = 	snop  }
0xdb: {  	[spmem:s7] =	stream.indirect.scatter.add.f32 [tilespmem:s8], [sflag:$0x1], $0x8, s21, s9, $0xb8;
	[tilespmem:$0x5B90] =	vst v63  }
0xdc: {  	_ = 	snop  }
0xdd: {  	[spmem:s7] =	stream.indirect.scatter.add.f32 [tilespmem:s8], [sflag:$0x1], $0x8, s22, s9, $0xb8;
	[tilespmem:$0x5B90] =	vst v63  }
0xde: {  	_ = 	snop  }
0xdf: {  	[spmem:s7] =	stream.indirect.scatter.add.f32 [tilespmem:s8], [sflag:$0x1], $0x8, s23, s9, $0xb8;
	[tilespmem:$0x5B90] =	vst v63  }
0xe0: {  	_ = 	snop  }
0xe1: {  	[spmem:s7] =	stream.indirect.scatter.add.f32 [tilespmem:s8], [sflag:$0x1], $0x8, s24, s9, $0xb8;
	[tilespmem:$0x5B90] =	vst v63  }
0xe2: {  	_ = 	snop  }
0xe3: {  	[spmem:s7] =	stream.indirect.scatter.add.f32 [tilespmem:s8], [sflag:$0x1], $0x8, s25, s9, $0xb8;
	[tilespmem:$0x5B90] =	vst v63  }
0xe4: {  	_ = 	snop  }
0xe5: {  	[spmem:s7] =	stream.indirect.scatter.add.f32 [tilespmem:s8], [sflag:$0x1], $0x8, s26, s9, $0xb8;
	[tilespmem:$0x5B90] =	vst v63  }
0xe6: {  	_ = 	snop  }
0xe7: {  	[spmem:s7] =	stream.indirect.scatter.add.f32 [tilespmem:s8], [sflag:$0x1], $0x8, s28, s9, $0xb8;
	[tilespmem:$0x5B90] =	vst v63  }
0xe8: {  	_ = 	snop  }
0xe9: {  	[spmem:s7] =	stream.indirect.scatter.add.f32 [tilespmem:s8], [sflag:$0x1], $0x8, s29, s9, $0xb8;
	[tilespmem:$0x5B90] =	vst v63  }
0xea: {  	_ = 	snop  }
0xeb: {  	[spmem:s7] =	stream.indirect.scatter.add.f32 [tilespmem:s8], [sflag:$0x1], $0x8, s30, s9, $0xb8;
	[tilespmem:$0x5B90] =	vst v63  }
0xec: {  	_ = 	snop  }
0xed: {  	[spmem:s7] =	stream.indirect.scatter.add.f32 [tilespmem:s8], [sflag:$0x1], $0x8, s31, s9, $0xb8;
	[tilespmem:$0x5B90] =	vst v63  }
0xee: {  	_ = 	snop  }
0xef: {  	[spmem:s7] =	stream.indirect.scatter.add.f32 [tilespmem:s8], [sflag:$0x1], $0x8, s11, s9, $0xb8;
	[tilespmem:$0x5B90] =	vst v63  }
0xf0: {  	_ =	swait.ge [sflag:s6], $0xC80  }
0xf1: {  	[sflag:s6] =	ssyncset.done $0x0  }
0xf2: {  	[sflag:s6] =	ssyncadd.s32 $0xFFFFF380  }
0xf3: {  	_ =	swait.ge [sflag:s6], $0xC80  }
0xf4: {  	[sflag:s6] =	ssyncset.done $0x0  }
0xf5: {  	[sflag:s6] =	ssyncadd.s32 $0xFFFFF380  }
0xf6: {  	_ =	swait.ge [sflag:s6], $0xC80  }
0xf7: {  	[sflag:s6] =	ssyncset.done $0x0  }
0xf8: {  	[sflag:s6] =	ssyncadd.s32 $0xFFFFF380  }
0xf9: {  	_ =	swait.ge [sflag:s6], $0xC80  }
0xfa: {  	[sflag:s6] =	ssyncset.done $0x0  }
0xfb: {  	[sflag:s6] =	ssyncadd.s32 $0xFFFFF380  }
0xfc: {  	_ =	swait.ge [sflag:s6], $0xC80  }
0xfd: {  	[sflag:s6] =	ssyncset.done $0x0  }
0xfe: {  	[sflag:s6] =	ssyncadd.s32 $0xFFFFF380  }
0xff: {  	_ =	swait.ge [sflag:s6], $0xC80  }
0x100: {  	[sflag:s6] =	ssyncset.done $0x0  }
0x101: {  	[sflag:s6] =	ssyncadd.s32 $0xFFFFF380  }
0x102: {  	_ =	swait.ge [sflag:s6], $0xC80  }
0x103: {  	[sflag:s6] =	ssyncset.done $0x0  }
0x104: {  	[sflag:s6] =	ssyncadd.s32 $0xFFFFF380  }
0x105: {  	_ =	swait.ge [sflag:s6], $0xC80  }
0x106: {  	[sflag:s6] =	ssyncset.done $0x0  }
0x107: {  	[sflag:s6] =	ssyncadd.s32 $0xFFFFF380  }
0x108: {  	_ =	swait.ge [sflag:s6], $0xC80  }
0x109: {  	[sflag:s6] =	ssyncset.done $0x0  }
0x10a: {  	[sflag:s6] =	ssyncadd.s32 $0xFFFFF380  }
0x10b: {  	_ =	swait.ge [sflag:s6], $0xC80  }
0x10c: {  	[sflag:s6] =	ssyncset.done $0x0  }
0x10d: {  	[sflag:s6] =	ssyncadd.s32 $0xFFFFF380  }
0x10e: {  	_ =	swait.ge [sflag:s6], $0xC80  }
0x10f: {  	[sflag:s6] =	ssyncset.done $0x0  }
0x110: {  	[sflag:s6] =	ssyncadd.s32 $0xFFFFF380  }
0x111: {  	_ =	swait.ge [sflag:s6], $0xC80  }
0x112: {  	[sflag:s6] =	ssyncset.done $0x0  }
0x113: {  	[sflag:s6] =	ssyncadd.s32 $0xFFFFF380  }
0x114: {  	_ =	swait.ge [sflag:s6], $0xC80  }
0x115: {  	[sflag:s6] =	ssyncset.done $0x0  }
0x116: {  	[sflag:s6] =	ssyncadd.s32 $0xFFFFF380  }
0x117: {  	_ =	swait.ge [sflag:s6], $0xC80  }
0x118: {  	[sflag:s6] =	ssyncset.done $0x0  }
0x119: {  	[sflag:s6] =	ssyncadd.s32 $0xFFFFF380  }
0x11a: {  	_ =	swait.ge [sflag:s6], $0xC80  }
0x11b: {  	[sflag:s6] =	ssyncset.done $0x0  }
0x11c: {  	[sflag:s6] =	ssyncadd.s32 $0xFFFFF380  }
0x11d: {  	_ =	swait.ge [sflag:s6], $0xC80  }
0x11e: {  	[sflag:s6] =	ssyncset.done $0x0  }
0x11f: {  	[sflag:s6] =	ssyncadd.s32 $0xFFFFF380  }
0x120: {  	_ =	swait.ge [sflag:s6], $0xC80  }
0x121: {  	[sflag:s6] =	ssyncset.done $0x0  }
0x122: {  	[sflag:s6] =	ssyncadd.s32 $0xFFFFF380  }
0x123: {  	_ =	swait.ge [sflag:s6], $0xC80  }
0x124: {  	[sflag:s6] =	ssyncset.done $0x0  }
0x125: {  	[sflag:s6] =	ssyncadd.s32 $0xFFFFF380  }
0x126: {  	_ =	swait.ge [sflag:s6], $0xC80  }
0x127: {  	[sflag:s6] =	ssyncset.done $0x0  }
0x128: {  	[sflag:s6] =	ssyncadd.s32 $0xFFFFF380  }
0x129: {  	_ =	swait.ge [sflag:s6], $0xC80  }
0x12a: {  	[sflag:s6] =	ssyncset.done $0x0  }
0x12b: {  	[sflag:s6] =	ssyncadd.s32 $0xFFFFF380  }
0x12c: {  	_ =	swait.ge [sflag:s6], $0xC80  }
0x12d: {  	[sflag:s6] =	ssyncset.done $0x0  }
0x12e: {  	[sflag:s6] =	ssyncadd.s32 $0xFFFFF380  }
0x12f: {  	_ =	swait.ge [sflag:s6], $0xC80  }
0x130: {  	[sflag:s6] =	ssyncset.done $0x0  }
0x131: {  	[sflag:s6] =	ssyncadd.s32 $0xFFFFF380  }
0x132: {  	_ =	swait.ge [sflag:s6], $0xC80  }
0x133: {  	[sflag:s6] =	ssyncset.done $0x0  }
0x134: {  	[sflag:s6] =	ssyncadd.s32 $0xFFFFF380  }
0x135: {  	_ =	swait.ge [sflag:s6], $0xC80  }
0x136: {  	[sflag:s6] =	ssyncset.done $0x0  }
0x137: {  	[sflag:s6] =	ssyncadd.s32 $0xFFFFF380  }
0x138: {  	_ =	swait.ge [sflag:s6], $0xC80  }
0x139: {  	[sflag:s6] =	ssyncset.done $0x0  }
0x13a: {  	[sflag:s6] =	ssyncadd.s32 $0xFFFFF380  }
0x13b: {  	[bflag:$0x0] =	sbarrier.arrive $0xFFFF  }
0x13c: {  	[tilespmem:s5], [sflag:$0x2] =	stream.linear.gather [spmem:s4], $0x1400, $0x38;
	[tilespmem:$0x5B90] =	vst v63  }
0x13d: {  	p1 =	sne.s32 s0, $0x1;
	_ =	swait.ge [sflag:s3], $0x1400  }
.Ltmp2:
0x13e: {  	[sflag:s3] =	ssyncset.done $0x0;
	(pc) =	sbr.rel @p1 .LBB2_4-.Ltmp2, $4  }
0x13f: {  	s10 =	rddreg [dreg:$0x6];
	[sflag:s3] =	ssyncadd.s32 $0xFFFFEC00  }
0x140: {  	[hbm4b:s10+s2] =	stream.linear.scatter [tilespmem:s5], [sflag:$0x2], $0x1400, $0x38;
	[tilespmem:$0x5B90] =	vst v63  }
0x141: {  	_ =	swait.ge [sflag:s3], $0x1400  }
0x142: {  	s0 =	sadd.s32 $0xFFFFFFFF, s0;
	s1 =	rddreg [dreg:$0x3];
	[sflag:s3] =	ssyncset.done $0x0  }
0x143: {  	s31 =	simm.s32 $0x23F0;
	s30 =	simm.s32 $0x2260;
	s29 =	simm.s32 $0x20D0  }
0x144: {  	s28 =	simm.s32 $0x1F40;
	s26 =	simm.s32 $0x1DB0;
	s25 =	simm.s32 $0x1C20  }
0x145: {  	s24 =	simm.s32 $0x1A90;
	s23 =	simm.s32 $0x1900;
	s22 =	simm.s32 $0x1770  }
0x146: {  	s21 =	simm.s32 $0x15E0;
	s20 =	simm.s32 $0x1450;
	s19 =	simm.s32 $0x12C0  }
0x147: {  	s18 =	simm.s32 $0x1130;
	s17 =	simm.s32 $0xFA0;
	s16 =	simm.s32 $0xE10  }
0x148: {  	s15 =	simm.s32 $0xC80;
	s14 =	simm.s32 $0xAF0;
	s13 =	simm.s32 $0x960  }
0x149: {  	s12 =	simm.s32 $0x7D0;
	s11 =	simm.s32 $0x640;
	s10 =	rddreg [dreg:$0x2]  }
.LBB2_6:
0x14a: {  	[sflag:s3] =	ssyncadd.s32 @p0 $0xFFFFEC00  }
0x14b: {  	[tilespmem:s5], [sflag:$0x2] =	stream.linear.gather [hbm4b:s1+s2], $0x1400, $0x38;
	[tilespmem:$0x5B90] =	vst v63  }
0x14c: {  	_ =	swait.ge [sflag:s3], $0x1400  }
0x14d: {  	[sflag:s3] =	ssyncset.done $0x0  }
0x14e: {  	[sflag:s3] =	ssyncadd.s32 $0xFFFFEC00  }
0x14f: {  	[spmem:s4] =	stream.linear.scatter [tilespmem:s5], [sflag:$0x2], $0x1400, $0x38;
	[tilespmem:$0x5B90] =	vst v63  }
0x150: {  	_ =	swait.ge [sflag:s3], $0x1400  }
0x151: {  	[sflag:s3] =	ssyncset.done $0x0  }
0x152: {  	s0 =	rddreg [dreg:$0x4];
	[sflag:s3] =	ssyncadd.s32 $0xFFFFEC00  }
0x153: {  	[tilespmem:s8], [sflag:$0x2] =	stream.linear.gather [hbm4b:s0+s2], $0xC80, $0x38;
	[tilespmem:$0x5B90] =	vst v63  }
0x154: {  	_ =	swait.ge [sflag:s3], $0xC80  }
0x155: {  	[sflag:s3] =	ssyncset.done $0x0  }
0x156: {  	s1 =	rddreg [dreg:$0x5];
	[sflag:s3] =	ssyncadd.s32 $0xFFFFF380  }
0x157: {  	[tilespmem:s2], [sflag:$0x2] =	stream.linear.gather [hbm4b:s1+s2], $0x2710, $0x38;
	[tilespmem:$0x5B90] =	vst v63  }
0x158: {  	_ =	swait.ge [sflag:s3], $0x2710  }
0x159: {  	[sflag:s3] =	ssyncset.done $0x0  }
0x15a: {  	[sflag:s3] =	ssyncadd.s32 $0xFFFFD8F0  }
0x15b: {  	[bflag:$0x0] =	sbarrier.arrive $0xFFFF  }
0x15c: {  	[spmem:s7] =	stream.indirect.scatter.add.f32 [tilespmem:s8], [sflag:$0x1], $0x8, s2, s9, $0xb8;
	[tilespmem:$0x5B90] =	vst v63  }
0x15d: {  	_ = 	snop  }
0x15e: {  	[spmem:s7] =	stream.indirect.scatter.add.f32 [tilespmem:s8], [sflag:$0x1], $0x8, s9, s9, $0xb8;
	[tilespmem:$0x5B90] =	vst v63  }
0x15f: {  	s0 =	rddreg [dreg:$0x7]  }
0x160: {  	[spmem:s7] =	stream.indirect.scatter.add.f32 [tilespmem:s8], [sflag:$0x1], $0x8, s0, s9, $0xb8;
	[tilespmem:$0x5B90] =	vst v63  }
0x161: {  	s1 =	rddreg [dreg:$0x8]  }
0x162: {  	[spmem:s7] =	stream.indirect.scatter.add.f32 [tilespmem:s8], [sflag:$0x1], $0x8, s1, s9, $0xb8;
	[tilespmem:$0x5B90] =	vst v63  }
0x163: {  	_ = 	snop  }
0x164: {  	[spmem:s7] =	stream.indirect.scatter.add.f32 [tilespmem:s8], [sflag:$0x1], $0x8, s11, s9, $0xb8;
	[tilespmem:$0x5B90] =	vst v63  }
0x165: {  	_ = 	snop  }
0x166: {  	[spmem:s7] =	stream.indirect.scatter.add.f32 [tilespmem:s8], [sflag:$0x1], $0x8, s12, s9, $0xb8;
	[tilespmem:$0x5B90] =	vst v63  }
0x167: {  	_ = 	snop  }
0x168: {  	[spmem:s7] =	stream.indirect.scatter.add.f32 [tilespmem:s8], [sflag:$0x1], $0x8, s13, s9, $0xb8;
	[tilespmem:$0x5B90] =	vst v63  }
0x169: {  	_ = 	snop  }
0x16a: {  	[spmem:s7] =	stream.indirect.scatter.add.f32 [tilespmem:s8], [sflag:$0x1], $0x8, s14, s9, $0xb8;
	[tilespmem:$0x5B90] =	vst v63  }
0x16b: {  	_ = 	snop  }
0x16c: {  	[spmem:s7] =	stream.indirect.scatter.add.f32 [tilespmem:s8], [sflag:$0x1], $0x8, s15, s9, $0xb8;
	[tilespmem:$0x5B90] =	vst v63  }
0x16d: {  	_ = 	snop  }
0x16e: {  	[spmem:s7] =	stream.indirect.scatter.add.f32 [tilespmem:s8], [sflag:$0x1], $0x8, s16, s9, $0xb8;
	[tilespmem:$0x5B90] =	vst v63  }
0x16f: {  	_ = 	snop  }
0x170: {  	[spmem:s7] =	stream.indirect.scatter.add.f32 [tilespmem:s8], [sflag:$0x1], $0x8, s17, s9, $0xb8;
	[tilespmem:$0x5B90] =	vst v63  }
0x171: {  	_ = 	snop  }
0x172: {  	[spmem:s7] =	stream.indirect.scatter.add.f32 [tilespmem:s8], [sflag:$0x1], $0x8, s18, s9, $0xb8;
	[tilespmem:$0x5B90] =	vst v63  }
0x173: {  	_ = 	snop  }
0x174: {  	[spmem:s7] =	stream.indirect.scatter.add.f32 [tilespmem:s8], [sflag:$0x1], $0x8, s19, s9, $0xb8;
	[tilespmem:$0x5B90] =	vst v63  }
0x175: {  	_ = 	snop  }
0x176: {  	[spmem:s7] =	stream.indirect.scatter.add.f32 [tilespmem:s8], [sflag:$0x1], $0x8, s20, s9, $0xb8;
	[tilespmem:$0x5B90] =	vst v63  }
0x177: {  	_ = 	snop  }
0x178: {  	[spmem:s7] =	stream.indirect.scatter.add.f32 [tilespmem:s8], [sflag:$0x1], $0x8, s21, s9, $0xb8;
	[tilespmem:$0x5B90] =	vst v63  }
0x179: {  	_ = 	snop  }
0x17a: {  	[spmem:s7] =	stream.indirect.scatter.add.f32 [tilespmem:s8], [sflag:$0x1], $0x8, s22, s9, $0xb8;
	[tilespmem:$0x5B90] =	vst v63  }
0x17b: {  	_ = 	snop  }
0x17c: {  	[spmem:s7] =	stream.indirect.scatter.add.f32 [tilespmem:s8], [sflag:$0x1], $0x8, s23, s9, $0xb8;
	[tilespmem:$0x5B90] =	vst v63  }
0x17d: {  	_ = 	snop  }
0x17e: {  	[spmem:s7] =	stream.indirect.scatter.add.f32 [tilespmem:s8], [sflag:$0x1], $0x8, s24, s9, $0xb8;
	[tilespmem:$0x5B90] =	vst v63  }
0x17f: {  	_ = 	snop  }
0x180: {  	[spmem:s7] =	stream.indirect.scatter.add.f32 [tilespmem:s8], [sflag:$0x1], $0x8, s25, s9, $0xb8;
	[tilespmem:$0x5B90] =	vst v63  }
0x181: {  	_ = 	snop  }
0x182: {  	[spmem:s7] =	stream.indirect.scatter.add.f32 [tilespmem:s8], [sflag:$0x1], $0x8, s26, s9, $0xb8;
	[tilespmem:$0x5B90] =	vst v63  }
0x183: {  	_ = 	snop  }
0x184: {  	[spmem:s7] =	stream.indirect.scatter.add.f32 [tilespmem:s8], [sflag:$0x1], $0x8, s28, s9, $0xb8;
	[tilespmem:$0x5B90] =	vst v63  }
0x185: {  	_ = 	snop  }
0x186: {  	[spmem:s7] =	stream.indirect.scatter.add.f32 [tilespmem:s8], [sflag:$0x1], $0x8, s29, s9, $0xb8;
	[tilespmem:$0x5B90] =	vst v63  }
0x187: {  	_ = 	snop  }
0x188: {  	[spmem:s7] =	stream.indirect.scatter.add.f32 [tilespmem:s8], [sflag:$0x1], $0x8, s30, s9, $0xb8;
	[tilespmem:$0x5B90] =	vst v63  }
0x189: {  	_ = 	snop  }
0x18a: {  	[spmem:s7] =	stream.indirect.scatter.add.f32 [tilespmem:s8], [sflag:$0x1], $0x8, s31, s9, $0xb8;
	[tilespmem:$0x5B90] =	vst v63  }
0x18b: {  	s29 =	simm.s32 $0x2580  }
0x18c: {  	[spmem:s7] =	stream.indirect.scatter.add.f32 [tilespmem:s8], [sflag:$0x1], $0x8, s29, s9, $0xb8;
	[tilespmem:$0x5B90] =	vst v63  }
0x18d: {  	_ =	swait.ge [sflag:s6], $0xC80  }
0x18e: {  	[sflag:s6] =	ssyncset.done $0x0  }
0x18f: {  	[sflag:s6] =	ssyncadd.s32 $0xFFFFF380  }
0x190: {  	_ =	swait.ge [sflag:s6], $0xC80  }
0x191: {  	[sflag:s6] =	ssyncset.done $0x0  }
0x192: {  	[sflag:s6] =	ssyncadd.s32 $0xFFFFF380  }
0x193: {  	_ =	swait.ge [sflag:s6], $0xC80  }
0x194: {  	[sflag:s6] =	ssyncset.done $0x0  }
0x195: {  	[sflag:s6] =	ssyncadd.s32 $0xFFFFF380  }
0x196: {  	_ =	swait.ge [sflag:s6], $0xC80  }
0x197: {  	[sflag:s6] =	ssyncset.done $0x0  }
0x198: {  	[sflag:s6] =	ssyncadd.s32 $0xFFFFF380  }
0x199: {  	_ =	swait.ge [sflag:s6], $0xC80  }
0x19a: {  	[sflag:s6] =	ssyncset.done $0x0  }
0x19b: {  	[sflag:s6] =	ssyncadd.s32 $0xFFFFF380  }
0x19c: {  	_ =	swait.ge [sflag:s6], $0xC80  }
0x19d: {  	[sflag:s6] =	ssyncset.done $0x0  }
0x19e: {  	[sflag:s6] =	ssyncadd.s32 $0xFFFFF380  }
0x19f: {  	_ =	swait.ge [sflag:s6], $0xC80  }
0x1a0: {  	[sflag:s6] =	ssyncset.done $0x0  }
0x1a1: {  	[sflag:s6] =	ssyncadd.s32 $0xFFFFF380  }
0x1a2: {  	_ =	swait.ge [sflag:s6], $0xC80  }
0x1a3: {  	[sflag:s6] =	ssyncset.done $0x0  }
0x1a4: {  	[sflag:s6] =	ssyncadd.s32 $0xFFFFF380  }
0x1a5: {  	_ =	swait.ge [sflag:s6], $0xC80  }
0x1a6: {  	[sflag:s6] =	ssyncset.done $0x0  }
0x1a7: {  	[sflag:s6] =	ssyncadd.s32 $0xFFFFF380  }
0x1a8: {  	_ =	swait.ge [sflag:s6], $0xC80  }
0x1a9: {  	[sflag:s6] =	ssyncset.done $0x0  }
0x1aa: {  	[sflag:s6] =	ssyncadd.s32 $0xFFFFF380  }
0x1ab: {  	_ =	swait.ge [sflag:s6], $0xC80  }
0x1ac: {  	[sflag:s6] =	ssyncset.done $0x0  }
0x1ad: {  	[sflag:s6] =	ssyncadd.s32 $0xFFFFF380  }
0x1ae: {  	_ =	swait.ge [sflag:s6], $0xC80  }
0x1af: {  	[sflag:s6] =	ssyncset.done $0x0  }
0x1b0: {  	[sflag:s6] =	ssyncadd.s32 $0xFFFFF380  }
0x1b1: {  	_ =	swait.ge [sflag:s6], $0xC80  }
0x1b2: {  	[sflag:s6] =	ssyncset.done $0x0  }
0x1b3: {  	[sflag:s6] =	ssyncadd.s32 $0xFFFFF380  }
0x1b4: {  	_ =	swait.ge [sflag:s6], $0xC80  }
0x1b5: {  	[sflag:s6] =	ssyncset.done $0x0  }
0x1b6: {  	[sflag:s6] =	ssyncadd.s32 $0xFFFFF380  }
0x1b7: {  	_ =	swait.ge [sflag:s6], $0xC80  }
0x1b8: {  	[sflag:s6] =	ssyncset.done $0x0  }
0x1b9: {  	[sflag:s6] =	ssyncadd.s32 $0xFFFFF380  }
0x1ba: {  	_ =	swait.ge [sflag:s6], $0xC80  }
0x1bb: {  	[sflag:s6] =	ssyncset.done $0x0  }
0x1bc: {  	[sflag:s6] =	ssyncadd.s32 $0xFFFFF380  }
0x1bd: {  	_ =	swait.ge [sflag:s6], $0xC80  }
0x1be: {  	[sflag:s6] =	ssyncset.done $0x0  }
0x1bf: {  	[sflag:s6] =	ssyncadd.s32 $0xFFFFF380  }
0x1c0: {  	_ =	swait.ge [sflag:s6], $0xC80  }
0x1c1: {  	[sflag:s6] =	ssyncset.done $0x0  }
0x1c2: {  	[sflag:s6] =	ssyncadd.s32 $0xFFFFF380  }
0x1c3: {  	_ =	swait.ge [sflag:s6], $0xC80  }
0x1c4: {  	[sflag:s6] =	ssyncset.done $0x0  }
0x1c5: {  	[sflag:s6] =	ssyncadd.s32 $0xFFFFF380  }
0x1c6: {  	_ =	swait.ge [sflag:s6], $0xC80  }
0x1c7: {  	[sflag:s6] =	ssyncset.done $0x0  }
0x1c8: {  	[sflag:s6] =	ssyncadd.s32 $0xFFFFF380  }
0x1c9: {  	_ =	swait.ge [sflag:s6], $0xC80  }
0x1ca: {  	[sflag:s6] =	ssyncset.done $0x0  }
0x1cb: {  	[sflag:s6] =	ssyncadd.s32 $0xFFFFF380  }
0x1cc: {  	_ =	swait.ge [sflag:s6], $0xC80  }
0x1cd: {  	[sflag:s6] =	ssyncset.done $0x0  }
0x1ce: {  	[sflag:s6] =	ssyncadd.s32 $0xFFFFF380  }
0x1cf: {  	_ =	swait.ge [sflag:s6], $0xC80  }
0x1d0: {  	[sflag:s6] =	ssyncset.done $0x0  }
0x1d1: {  	[sflag:s6] =	ssyncadd.s32 $0xFFFFF380  }
0x1d2: {  	_ =	swait.ge [sflag:s6], $0xC80  }
0x1d3: {  	[sflag:s6] =	ssyncset.done $0x0  }
0x1d4: {  	[sflag:s6] =	ssyncadd.s32 $0xFFFFF380  }
0x1d5: {  	_ =	swait.ge [sflag:s6], $0xC80  }
0x1d6: {  	[sflag:s6] =	ssyncset.done $0x0  }
0x1d7: {  	[sflag:s6] =	ssyncadd.s32 $0xFFFFF380  }
0x1d8: {  	[bflag:$0x0] =	sbarrier.arrive $0xFFFF  }
0x1d9: {  	[tilespmem:s5], [sflag:$0x2] =	stream.linear.gather [spmem:s4], $0x1400, $0x38;
	[tilespmem:$0x5B90] =	vst v63  }
0x1da: {  	_ =	swait.ge [sflag:s3], $0x1400  }
0x1db: {  	[sflag:s3] =	ssyncset.done $0x0  }
0x1dc: {  	s30 =	rddreg [dreg:$0x6];
	[sflag:s3] =	ssyncadd.s32 $0xFFFFEC00  }
0x1dd: {  	[hbm4b:s30+s2] =	stream.linear.scatter [tilespmem:s5], [sflag:$0x2], $0x1400, $0x38;
	[tilespmem:$0x5B90] =	vst v63  }
0x1de: {  	_ =	swait.ge [sflag:s3], $0x1400  }
0x1df: {  	[sflag:s3] =	ssyncset.done $0x0  }
0x1e0: {  	[sflag:s3] =	ssyncadd.s32 $0xFFFFEC00  }
0x1e1: {  	_ =	sfence.sel $0x180000  }
0x1e2: {  	s31 =	stileid.u32;
	[bflag:$0x0] =	sbarrier.arrive $0xFFFF  }
0x1e3: {  	p0 =	sne.s32 s31, $0x0;
	_ =	strace $0x9000004A  }
0x1e4: {  	s0 =	sadd.s32 @!p0 $0x100000, s10;
	[bflag:$0x2] =	sbarrier.arrive $0xFFFF  }
0x1e5: {  	[sflag:s0] =	ssyncadd.tile.s32 @!p0 $0x1;
	_ =	shalt  }
.LBB2_1:
0x1e6: {  	s31 =	simm.s32 $0x23F0;
	s30 =	simm.s32 $0x2260;
	s29 =	simm.s32 $0x20D0  }
0x1e7: {  	s28 =	simm.s32 $0x1F40;
	s26 =	simm.s32 $0x1DB0;
	s25 =	simm.s32 $0x1C20  }
.Ltmp3:
0x1e8: {  	s24 =	simm.s32 $0x1A90;
	s23 =	simm.s32 $0x1900;
	(pc) =	sbr.rel .LBB2_6-.Ltmp3, $4  }
0x1e9: {  	s22 =	simm.s32 $0x1770;
	s21 =	simm.s32 $0x15E0;
	s20 =	simm.s32 $0x1450  }
0x1ea: {  	s19 =	simm.s32 $0x12C0;
	s18 =	simm.s32 $0x1130;
	s17 =	simm.s32 $0xFA0  }
0x1eb: {  	s16 =	simm.s32 $0xE10;
	s15 =	simm.s32 $0xC80;
	s14 =	simm.s32 $0xAF0  }
0x1ec: {  	s13 =	simm.s32 $0x960;
	s12 =	simm.s32 $0x7D0;
	s11 =	simm.s32 $0x640  }
.LBB2_3:
0x1ed: {  	s31 =	simm.s32 $0x23F0  }
0x1ee: {  	s30 =	simm.s32 $0x2260;
	s29 =	simm.s32 $0x20D0;
	s28 =	simm.s32 $0x1F40  }
0x1ef: {  	s26 =	simm.s32 $0x1DB0;
	s25 =	simm.s32 $0x1C20;
	s24 =	simm.s32 $0x1A90  }
.Ltmp4:
0x1f0: {  	s23 =	simm.s32 $0x1900;
	s22 =	simm.s32 $0x1770;
	(pc) =	sbr.rel .LBB2_6-.Ltmp4, $4  }
0x1f1: {  	s21 =	simm.s32 $0x15E0;
	s20 =	simm.s32 $0x1450;
	s19 =	simm.s32 $0x12C0  }
0x1f2: {  	s18 =	simm.s32 $0x1130;
	s17 =	simm.s32 $0xFA0;
	s16 =	simm.s32 $0xE10  }
0x1f3: {  	s15 =	simm.s32 $0xC80;
	s14 =	simm.s32 $0xAF0;
	s13 =	simm.s32 $0x960  }
0x1f4: {  	s12 =	simm.s32 $0x7D0;
	s11 =	simm.s32 $0x640;
	s10 =	rddreg [dreg:$0x2]  }
.Lfunc_end2:
_tile_overlayer_lowered:
.L_overlay_start_2:
0x1f5: {  	(tag) =	ssettag $0x2  }
0x1f6: {  	s0 =	rddreg [dreg:$0x0];
	s2 =	stileid.u32  }
0x1f7: {  	s1 =	rddreg [dreg:$0x1];
	p0 =	sne.s32 s2, $0x0  }
0x1f8: {  	s3 =	rddreg [dreg:$0x2];
	[bflag:$0x3] =	sbarrier.arrive $0xFFFF;
	s2 =	simm.s32 @!p0 $0x1C02  }
0x1f9: {  	[timem:s3], [sflag:s2] =	dma.local @!p0 [hbm:s0], s1  }
0x1fa: {  	s0 =	simm.s32 @!p0 $0x2  }
0x1fb: {  	_ =	swait.ge @!p0 [sflag:s0], s1  }
0x1fc: {  	s1 =	ssub.s32 @!p0 $0x0, s1;
	[sflag:s0] =	ssyncset.done @!p0 $0x0  }
0x1fd: {  	[sflag:s0] =	ssyncadd.s32 @!p0 s1  }
0x1fe: {  	[bflag:$0x3] =	sbarrier.arrive $0xFFFF  }
0x1ff: {  	_ =	shalt  }

</sc_bundles>
